<compile_context>
chip_gen: v7x
topology: tpu7x:2x2x1
jax: 0.10.2.dev20260603
libtpu: 0.0.44.dev20260713+nightly
codegen_flags: <defaults>
</compile_context>

<pallas_src>
import functools

import jax
import jax.numpy as jnp
from jax import lax
from jax.experimental import pallas as pl
from jax.experimental.pallas import tpu as pltpu
from jax.experimental.pallas import tpu_sc as plsc

_N = 10000
_E = 320000
_D = 128
_CH = 128
_NCHUNK = _E // _CH
_NP = 10112
_NROWCH = _NP // _CH
_NC = 2
_NS = 16
_NW = _NC * _NS


def _sc_mesh():
    return plsc.VectorSubcoreMesh(
        core_axis_name="c", subcore_axis_name="s", num_cores=_NC, num_subcores=_NS
    )


@functools.partial(
    pl.kernel,
    out_type=jax.ShapeDtypeStruct((_NC, _NP), jnp.float32),
    mesh=_sc_mesh(),
    scratch_types=[
        pltpu.VMEM((_CH,), jnp.int32),
        pltpu.VMEM((_CH,), jnp.float32),
        pltpu.VMEM((_CH,), jnp.float32),
        pltpu.VMEM_SHARED((_NP,), jnp.float32),
    ],
)
def _sc_degree(col_hbm, out_hbm, col_v, ones_v, zero_v, accum):
    cid = lax.axis_index("c")
    sid = lax.axis_index("s")
    wid = cid * _NS + sid
    for j in range(_CH // 16):
        ones_v[pl.ds(j * 16, 16)] = jnp.ones((16,), jnp.float32)
        zero_v[pl.ds(j * 16, 16)] = jnp.zeros((16,), jnp.float32)
    for k in range(5):
        c = sid + k * _NS

        @pl.when(c < _NROWCH)
        def _():
            pltpu.sync_copy(zero_v, accum.at[pl.ds(c * _CH, _CH)])

    plsc.subcore_barrier()

    def body(k, carry):
        c = wid + k * _NW

        @pl.when(c < _NCHUNK)
        def _():
            pltpu.sync_copy(col_hbm.at[pl.ds(c * _CH, _CH)], col_v)
            pltpu.sync_copy(ones_v, accum.at[col_v], add=True)

        return carry

    lax.fori_loop(0, (_NCHUNK + _NW - 1) // _NW, body, 0)
    plsc.subcore_barrier()
    for k in range(5):
        c = sid + k * _NS

        @pl.when(c < _NROWCH)
        def _():
            pltpu.sync_copy(
                accum.at[pl.ds(c * _CH, _CH)], out_hbm.at[cid, pl.ds(c * _CH, _CH)]
            )


@functools.partial(
    pl.kernel,
    out_type=jax.ShapeDtypeStruct((_NC, _NP, _D), jnp.float32),
    mesh=_sc_mesh(),
    scratch_types=[
        pltpu.VMEM((_CH,), jnp.int32),
        pltpu.VMEM((_CH,), jnp.int32),
        pltpu.VMEM((_CH, _D), jnp.float32),
        pltpu.VMEM_SHARED((_NP, _D), jnp.float32),
        pltpu.SemaphoreType.DMA,
    ],
)
def _sc_agg(hs_hbm, row_hbm, col_hbm, out_hbm, row_v, col_v, rows_v, accum, sem):
    cid = lax.axis_index("c")
    sid = lax.axis_index("s")
    wid = cid * _NS + sid

    def zbody(i, carry):
        for j in range(_D // 16):
            rows_v[i, pl.ds(j * 16, 16)] = jnp.zeros((16,), jnp.float32)
        return carry

    lax.fori_loop(0, _CH, zbody, 0)
    for k in range(5):
        c = sid + k * _NS

        @pl.when(c < _NROWCH)
        def _():
            pltpu.sync_copy(rows_v, accum.at[pl.ds(c * _CH, _CH)])

    plsc.subcore_barrier()

    def body(k, carry):
        c = wid + k * _NW

        @pl.when(c < _NCHUNK)
        def _():
            pltpu.sync_copy(row_hbm.at[pl.ds(c * _CH, _CH)], row_v)
            pltpu.async_copy(hs_hbm.at[row_v], rows_v, sem).wait()
            pltpu.sync_copy(col_hbm.at[pl.ds(c * _CH, _CH)], col_v)
            pltpu.sync_copy(rows_v, accum.at[col_v], add=True)

        return carry

    lax.fori_loop(0, (_NCHUNK + _NW - 1) // _NW, body, 0)
    plsc.subcore_barrier()
    for k in range(5):
        c = sid + k * _NS

        @pl.when(c < _NROWCH)
        def _():
            pltpu.sync_copy(
                accum.at[pl.ds(c * _CH, _CH)], out_hbm.at[cid, pl.ds(c * _CH, _CH)]
            )


_BN = 1000


def _tc_first_body(dp_ref, x_ref, wt_ref, dis_ref, hs_ref):
    d = jnp.sum(dp_ref[...], axis=1, keepdims=True) + 1.0
    dis = lax.rsqrt(d)
    h = jnp.dot(
        x_ref[...], wt_ref[...],
        preferred_element_type=jnp.float32,
        precision=lax.Precision.HIGHEST,
    )
    dis_ref[...] = dis
    hs_ref[...] = h * dis


def _tc_first(degp_t, x, w1t):
    return pl.pallas_call(
        _tc_first_body,
        grid=(_N // _BN,),
        in_specs=[
            pl.BlockSpec((_BN, 2), lambda i: (i, 0)),
            pl.BlockSpec((_BN, _D), lambda i: (i, 0)),
            pl.BlockSpec((_D, _D), lambda i: (0, 0)),
        ],
        out_specs=[
            pl.BlockSpec((_BN, 1), lambda i: (i, 0)),
            pl.BlockSpec((_BN, _D), lambda i: (i, 0)),
        ],
        out_shape=[
            jax.ShapeDtypeStruct((_N, 1), jnp.float32),
            jax.ShapeDtypeStruct((_N, _D), jnp.float32),
        ],
    )(degp_t, x, w1t)


def _tc_mid_body(p_ref, hs_ref, dis_ref, b_ref, wt_ref, out_ref):
    pblk = p_ref[...]
    agg = pblk[0] + pblk[1] + hs_ref[...]
    dis = dis_ref[...]
    o = agg * dis + b_ref[...]
    a = jnp.maximum(o, 0.0)
    h2 = jnp.dot(
        a, wt_ref[...],
        preferred_element_type=jnp.float32,
        precision=lax.Precision.HIGHEST,
    )
    out_ref[...] = h2 * dis


def _tc_mid(p, hs, dis, b, wt):
    return pl.pallas_call(
        _tc_mid_body,
        grid=(_N // _BN,),
        in_specs=[
            pl.BlockSpec((_NC, _BN, _D), lambda i: (0, i, 0)),
            pl.BlockSpec((_BN, _D), lambda i: (i, 0)),
            pl.BlockSpec((_BN, 1), lambda i: (i, 0)),
            pl.BlockSpec((1, _D), lambda i: (0, 0)),
            pl.BlockSpec((_D, _D), lambda i: (0, 0)),
        ],
        out_specs=pl.BlockSpec((_BN, _D), lambda i: (i, 0)),
        out_shape=jax.ShapeDtypeStruct((_N, _D), jnp.float32),
    )(p, hs, dis, b, wt)


def _tc_last_body(p_ref, hs_ref, dis_ref, b_ref, out_ref):
    pblk = p_ref[...]
    agg = pblk[0] + pblk[1] + hs_ref[...]
    out_ref[...] = agg * dis_ref[...] + b_ref[...]


def _tc_last(p, hs, dis, b):
    return pl.pallas_call(
        _tc_last_body,
        grid=(_N // _BN,),
        in_specs=[
            pl.BlockSpec((_NC, _BN, _D), lambda i: (0, i, 0)),
            pl.BlockSpec((_BN, _D), lambda i: (i, 0)),
            pl.BlockSpec((_BN, 1), lambda i: (i, 0)),
            pl.BlockSpec((1, _D), lambda i: (0, 0)),
        ],
        out_specs=pl.BlockSpec((_BN, _D), lambda i: (i, 0)),
        out_shape=jax.ShapeDtypeStruct((_N, _D), jnp.float32),
    )(p, hs, dis, b)


def kernel(x, edge_index, W1, b1, W2, b2, W3, b3):
    row = edge_index[0]
    col = edge_index[1]
    degp = _sc_degree(col)
    dis, hs1 = _tc_first(degp.T, x, W1.T)
    p = _sc_agg(hs1, row, col)
    hs2 = _tc_mid(p, hs1, dis, b1.reshape(1, _D), W2.T)
    p = _sc_agg(hs2, row, col)
    hs3 = _tc_mid(p, hs2, dis, b2.reshape(1, _D), W3.T)
    p = _sc_agg(hs3, row, col)
    return _tc_last(p, hs3, dis, b3.reshape(1, _D))

# --- scband reference (transcript-rebuilt; emitter-appended) ---
"""Pipeline reference for scband-employee-gcnencoder-43233140802156 (READ-ONLY COPY).

The authoritative reference and input builder live on the scoring server;
editing this copy changes nothing except your own understanding.
"""

import jax, jax.numpy as jnp
import numpy as np

N = 10000
E = 320000
D_IN = 128
H = 128


def setup_inputs(seed: int = 0) -> dict:
    key = jax.random.key(seed)
    ks = jax.random.split(key, 8)
    x = jax.random.normal(ks[0], (N, D_IN), dtype=jnp.float32)
    edge_index = jax.random.randint(ks[1], (2, E), 0, N, dtype=jnp.int32)
    def glorot(k, fan_in, fan_out):
        limit = np.sqrt(6.0 / (fan_in + fan_out)).astype(np.float32)
        return jax.random.uniform(k, (fan_out, fan_in), dtype=jnp.float32, minval=-limit, maxval=limit)
    W1 = glorot(ks[2], D_IN, H)
    b1 = jnp.zeros((H,), dtype=jnp.float32)
    W2 = glorot(ks[3], H, H)
    b2 = jnp.zeros((H,), dtype=jnp.float32)
    W3 = glorot(ks[4], H, H)
    b3 = jnp.zeros((H,), dtype=jnp.float32)
    return {"x": x, "edge_index": edge_index, "W1": W1, "b1": b1, "W2": W2, "b2": b2, "W3": W3, "b3": b3}


def _gcn_conv(x, row, col, norm, W, b, num_nodes):
    # PyG GCNConv (eval): x' = scatter_add(norm * (x W^T)[row] -> col) + b
    h = x @ W.T
    msg = h[row] * norm[:, None]
    out = jax.ops.segment_sum(msg, col, num_segments=num_nodes)
    return out + b


def reference(x, edge_index, W1, b1, W2, b2, W3, b3):
    num_nodes = x.shape[0]
    # add self-loops (GCNConv default add_self_loops=True)
    loop = jnp.arange(num_nodes, dtype=edge_index.dtype)
    row = jnp.concatenate([edge_index[0], loop])
    col = jnp.concatenate([edge_index[1], loop])
    # symmetric normalization: deg computed over target (col) with unit weights
    deg = jax.ops.segment_sum(jnp.ones_like(row, dtype=jnp.float32), col, num_segments=num_nodes)
    deg_inv_sqrt = jnp.where(deg > 0, jax.lax.rsqrt(jnp.maximum(deg, 1e-12)), 0.0)
    norm = deg_inv_sqrt[row] * deg_inv_sqrt[col]
    # layer 1
    h = _gcn_conv(x, row, col, norm, W1, b1, num_nodes)
    h = jax.nn.relu(h)
    # layer 2
    h = _gcn_conv(h, row, col, norm, W2, b2, num_nodes)
    h = jax.nn.relu(h)
    # layer 3 (no activation, eval mode so all dropout is identity)
    h = _gcn_conv(h, row, col, norm, W3, b3, num_nodes)
    return h

if __name__ == "__main__":
    import jax
    _d = setup_inputs()
    print(jax.jit(kernel)(*tuple(_d.values())))

</pallas_src>

<mosaic_0001>
#map = affine_map<(d0, d1) -> (0, 0)>
#map1 = affine_map<(d0, d1) -> (0)>
#map2 = affine_map<(d0, d1) -> (0, 0, 0)>
module attributes {stable_mosaic.version = 14 : i64} {
  func.func @_sc_agg(%arg0: i32, %arg1: i32, %arg2: memref<10000x128xf32, #tpu.memory_space<hbm>>, %arg3: memref<320000xi32, #tpu.memory_space<hbm>>, %arg4: memref<320000xi32, #tpu.memory_space<hbm>>, %arg5: memref<2x10112x128xf32, #tpu.memory_space<hbm>>, %arg6: memref<128xi32, #tpu.memory_space<vmem>>, %arg7: memref<128xi32, #tpu.memory_space<vmem>>, %arg8: memref<128x128xf32, #tpu.memory_space<vmem>>, %arg9: memref<10112x128xf32, #tpu.memory_space<vmem_shared>>, %arg10: memref<!tpu.dma_semaphore, #tpu.memory_space<semaphore_mem>>) attributes {dimension_semantics = [#tpu.dimension_semantics<core_parallel>, #tpu.dimension_semantics<subcore_parallel>], iteration_bounds = array<i64: 2, 16>, scalar_prefetch = 0 : i64, scratch_operands = 5 : i64, tpu.core_type = #tpu.core_type<sc_vector_subcore>, window_params = [{transform_indices = #map}, {transform_indices = #map1}, {transform_indices = #map1}, {transform_indices = #map2}]} {
    %mul3A = arith.constant 16 : i32
    %mul3A_0 = arith.muli %arg0, %mul3A : i32
    %add3A = arith.addi %mul3A_0, %arg1 : i32
    %scan3A = arith.constant 0 : i32
    %scan3A_1 = arith.constant 0 : i32
    %scan3A_2 = arith.constant 128 : i32
    %scan3A_3 = arith.addi %scan3A_1, %scan3A_2 : i32
    %scan3A_4 = arith.constant 1 : i32
    scf.for %scan3A_80 = %scan3A_1 to %scan3A_3 step %scan3A_4  : i32 {
      %broadcast_in_dim3A = arith.constant 0.000000e+00 : f32
      %broadcast_in_dim3A_81 = vector.broadcast %broadcast_in_dim3A : f32 to vector<16xf32>
      %swap3A = arith.index_cast %scan3A_80 : i32 to index
      %swap3A_82 = arith.constant 0 : index
      %swap3A_83 = tpu.vector_load %arg8[%swap3A, %swap3A_82] {strides = array<i32>} : memref<128x128xf32, #tpu.memory_space<vmem>>, vector<1x16xf32>,
      %swap3A_84 = vector.shape_cast %swap3A_83 : vector<1x16xf32> to vector<16xf32>
      %swap3A_85 = vector.shape_cast %broadcast_in_dim3A_81 : vector<16xf32> to vector<1x16xf32>
      tpu.vector_store %arg8[%swap3A, %swap3A_82], %swap3A_85 {strides = array<i32>} : memref<128x128xf32, #tpu.memory_space<vmem>>, vector<1x16xf32>,
      %broadcast_in_dim3A_86 = arith.constant 0.000000e+00 : f32
      %broadcast_in_dim3A_87 = vector.broadcast %broadcast_in_dim3A_86 : f32 to vector<16xf32>
      %swap3A_88 = arith.index_cast %scan3A_80 : i32 to index
      %swap3A_89 = arith.constant 16 : index
      %swap3A_90 = tpu.vector_load %arg8[%swap3A_88, %swap3A_89] {strides = array<i32>} : memref<128x128xf32, #tpu.memory_space<vmem>>, vector<1x16xf32>,
      %swap3A_91 = vector.shape_cast %swap3A_90 : vector<1x16xf32> to vector<16xf32>
      %swap3A_92 = vector.shape_cast %broadcast_in_dim3A_87 : vector<16xf32> to vector<1x16xf32>
      tpu.vector_store %arg8[%swap3A_88, %swap3A_89], %swap3A_92 {strides = array<i32>} : memref<128x128xf32, #tpu.memory_space<vmem>>, vector<1x16xf32>,
      %broadcast_in_dim3A_93 = arith.constant 0.000000e+00 : f32
      %broadcast_in_dim3A_94 = vector.broadcast %broadcast_in_dim3A_93 : f32 to vector<16xf32>
      %swap3A_95 = arith.index_cast %scan3A_80 : i32 to index
      %swap3A_96 = arith.constant 32 : index
      %swap3A_97 = tpu.vector_load %arg8[%swap3A_95, %swap3A_96] {strides = array<i32>} : memref<128x128xf32, #tpu.memory_space<vmem>>, vector<1x16xf32>,
      %swap3A_98 = vector.shape_cast %swap3A_97 : vector<1x16xf32> to vector<16xf32>
      %swap3A_99 = vector.shape_cast %broadcast_in_dim3A_94 : vector<16xf32> to vector<1x16xf32>
      tpu.vector_store %arg8[%swap3A_95, %swap3A_96], %swap3A_99 {strides = array<i32>} : memref<128x128xf32, #tpu.memory_space<vmem>>, vector<1x16xf32>,
      %broadcast_in_dim3A_100 = arith.constant 0.000000e+00 : f32
      %broadcast_in_dim3A_101 = vector.broadcast %broadcast_in_dim3A_100 : f32 to vector<16xf32>
      %swap3A_102 = arith.index_cast %scan3A_80 : i32 to index
      %swap3A_103 = arith.constant 48 : index
      %swap3A_104 = tpu.vector_load %arg8[%swap3A_102, %swap3A_103] {strides = array<i32>} : memref<128x128xf32, #tpu.memory_space<vmem>>, vector<1x16xf32>,
      %swap3A_105 = vector.shape_cast %swap3A_104 : vector<1x16xf32> to vector<16xf32>
      %swap3A_106 = vector.shape_cast %broadcast_in_dim3A_101 : vector<16xf32> to vector<1x16xf32>
      tpu.vector_store %arg8[%swap3A_102, %swap3A_103], %swap3A_106 {strides = array<i32>} : memref<128x128xf32, #tpu.memory_space<vmem>>, vector<1x16xf32>,
      %broadcast_in_dim3A_107 = arith.constant 0.000000e+00 : f32
      %broadcast_in_dim3A_108 = vector.broadcast %broadcast_in_dim3A_107 : f32 to vector<16xf32>
      %swap3A_109 = arith.index_cast %scan3A_80 : i32 to index
      %swap3A_110 = arith.constant 64 : index
      %swap3A_111 = tpu.vector_load %arg8[%swap3A_109, %swap3A_110] {strides = array<i32>} : memref<128x128xf32, #tpu.memory_space<vmem>>, vector<1x16xf32>,
      %swap3A_112 = vector.shape_cast %swap3A_111 : vector<1x16xf32> to vector<16xf32>
      %swap3A_113 = vector.shape_cast %broadcast_in_dim3A_108 : vector<16xf32> to vector<1x16xf32>
      tpu.vector_store %arg8[%swap3A_109, %swap3A_110], %swap3A_113 {strides = array<i32>} : memref<128x128xf32, #tpu.memory_space<vmem>>, vector<1x16xf32>,
      %broadcast_in_dim3A_114 = arith.constant 0.000000e+00 : f32
      %broadcast_in_dim3A_115 = vector.broadcast %broadcast_in_dim3A_114 : f32 to vector<16xf32>
      %swap3A_116 = arith.index_cast %scan3A_80 : i32 to index
      %swap3A_117 = arith.constant 80 : index
      %swap3A_118 = tpu.vector_load %arg8[%swap3A_116, %swap3A_117] {strides = array<i32>} : memref<128x128xf32, #tpu.memory_space<vmem>>, vector<1x16xf32>,
      %swap3A_119 = vector.shape_cast %swap3A_118 : vector<1x16xf32> to vector<16xf32>
      %swap3A_120 = vector.shape_cast %broadcast_in_dim3A_115 : vector<16xf32> to vector<1x16xf32>
      tpu.vector_store %arg8[%swap3A_116, %swap3A_117], %swap3A_120 {strides = array<i32>} : memref<128x128xf32, #tpu.memory_space<vmem>>, vector<1x16xf32>,
      %broadcast_in_dim3A_121 = arith.constant 0.000000e+00 : f32
      %broadcast_in_dim3A_122 = vector.broadcast %broadcast_in_dim3A_121 : f32 to vector<16xf32>
      %swap3A_123 = arith.index_cast %scan3A_80 : i32 to index
      %swap3A_124 = arith.constant 96 : index
      %swap3A_125 = tpu.vector_load %arg8[%swap3A_123, %swap3A_124] {strides = array<i32>} : memref<128x128xf32, #tpu.memory_space<vmem>>, vector<1x16xf32>,
      %swap3A_126 = vector.shape_cast %swap3A_125 : vector<1x16xf32> to vector<16xf32>
      %swap3A_127 = vector.shape_cast %broadcast_in_dim3A_122 : vector<16xf32> to vector<1x16xf32>
      tpu.vector_store %arg8[%swap3A_123, %swap3A_124], %swap3A_127 {strides = array<i32>} : memref<128x128xf32, #tpu.memory_space<vmem>>, vector<1x16xf32>,
      %broadcast_in_dim3A_128 = arith.constant 0.000000e+00 : f32
      %broadcast_in_dim3A_129 = vector.broadcast %broadcast_in_dim3A_128 : f32 to vector<16xf32>
      %swap3A_130 = arith.index_cast %scan3A_80 : i32 to index
      %swap3A_131 = arith.constant 112 : index
      %swap3A_132 = tpu.vector_load %arg8[%swap3A_130, %swap3A_131] {strides = array<i32>} : memref<128x128xf32, #tpu.memory_space<vmem>>, vector<1x16xf32>,
      %swap3A_133 = vector.shape_cast %swap3A_132 : vector<1x16xf32> to vector<16xf32>
      %swap3A_134 = vector.shape_cast %broadcast_in_dim3A_129 : vector<16xf32> to vector<1x16xf32>
      tpu.vector_store %arg8[%swap3A_130, %swap3A_131], %swap3A_134 {strides = array<i32>} : memref<128x128xf32, #tpu.memory_space<vmem>>, vector<1x16xf32>,
    }
    %scan3A_5 = arith.constant 128 : i32
    %add3A_6 = arith.constant 0 : i32
    %add3A_7 = arith.addi %arg1, %add3A_6 : i32
    %lt3A = arith.constant 79 : i32
    %lt3A_8 = arith.cmpi slt, %add3A_7, %lt3A : i32
    %convert_element_type3A = arith.extui %lt3A_8 : i1 to i32
    %cond3A = arith.constant 0 : i32
    %cond3A_9 = arith.cmpi ne, %convert_element_type3A, %cond3A : i32
    scf.if %cond3A_9 {
      %mul3A_80 = arith.constant 128 : i32
      %mul3A_81 = arith.muli %add3A_7, %mul3A_80 : i32
      "tpu.region"() ({
        %run_scoped3A = tpu.sem_alloc : memref<!tpu.dma_semaphore, #tpu.memory_space<semaphore_mem>>
        %dma_start3A = arith.constant 0 : i32
        %dma_start3A_82 = tpu.memref_slice %arg9[%mul3A_81, %dma_start3A] : memref<10112x128xf32, #tpu.memory_space<vmem_shared>> -> memref<128x128xf32, #tpu.memory_space<vmem_shared>>
        %dma_start3A_83 = arith.constant 0 : i32
        %dma_start3A_84 = tpu.memref_slice %arg9[%mul3A_81, %dma_start3A_83] : memref<10112x128xf32, #tpu.memory_space<vmem_shared>> -> memref<128x128xf32, #tpu.memory_space<vmem_shared>>
        tpu.enqueue_dma source(%arg8 : memref<128x128xf32, #tpu.memory_space<vmem>>) target(%dma_start3A_84 : memref<128x128xf32, #tpu.memory_space<vmem_shared>>) target_semaphore(%run_scoped3A : memref<!tpu.dma_semaphore, #tpu.memory_space<semaphore_mem>>)
        %dma_wait3A = arith.constant 0 : i32
        %dma_wait3A_85 = tpu.memref_slice %arg9[%mul3A_81, %dma_wait3A] : memref<10112x128xf32, #tpu.memory_space<vmem_shared>> -> memref<128x128xf32, #tpu.memory_space<vmem_shared>>
        %dma_wait3A_86 = arith.constant 0 : i32
        %dma_wait3A_87 = tpu.memref_slice %arg9[%mul3A_81, %dma_wait3A_86] : memref<10112x128xf32, #tpu.memory_space<vmem_shared>> -> memref<128x128xf32, #tpu.memory_space<vmem_shared>>
        tpu.wait_dma2 semaphore(%run_scoped3A : memref<!tpu.dma_semaphore, #tpu.memory_space<semaphore_mem>>) src(%arg8 : memref<128x128xf32, #tpu.memory_space<vmem>>) dst(%dma_wait3A_87 : memref<128x128xf32, #tpu.memory_space<vmem_shared>>)
        tpu.yield
      }) : () -> ()
    } else {
    }
    %add3A_10 = arith.constant 16 : i32
    %add3A_11 = arith.addi %arg1, %add3A_10 : i32
    %lt3A_12 = arith.constant 79 : i32
    %lt3A_13 = arith.cmpi slt, %add3A_11, %lt3A_12 : i32
    %convert_element_type3A_14 = arith.extui %lt3A_13 : i1 to i32
    %cond3A_15 = arith.constant 0 : i32
    %cond3A_16 = arith.cmpi ne, %convert_element_type3A_14, %cond3A_15 : i32
    scf.if %cond3A_16 {
      %mul3A_80 = arith.constant 128 : i32
      %mul3A_81 = arith.muli %add3A_11, %mul3A_80 : i32
      "tpu.region"() ({
        %run_scoped3A = tpu.sem_alloc : memref<!tpu.dma_semaphore, #tpu.memory_space<semaphore_mem>>
        %dma_start3A = arith.constant 0 : i32
        %dma_start3A_82 = tpu.memref_slice %arg9[%mul3A_81, %dma_start3A] : memref<10112x128xf32, #tpu.memory_space<vmem_shared>> -> memref<128x128xf32, #tpu.memory_space<vmem_shared>>
        %dma_start3A_83 = arith.constant 0 : i32
        %dma_start3A_84 = tpu.memref_slice %arg9[%mul3A_81, %dma_start3A_83] : memref<10112x128xf32, #tpu.memory_space<vmem_shared>> -> memref<128x128xf32, #tpu.memory_space<vmem_shared>>
        tpu.enqueue_dma source(%arg8 : memref<128x128xf32, #tpu.memory_space<vmem>>) target(%dma_start3A_84 : memref<128x128xf32, #tpu.memory_space<vmem_shared>>) target_semaphore(%run_scoped3A : memref<!tpu.dma_semaphore, #tpu.memory_space<semaphore_mem>>)
        %dma_wait3A = arith.constant 0 : i32
        %dma_wait3A_85 = tpu.memref_slice %arg9[%mul3A_81, %dma_wait3A] : memref<10112x128xf32, #tpu.memory_space<vmem_shared>> -> memref<128x128xf32, #tpu.memory_space<vmem_shared>>
        %dma_wait3A_86 = arith.constant 0 : i32
        %dma_wait3A_87 = tpu.memref_slice %arg9[%mul3A_81, %dma_wait3A_86] : memref<10112x128xf32, #tpu.memory_space<vmem_shared>> -> memref<128x128xf32, #tpu.memory_space<vmem_shared>>
        tpu.wait_dma2 semaphore(%run_scoped3A : memref<!tpu.dma_semaphore, #tpu.memory_space<semaphore_mem>>) src(%arg8 : memref<128x128xf32, #tpu.memory_space<vmem>>) dst(%dma_wait3A_87 : memref<128x128xf32, #tpu.memory_space<vmem_shared>>)
        tpu.yield
      }) : () -> ()
    } else {
    }
    %add3A_17 = arith.constant 32 : i32
    %add3A_18 = arith.addi %arg1, %add3A_17 : i32
    %lt3A_19 = arith.constant 79 : i32
    %lt3A_20 = arith.cmpi slt, %add3A_18, %lt3A_19 : i32
    %convert_element_type3A_21 = arith.extui %lt3A_20 : i1 to i32
    %cond3A_22 = arith.constant 0 : i32
    %cond3A_23 = arith.cmpi ne, %convert_element_type3A_21, %cond3A_22 : i32
    scf.if %cond3A_23 {
      %mul3A_80 = arith.constant 128 : i32
      %mul3A_81 = arith.muli %add3A_18, %mul3A_80 : i32
      "tpu.region"() ({
        %run_scoped3A = tpu.sem_alloc : memref<!tpu.dma_semaphore, #tpu.memory_space<semaphore_mem>>
        %dma_start3A = arith.constant 0 : i32
        %dma_start3A_82 = tpu.memref_slice %arg9[%mul3A_81, %dma_start3A] : memref<10112x128xf32, #tpu.memory_space<vmem_shared>> -> memref<128x128xf32, #tpu.memory_space<vmem_shared>>
        %dma_start3A_83 = arith.constant 0 : i32
        %dma_start3A_84 = tpu.memref_slice %arg9[%mul3A_81, %dma_start3A_83] : memref<10112x128xf32, #tpu.memory_space<vmem_shared>> -> memref<128x128xf32, #tpu.memory_space<vmem_shared>>
        tpu.enqueue_dma source(%arg8 : memref<128x128xf32, #tpu.memory_space<vmem>>) target(%dma_start3A_84 : memref<128x128xf32, #tpu.memory_space<vmem_shared>>) target_semaphore(%run_scoped3A : memref<!tpu.dma_semaphore, #tpu.memory_space<semaphore_mem>>)
        %dma_wait3A = arith.constant 0 : i32
        %dma_wait3A_85 = tpu.memref_slice %arg9[%mul3A_81, %dma_wait3A] : memref<10112x128xf32, #tpu.memory_space<vmem_shared>> -> memref<128x128xf32, #tpu.memory_space<vmem_shared>>
        %dma_wait3A_86 = arith.constant 0 : i32
        %dma_wait3A_87 = tpu.memref_slice %arg9[%mul3A_81, %dma_wait3A_86] : memref<10112x128xf32, #tpu.memory_space<vmem_shared>> -> memref<128x128xf32, #tpu.memory_space<vmem_shared>>
        tpu.wait_dma2 semaphore(%run_scoped3A : memref<!tpu.dma_semaphore, #tpu.memory_space<semaphore_mem>>) src(%arg8 : memref<128x128xf32, #tpu.memory_space<vmem>>) dst(%dma_wait3A_87 : memref<128x128xf32, #tpu.memory_space<vmem_shared>>)
        tpu.yield
      }) : () -> ()
    } else {
    }
    %add3A_24 = arith.constant 48 : i32
    %add3A_25 = arith.addi %arg1, %add3A_24 : i32
    %lt3A_26 = arith.constant 79 : i32
    %lt3A_27 = arith.cmpi slt, %add3A_25, %lt3A_26 : i32
    %convert_element_type3A_28 = arith.extui %lt3A_27 : i1 to i32
    %cond3A_29 = arith.constant 0 : i32
    %cond3A_30 = arith.cmpi ne, %convert_element_type3A_28, %cond3A_29 : i32
    scf.if %cond3A_30 {
      %mul3A_80 = arith.constant 128 : i32
      %mul3A_81 = arith.muli %add3A_25, %mul3A_80 : i32
      "tpu.region"() ({
        %run_scoped3A = tpu.sem_alloc : memref<!tpu.dma_semaphore, #tpu.memory_space<semaphore_mem>>
        %dma_start3A = arith.constant 0 : i32
        %dma_start3A_82 = tpu.memref_slice %arg9[%mul3A_81, %dma_start3A] : memref<10112x128xf32, #tpu.memory_space<vmem_shared>> -> memref<128x128xf32, #tpu.memory_space<vmem_shared>>
        %dma_start3A_83 = arith.constant 0 : i32
        %dma_start3A_84 = tpu.memref_slice %arg9[%mul3A_81, %dma_start3A_83] : memref<10112x128xf32, #tpu.memory_space<vmem_shared>> -> memref<128x128xf32, #tpu.memory_space<vmem_shared>>
        tpu.enqueue_dma source(%arg8 : memref<128x128xf32, #tpu.memory_space<vmem>>) target(%dma_start3A_84 : memref<128x128xf32, #tpu.memory_space<vmem_shared>>) target_semaphore(%run_scoped3A : memref<!tpu.dma_semaphore, #tpu.memory_space<semaphore_mem>>)
        %dma_wait3A = arith.constant 0 : i32
        %dma_wait3A_85 = tpu.memref_slice %arg9[%mul3A_81, %dma_wait3A] : memref<10112x128xf32, #tpu.memory_space<vmem_shared>> -> memref<128x128xf32, #tpu.memory_space<vmem_shared>>
        %dma_wait3A_86 = arith.constant 0 : i32
        %dma_wait3A_87 = tpu.memref_slice %arg9[%mul3A_81, %dma_wait3A_86] : memref<10112x128xf32, #tpu.memory_space<vmem_shared>> -> memref<128x128xf32, #tpu.memory_space<vmem_shared>>
        tpu.wait_dma2 semaphore(%run_scoped3A : memref<!tpu.dma_semaphore, #tpu.memory_space<semaphore_mem>>) src(%arg8 : memref<128x128xf32, #tpu.memory_space<vmem>>) dst(%dma_wait3A_87 : memref<128x128xf32, #tpu.memory_space<vmem_shared>>)
        tpu.yield
      }) : () -> ()
    } else {
    }
    %add3A_31 = arith.constant 64 : i32
    %add3A_32 = arith.addi %arg1, %add3A_31 : i32
    %lt3A_33 = arith.constant 79 : i32
    %lt3A_34 = arith.cmpi slt, %add3A_32, %lt3A_33 : i32
    %convert_element_type3A_35 = arith.extui %lt3A_34 : i1 to i32
    %cond3A_36 = arith.constant 0 : i32
    %cond3A_37 = arith.cmpi ne, %convert_element_type3A_35, %cond3A_36 : i32
    scf.if %cond3A_37 {
      %mul3A_80 = arith.constant 128 : i32
      %mul3A_81 = arith.muli %add3A_32, %mul3A_80 : i32
      "tpu.region"() ({
        %run_scoped3A = tpu.sem_alloc : memref<!tpu.dma_semaphore, #tpu.memory_space<semaphore_mem>>
        %dma_start3A = arith.constant 0 : i32
        %dma_start3A_82 = tpu.memref_slice %arg9[%mul3A_81, %dma_start3A] : memref<10112x128xf32, #tpu.memory_space<vmem_shared>> -> memref<128x128xf32, #tpu.memory_space<vmem_shared>>
        %dma_start3A_83 = arith.constant 0 : i32
        %dma_start3A_84 = tpu.memref_slice %arg9[%mul3A_81, %dma_start3A_83] : memref<10112x128xf32, #tpu.memory_space<vmem_shared>> -> memref<128x128xf32, #tpu.memory_space<vmem_shared>>
        tpu.enqueue_dma source(%arg8 : memref<128x128xf32, #tpu.memory_space<vmem>>) target(%dma_start3A_84 : memref<128x128xf32, #tpu.memory_space<vmem_shared>>) target_semaphore(%run_scoped3A : memref<!tpu.dma_semaphore, #tpu.memory_space<semaphore_mem>>)
        %dma_wait3A = arith.constant 0 : i32
        %dma_wait3A_85 = tpu.memref_slice %arg9[%mul3A_81, %dma_wait3A] : memref<10112x128xf32, #tpu.memory_space<vmem_shared>> -> memref<128x128xf32, #tpu.memory_space<vmem_shared>>
        %dma_wait3A_86 = arith.constant 0 : i32
        %dma_wait3A_87 = tpu.memref_slice %arg9[%mul3A_81, %dma_wait3A_86] : memref<10112x128xf32, #tpu.memory_space<vmem_shared>> -> memref<128x128xf32, #tpu.memory_space<vmem_shared>>
        tpu.wait_dma2 semaphore(%run_scoped3A : memref<!tpu.dma_semaphore, #tpu.memory_space<semaphore_mem>>) src(%arg8 : memref<128x128xf32, #tpu.memory_space<vmem>>) dst(%dma_wait3A_87 : memref<128x128xf32, #tpu.memory_space<vmem_shared>>)
        tpu.yield
      }) : () -> ()
    } else {
    }
    %barrier3A = arith.constant 0 : index
    tpu.barrier barrier_id(%barrier3A)
    %scan3A_38 = arith.constant 0 : i32
    %scan3A_39 = arith.constant 0 : i32
    %scan3A_40 = arith.constant 79 : i32
    %scan3A_41 = arith.addi %scan3A_39, %scan3A_40 : i32
    %scan3A_42 = arith.constant 1 : i32
    scf.for %scan3A_80 = %scan3A_39 to %scan3A_41 step %scan3A_42  : i32 {
      %mul3A_81 = arith.constant 32 : i32
      %mul3A_82 = arith.muli %scan3A_80, %mul3A_81 : i32
      %add3A_83 = arith.addi %add3A, %mul3A_82 : i32
      %lt3A_84 = arith.constant 2500 : i32
      %lt3A_85 = arith.cmpi slt, %add3A_83, %lt3A_84 : i32
      %convert_element_type3A_86 = arith.extui %lt3A_85 : i1 to i32
      %cond3A_87 = arith.constant 0 : i32
      %cond3A_88 = arith.cmpi ne, %convert_element_type3A_86, %cond3A_87 : i32
      scf.if %cond3A_88 {
        %mul3A_89 = arith.constant 128 : i32
        %mul3A_90 = arith.muli %add3A_83, %mul3A_89 : i32
        "tpu.region"() ({
          %run_scoped3A = tpu.sem_alloc : memref<!tpu.dma_semaphore, #tpu.memory_space<semaphore_mem>>
          %dma_start3A_97 = tpu.memref_slice %arg3[%mul3A_90] : memref<320000xi32, #tpu.memory_space<hbm>> -> memref<128xi32, #tpu.memory_space<hbm>>
          %dma_start3A_98 = tpu.memref_slice %arg3[%mul3A_90] : memref<320000xi32, #tpu.memory_space<hbm>> -> memref<128xi32, #tpu.memory_space<hbm>>
          tpu.enqueue_dma source(%dma_start3A_98 : memref<128xi32, #tpu.memory_space<hbm>>) target(%arg6 : memref<128xi32, #tpu.memory_space<vmem>>) target_semaphore(%run_scoped3A : memref<!tpu.dma_semaphore, #tpu.memory_space<semaphore_mem>>)
          %dma_wait3A_99 = tpu.memref_slice %arg3[%mul3A_90] : memref<320000xi32, #tpu.memory_space<hbm>> -> memref<128xi32, #tpu.memory_space<hbm>>
          %dma_wait3A_100 = tpu.memref_slice %arg3[%mul3A_90] : memref<320000xi32, #tpu.memory_space<hbm>> -> memref<128xi32, #tpu.memory_space<hbm>>
          tpu.wait_dma2 semaphore(%run_scoped3A : memref<!tpu.dma_semaphore, #tpu.memory_space<semaphore_mem>>) src(%dma_wait3A_100 : memref<128xi32, #tpu.memory_space<hbm>>) dst(%arg6 : memref<128xi32, #tpu.memory_space<vmem>>)
          tpu.yield
        }) : () -> ()
        %dma_start3A = arith.constant 0 : i32
        %dma_start3A_91 = arith.constant 0 : i32
        %dma_start3A_92 = tpu.memref_slice %arg2[%dma_start3A, %dma_start3A_91] : memref<10000x128xf32, #tpu.memory_space<hbm>> -> memref<10000x128xf32, #tpu.memory_space<hbm>>
        tpu.enqueue_indirect_dma source(%dma_start3A_92 : memref<10000x128xf32, #tpu.memory_space<hbm>>) target(%arg8 : memref<128x128xf32, #tpu.memory_space<vmem>>) offsets(%arg6 : memref<128xi32, #tpu.memory_space<vmem>>) semaphore(%arg10 : memref<!tpu.dma_semaphore, #tpu.memory_space<semaphore_mem>>)
        %dma_wait3A = arith.constant 0 : i32
        %dma_wait3A_93 = arith.constant 0 : i32
        %dma_wait3A_94 = tpu.memref_slice %arg2[%dma_wait3A, %dma_wait3A_93] : memref<10000x128xf32, #tpu.memory_space<hbm>> -> memref<10000x128xf32, #tpu.memory_space<hbm>>
        tpu.wait_indirect_dma semaphore(%arg10 : memref<!tpu.dma_semaphore, #tpu.memory_space<semaphore_mem>>) src(%dma_wait3A_94 : memref<10000x128xf32, #tpu.memory_space<hbm>>) dst(%arg8 : memref<128x128xf32, #tpu.memory_space<vmem>>)
        %mul3A_95 = arith.constant 128 : i32
        %mul3A_96 = arith.muli %add3A_83, %mul3A_95 : i32
        "tpu.region"() ({
          %run_scoped3A = tpu.sem_alloc : memref<!tpu.dma_semaphore, #tpu.memory_space<semaphore_mem>>
          %dma_start3A_97 = tpu.memref_slice %arg4[%mul3A_96] : memref<320000xi32, #tpu.memory_space<hbm>> -> memref<128xi32, #tpu.memory_space<hbm>>
          %dma_start3A_98 = tpu.memref_slice %arg4[%mul3A_96] : memref<320000xi32, #tpu.memory_space<hbm>> -> memref<128xi32, #tpu.memory_space<hbm>>
          tpu.enqueue_dma source(%dma_start3A_98 : memref<128xi32, #tpu.memory_space<hbm>>) target(%arg7 : memref<128xi32, #tpu.memory_space<vmem>>) target_semaphore(%run_scoped3A : memref<!tpu.dma_semaphore, #tpu.memory_space<semaphore_mem>>)
          %dma_wait3A_99 = tpu.memref_slice %arg4[%mul3A_96] : memref<320000xi32, #tpu.memory_space<hbm>> -> memref<128xi32, #tpu.memory_space<hbm>>
          %dma_wait3A_100 = tpu.memref_slice %arg4[%mul3A_96] : memref<320000xi32, #tpu.memory_space<hbm>> -> memref<128xi32, #tpu.memory_space<hbm>>
          tpu.wait_dma2 semaphore(%run_scoped3A : memref<!tpu.dma_semaphore, #tpu.memory_space<semaphore_mem>>) src(%dma_wait3A_100 : memref<128xi32, #tpu.memory_space<hbm>>) dst(%arg7 : memref<128xi32, #tpu.memory_space<vmem>>)
          tpu.yield
        }) : () -> ()
        "tpu.region"() ({
          %run_scoped3A = tpu.sem_alloc : memref<!tpu.dma_semaphore, #tpu.memory_space<semaphore_mem>>
          %dma_start3A_97 = arith.constant 0 : i32
          %dma_start3A_98 = arith.constant 0 : i32
          %dma_start3A_99 = tpu.memref_slice %arg9[%dma_start3A_97, %dma_start3A_98] : memref<10112x128xf32, #tpu.memory_space<vmem_shared>> -> memref<10112x128xf32, #tpu.memory_space<vmem_shared>>
          tpu.enqueue_indirect_dma source(%arg8 : memref<128x128xf32, #tpu.memory_space<vmem>>) target(%dma_start3A_99 : memref<10112x128xf32, #tpu.memory_space<vmem_shared>>) offsets(%arg7 : memref<128xi32, #tpu.memory_space<vmem>>) semaphore(%run_scoped3A : memref<!tpu.dma_semaphore, #tpu.memory_space<semaphore_mem>>) {add = true}
          %dma_wait3A_100 = arith.constant 0 : i32
          %dma_wait3A_101 = arith.constant 0 : i32
          %dma_wait3A_102 = tpu.memref_slice %arg9[%dma_wait3A_100, %dma_wait3A_101] : memref<10112x128xf32, #tpu.memory_space<vmem_shared>> -> memref<10112x128xf32, #tpu.memory_space<vmem_shared>>
          tpu.wait_indirect_dma semaphore(%run_scoped3A : memref<!tpu.dma_semaphore, #tpu.memory_space<semaphore_mem>>) src(%arg8 : memref<128x128xf32, #tpu.memory_space<vmem>>) dst(%dma_wait3A_102 : memref<10112x128xf32, #tpu.memory_space<vmem_shared>>)
          tpu.yield
        }) : () -> ()
      } else {
      }
    }
    %scan3A_43 = arith.constant 79 : i32
    %barrier3A_44 = arith.constant 0 : index
    tpu.barrier barrier_id(%barrier3A_44)
    %add3A_45 = arith.constant 0 : i32
    %add3A_46 = arith.addi %arg1, %add3A_45 : i32
    %lt3A_47 = arith.constant 79 : i32
    %lt3A_48 = arith.cmpi slt, %add3A_46, %lt3A_47 : i32
    %convert_element_type3A_49 = arith.extui %lt3A_48 : i1 to i32
    %cond3A_50 = arith.constant 0 : i32
    %cond3A_51 = arith.cmpi ne, %convert_element_type3A_49, %cond3A_50 : i32
    scf.if %cond3A_51 {
      %mul3A_80 = arith.constant 128 : i32
      %mul3A_81 = arith.muli %add3A_46, %mul3A_80 : i32
      %mul3A_82 = arith.constant 128 : i32
      %mul3A_83 = arith.muli %add3A_46, %mul3A_82 : i32
      "tpu.region"() ({
        %run_scoped3A = tpu.sem_alloc : memref<!tpu.dma_semaphore, #tpu.memory_space<semaphore_mem>>
        %dma_start3A = arith.constant 0 : i32
        %dma_start3A_84 = tpu.memref_slice %arg5[%arg0, %mul3A_83, %dma_start3A] : memref<2x10112x128xf32, #tpu.memory_space<hbm>> -> memref<1x128x128xf32, #tpu.memory_space<hbm>>
        %dma_start3A_85 = tpu.memref_squeeze %dma_start3A_84 : memref<1x128x128xf32, #tpu.memory_space<hbm>> -> memref<128x128xf32, #tpu.memory_space<hbm>>
        %dma_start3A_86 = arith.constant 0 : i32
        %dma_start3A_87 = tpu.memref_slice %arg9[%mul3A_81, %dma_start3A_86] : memref<10112x128xf32, #tpu.memory_space<vmem_shared>> -> memref<128x128xf32, #tpu.memory_space<vmem_shared>>
        tpu.enqueue_dma source(%dma_start3A_87 : memref<128x128xf32, #tpu.memory_space<vmem_shared>>) target(%dma_start3A_85 : memref<128x128xf32, #tpu.memory_space<hbm>>) target_semaphore(%run_scoped3A : memref<!tpu.dma_semaphore, #tpu.memory_space<semaphore_mem>>)
        %dma_wait3A = arith.constant 0 : i32
        %dma_wait3A_88 = tpu.memref_slice %arg5[%arg0, %mul3A_83, %dma_wait3A] : memref<2x10112x128xf32, #tpu.memory_space<hbm>> -> memref<1x128x128xf32, #tpu.memory_space<hbm>>
        %dma_wait3A_89 = tpu.memref_squeeze %dma_wait3A_88 : memref<1x128x128xf32, #tpu.memory_space<hbm>> -> memref<128x128xf32, #tpu.memory_space<hbm>>
        %dma_wait3A_90 = arith.constant 0 : i32
        %dma_wait3A_91 = tpu.memref_slice %arg9[%mul3A_81, %dma_wait3A_90] : memref<10112x128xf32, #tpu.memory_space<vmem_shared>> -> memref<128x128xf32, #tpu.memory_space<vmem_shared>>
        tpu.wait_dma2 semaphore(%run_scoped3A : memref<!tpu.dma_semaphore, #tpu.memory_space<semaphore_mem>>) src(%dma_wait3A_91 : memref<128x128xf32, #tpu.memory_space<vmem_shared>>) dst(%dma_wait3A_89 : memref<128x128xf32, #tpu.memory_space<hbm>>)
        tpu.yield
      }) : () -> ()
    } else {
    }
    %add3A_52 = arith.constant 16 : i32
    %add3A_53 = arith.addi %arg1, %add3A_52 : i32
    %lt3A_54 = arith.constant 79 : i32
    %lt3A_55 = arith.cmpi slt, %add3A_53, %lt3A_54 : i32
    %convert_element_type3A_56 = arith.extui %lt3A_55 : i1 to i32
    %cond3A_57 = arith.constant 0 : i32
    %cond3A_58 = arith.cmpi ne, %convert_element_type3A_56, %cond3A_57 : i32
    scf.if %cond3A_58 {
      %mul3A_80 = arith.constant 128 : i32
      %mul3A_81 = arith.muli %add3A_53, %mul3A_80 : i32
      %mul3A_82 = arith.constant 128 : i32
      %mul3A_83 = arith.muli %add3A_53, %mul3A_82 : i32
      "tpu.region"() ({
        %run_scoped3A = tpu.sem_alloc : memref<!tpu.dma_semaphore, #tpu.memory_space<semaphore_mem>>
        %dma_start3A = arith.constant 0 : i32
        %dma_start3A_84 = tpu.memref_slice %arg5[%arg0, %mul3A_83, %dma_start3A] : memref<2x10112x128xf32, #tpu.memory_space<hbm>> -> memref<1x128x128xf32, #tpu.memory_space<hbm>>
        %dma_start3A_85 = tpu.memref_squeeze %dma_start3A_84 : memref<1x128x128xf32, #tpu.memory_space<hbm>> -> memref<128x128xf32, #tpu.memory_space<hbm>>
        %dma_start3A_86 = arith.constant 0 : i32
        %dma_start3A_87 = tpu.memref_slice %arg9[%mul3A_81, %dma_start3A_86] : memref<10112x128xf32, #tpu.memory_space<vmem_shared>> -> memref<128x128xf32, #tpu.memory_space<vmem_shared>>
        tpu.enqueue_dma source(%dma_start3A_87 : memref<128x128xf32, #tpu.memory_space<vmem_shared>>) target(%dma_start3A_85 : memref<128x128xf32, #tpu.memory_space<hbm>>) target_semaphore(%run_scoped3A : memref<!tpu.dma_semaphore, #tpu.memory_space<semaphore_mem>>)
        %dma_wait3A = arith.constant 0 : i32
        %dma_wait3A_88 = tpu.memref_slice %arg5[%arg0, %mul3A_83, %dma_wait3A] : memref<2x10112x128xf32, #tpu.memory_space<hbm>> -> memref<1x128x128xf32, #tpu.memory_space<hbm>>
        %dma_wait3A_89 = tpu.memref_squeeze %dma_wait3A_88 : memref<1x128x128xf32, #tpu.memory_space<hbm>> -> memref<128x128xf32, #tpu.memory_space<hbm>>
        %dma_wait3A_90 = arith.constant 0 : i32
        %dma_wait3A_91 = tpu.memref_slice %arg9[%mul3A_81, %dma_wait3A_90] : memref<10112x128xf32, #tpu.memory_space<vmem_shared>> -> memref<128x128xf32, #tpu.memory_space<vmem_shared>>
        tpu.wait_dma2 semaphore(%run_scoped3A : memref<!tpu.dma_semaphore, #tpu.memory_space<semaphore_mem>>) src(%dma_wait3A_91 : memref<128x128xf32, #tpu.memory_space<vmem_shared>>) dst(%dma_wait3A_89 : memref<128x128xf32, #tpu.memory_space<hbm>>)
        tpu.yield
      }) : () -> ()
    } else {
    }
    %add3A_59 = arith.constant 32 : i32
    %add3A_60 = arith.addi %arg1, %add3A_59 : i32
    %lt3A_61 = arith.constant 79 : i32
    %lt3A_62 = arith.cmpi slt, %add3A_60, %lt3A_61 : i32
    %convert_element_type3A_63 = arith.extui %lt3A_62 : i1 to i32
    %cond3A_64 = arith.constant 0 : i32
    %cond3A_65 = arith.cmpi ne, %convert_element_type3A_63, %cond3A_64 : i32
    scf.if %cond3A_65 {
      %mul3A_80 = arith.constant 128 : i32
      %mul3A_81 = arith.muli %add3A_60, %mul3A_80 : i32
      %mul3A_82 = arith.constant 128 : i32
      %mul3A_83 = arith.muli %add3A_60, %mul3A_82 : i32
      "tpu.region"() ({
        %run_scoped3A = tpu.sem_alloc : memref<!tpu.dma_semaphore, #tpu.memory_space<semaphore_mem>>
        %dma_start3A = arith.constant 0 : i32
        %dma_start3A_84 = tpu.memref_slice %arg5[%arg0, %mul3A_83, %dma_start3A] : memref<2x10112x128xf32, #tpu.memory_space<hbm>> -> memref<1x128x128xf32, #tpu.memory_space<hbm>>
        %dma_start3A_85 = tpu.memref_squeeze %dma_start3A_84 : memref<1x128x128xf32, #tpu.memory_space<hbm>> -> memref<128x128xf32, #tpu.memory_space<hbm>>
        %dma_start3A_86 = arith.constant 0 : i32
        %dma_start3A_87 = tpu.memref_slice %arg9[%mul3A_81, %dma_start3A_86] : memref<10112x128xf32, #tpu.memory_space<vmem_shared>> -> memref<128x128xf32, #tpu.memory_space<vmem_shared>>
        tpu.enqueue_dma source(%dma_start3A_87 : memref<128x128xf32, #tpu.memory_space<vmem_shared>>) target(%dma_start3A_85 : memref<128x128xf32, #tpu.memory_space<hbm>>) target_semaphore(%run_scoped3A : memref<!tpu.dma_semaphore, #tpu.memory_space<semaphore_mem>>)
        %dma_wait3A = arith.constant 0 : i32
        %dma_wait3A_88 = tpu.memref_slice %arg5[%arg0, %mul3A_83, %dma_wait3A] : memref<2x10112x128xf32, #tpu.memory_space<hbm>> -> memref<1x128x128xf32, #tpu.memory_space<hbm>>
        %dma_wait3A_89 = tpu.memref_squeeze %dma_wait3A_88 : memref<1x128x128xf32, #tpu.memory_space<hbm>> -> memref<128x128xf32, #tpu.memory_space<hbm>>
        %dma_wait3A_90 = arith.constant 0 : i32
        %dma_wait3A_91 = tpu.memref_slice %arg9[%mul3A_81, %dma_wait3A_90] : memref<10112x128xf32, #tpu.memory_space<vmem_shared>> -> memref<128x128xf32, #tpu.memory_space<vmem_shared>>
        tpu.wait_dma2 semaphore(%run_scoped3A : memref<!tpu.dma_semaphore, #tpu.memory_space<semaphore_mem>>) src(%dma_wait3A_91 : memref<128x128xf32, #tpu.memory_space<vmem_shared>>) dst(%dma_wait3A_89 : memref<128x128xf32, #tpu.memory_space<hbm>>)
        tpu.yield
      }) : () -> ()
    } else {
    }
    %add3A_66 = arith.constant 48 : i32
    %add3A_67 = arith.addi %arg1, %add3A_66 : i32
    %lt3A_68 = arith.constant 79 : i32
    %lt3A_69 = arith.cmpi slt, %add3A_67, %lt3A_68 : i32
    %convert_element_type3A_70 = arith.extui %lt3A_69 : i1 to i32
    %cond3A_71 = arith.constant 0 : i32
    %cond3A_72 = arith.cmpi ne, %convert_element_type3A_70, %cond3A_71 : i32
    scf.if %cond3A_72 {
      %mul3A_80 = arith.constant 128 : i32
      %mul3A_81 = arith.muli %add3A_67, %mul3A_80 : i32
      %mul3A_82 = arith.constant 128 : i32
      %mul3A_83 = arith.muli %add3A_67, %mul3A_82 : i32
      "tpu.region"() ({
        %run_scoped3A = tpu.sem_alloc : memref<!tpu.dma_semaphore, #tpu.memory_space<semaphore_mem>>
        %dma_start3A = arith.constant 0 : i32
        %dma_start3A_84 = tpu.memref_slice %arg5[%arg0, %mul3A_83, %dma_start3A] : memref<2x10112x128xf32, #tpu.memory_space<hbm>> -> memref<1x128x128xf32, #tpu.memory_space<hbm>>
        %dma_start3A_85 = tpu.memref_squeeze %dma_start3A_84 : memref<1x128x128xf32, #tpu.memory_space<hbm>> -> memref<128x128xf32, #tpu.memory_space<hbm>>
        %dma_start3A_86 = arith.constant 0 : i32
        %dma_start3A_87 = tpu.memref_slice %arg9[%mul3A_81, %dma_start3A_86] : memref<10112x128xf32, #tpu.memory_space<vmem_shared>> -> memref<128x128xf32, #tpu.memory_space<vmem_shared>>
        tpu.enqueue_dma source(%dma_start3A_87 : memref<128x128xf32, #tpu.memory_space<vmem_shared>>) target(%dma_start3A_85 : memref<128x128xf32, #tpu.memory_space<hbm>>) target_semaphore(%run_scoped3A : memref<!tpu.dma_semaphore, #tpu.memory_space<semaphore_mem>>)
        %dma_wait3A = arith.constant 0 : i32
        %dma_wait3A_88 = tpu.memref_slice %arg5[%arg0, %mul3A_83, %dma_wait3A] : memref<2x10112x128xf32, #tpu.memory_space<hbm>> -> memref<1x128x128xf32, #tpu.memory_space<hbm>>
        %dma_wait3A_89 = tpu.memref_squeeze %dma_wait3A_88 : memref<1x128x128xf32, #tpu.memory_space<hbm>> -> memref<128x128xf32, #tpu.memory_space<hbm>>
        %dma_wait3A_90 = arith.constant 0 : i32
        %dma_wait3A_91 = tpu.memref_slice %arg9[%mul3A_81, %dma_wait3A_90] : memref<10112x128xf32, #tpu.memory_space<vmem_shared>> -> memref<128x128xf32, #tpu.memory_space<vmem_shared>>
        tpu.wait_dma2 semaphore(%run_scoped3A : memref<!tpu.dma_semaphore, #tpu.memory_space<semaphore_mem>>) src(%dma_wait3A_91 : memref<128x128xf32, #tpu.memory_space<vmem_shared>>) dst(%dma_wait3A_89 : memref<128x128xf32, #tpu.memory_space<hbm>>)
        tpu.yield
      }) : () -> ()
    } else {
    }
    %add3A_73 = arith.constant 64 : i32
    %add3A_74 = arith.addi %arg1, %add3A_73 : i32
    %lt3A_75 = arith.constant 79 : i32
    %lt3A_76 = arith.cmpi slt, %add3A_74, %lt3A_75 : i32
    %convert_element_type3A_77 = arith.extui %lt3A_76 : i1 to i32
    %cond3A_78 = arith.constant 0 : i32
    %cond3A_79 = arith.cmpi ne, %convert_element_type3A_77, %cond3A_78 : i32
    scf.if %cond3A_79 {
      %mul3A_80 = arith.constant 128 : i32
      %mul3A_81 = arith.muli %add3A_74, %mul3A_80 : i32
      %mul3A_82 = arith.constant 128 : i32
      %mul3A_83 = arith.muli %add3A_74, %mul3A_82 : i32
      "tpu.region"() ({
        %run_scoped3A = tpu.sem_alloc : memref<!tpu.dma_semaphore, #tpu.memory_space<semaphore_mem>>
        %dma_start3A = arith.constant 0 : i32
        %dma_start3A_84 = tpu.memref_slice %arg5[%arg0, %mul3A_83, %dma_start3A] : memref<2x10112x128xf32, #tpu.memory_space<hbm>> -> memref<1x128x128xf32, #tpu.memory_space<hbm>>
        %dma_start3A_85 = tpu.memref_squeeze %dma_start3A_84 : memref<1x128x128xf32, #tpu.memory_space<hbm>> -> memref<128x128xf32, #tpu.memory_space<hbm>>
        %dma_start3A_86 = arith.constant 0 : i32
        %dma_start3A_87 = tpu.memref_slice %arg9[%mul3A_81, %dma_start3A_86] : memref<10112x128xf32, #tpu.memory_space<vmem_shared>> -> memref<128x128xf32, #tpu.memory_space<vmem_shared>>
        tpu.enqueue_dma source(%dma_start3A_87 : memref<128x128xf32, #tpu.memory_space<vmem_shared>>) target(%dma_start3A_85 : memref<128x128xf32, #tpu.memory_space<hbm>>) target_semaphore(%run_scoped3A : memref<!tpu.dma_semaphore, #tpu.memory_space<semaphore_mem>>)
        %dma_wait3A = arith.constant 0 : i32
        %dma_wait3A_88 = tpu.memref_slice %arg5[%arg0, %mul3A_83, %dma_wait3A] : memref<2x10112x128xf32, #tpu.memory_space<hbm>> -> memref<1x128x128xf32, #tpu.memory_space<hbm>>
        %dma_wait3A_89 = tpu.memref_squeeze %dma_wait3A_88 : memref<1x128x128xf32, #tpu.memory_space<hbm>> -> memref<128x128xf32, #tpu.memory_space<hbm>>
        %dma_wait3A_90 = arith.constant 0 : i32
        %dma_wait3A_91 = tpu.memref_slice %arg9[%mul3A_81, %dma_wait3A_90] : memref<10112x128xf32, #tpu.memory_space<vmem_shared>> -> memref<128x128xf32, #tpu.memory_space<vmem_shared>>
        tpu.wait_dma2 semaphore(%run_scoped3A : memref<!tpu.dma_semaphore, #tpu.memory_space<semaphore_mem>>) src(%dma_wait3A_91 : memref<128x128xf32, #tpu.memory_space<vmem_shared>>) dst(%dma_wait3A_89 : memref<128x128xf32, #tpu.memory_space<hbm>>)
        tpu.yield
      }) : () -> ()
    } else {
    }
    return
  }
}

#map = affine_map<(d0, d1) -> (0)>
#map1 = affine_map<(d0, d1) -> (0, 0)>
module attributes {stable_mosaic.version = 14 : i64} {
  func.func @_sc_degree(%arg0: i32, %arg1: i32, %arg2: memref<320000xi32, #tpu.memory_space<hbm>>, %arg3: memref<2x10112xf32, #tpu.memory_space<hbm>>, %arg4: memref<128xi32, #tpu.memory_space<vmem>>, %arg5: memref<128xf32, #tpu.memory_space<vmem>>, %arg6: memref<128xf32, #tpu.memory_space<vmem>>, %arg7: memref<10112xf32, #tpu.memory_space<vmem_shared>>) attributes {dimension_semantics = [#tpu.dimension_semantics<core_parallel>, #tpu.dimension_semantics<subcore_parallel>], iteration_bounds = array<i64: 2, 16>, scalar_prefetch = 0 : i64, scratch_operands = 4 : i64, tpu.core_type = #tpu.core_type<sc_vector_subcore>, window_params = [{transform_indices = #map}, {transform_indices = #map1}]} {
    %mul3A = arith.constant 16 : i32
    %mul3A_0 = arith.muli %arg0, %mul3A : i32
    %add3A = arith.addi %mul3A_0, %arg1 : i32
    %broadcast_in_dim3A = arith.constant 1.000000e+00 : f32
    %broadcast_in_dim3A_1 = vector.broadcast %broadcast_in_dim3A : f32 to vector<16xf32>
    %swap3A = arith.constant 0 : index
    %swap3A_2 = tpu.vector_load %arg5[%swap3A] {strides = array<i32>} : memref<128xf32, #tpu.memory_space<vmem>>, vector<16xf32>,
    %swap3A_3 = vector.shape_cast %swap3A_2 : vector<16xf32> to vector<16xf32>
    %swap3A_4 = vector.shape_cast %broadcast_in_dim3A_1 : vector<16xf32> to vector<16xf32>
    tpu.vector_store %arg5[%swap3A], %swap3A_4 {strides = array<i32>} : memref<128xf32, #tpu.memory_space<vmem>>, vector<16xf32>,
    %broadcast_in_dim3A_5 = arith.constant 0.000000e+00 : f32
    %broadcast_in_dim3A_6 = vector.broadcast %broadcast_in_dim3A_5 : f32 to vector<16xf32>
    %swap3A_7 = arith.constant 0 : index
    %swap3A_8 = tpu.vector_load %arg6[%swap3A_7] {strides = array<i32>} : memref<128xf32, #tpu.memory_space<vmem>>, vector<16xf32>,
    %swap3A_9 = vector.shape_cast %swap3A_8 : vector<16xf32> to vector<16xf32>
    %swap3A_10 = vector.shape_cast %broadcast_in_dim3A_6 : vector<16xf32> to vector<16xf32>
    tpu.vector_store %arg6[%swap3A_7], %swap3A_10 {strides = array<i32>} : memref<128xf32, #tpu.memory_space<vmem>>, vector<16xf32>,
    %broadcast_in_dim3A_11 = arith.constant 1.000000e+00 : f32
    %broadcast_in_dim3A_12 = vector.broadcast %broadcast_in_dim3A_11 : f32 to vector<16xf32>
    %swap3A_13 = arith.constant 16 : index
    %swap3A_14 = tpu.vector_load %arg5[%swap3A_13] {strides = array<i32>} : memref<128xf32, #tpu.memory_space<vmem>>, vector<16xf32>,
    %swap3A_15 = vector.shape_cast %swap3A_14 : vector<16xf32> to vector<16xf32>
    %swap3A_16 = vector.shape_cast %broadcast_in_dim3A_12 : vector<16xf32> to vector<16xf32>
    tpu.vector_store %arg5[%swap3A_13], %swap3A_16 {strides = array<i32>} : memref<128xf32, #tpu.memory_space<vmem>>, vector<16xf32>,
    %broadcast_in_dim3A_17 = arith.constant 0.000000e+00 : f32
    %broadcast_in_dim3A_18 = vector.broadcast %broadcast_in_dim3A_17 : f32 to vector<16xf32>
    %swap3A_19 = arith.constant 16 : index
    %swap3A_20 = tpu.vector_load %arg6[%swap3A_19] {strides = array<i32>} : memref<128xf32, #tpu.memory_space<vmem>>, vector<16xf32>,
    %swap3A_21 = vector.shape_cast %swap3A_20 : vector<16xf32> to vector<16xf32>
    %swap3A_22 = vector.shape_cast %broadcast_in_dim3A_18 : vector<16xf32> to vector<16xf32>
    tpu.vector_store %arg6[%swap3A_19], %swap3A_22 {strides = array<i32>} : memref<128xf32, #tpu.memory_space<vmem>>, vector<16xf32>,
    %broadcast_in_dim3A_23 = arith.constant 1.000000e+00 : f32
    %broadcast_in_dim3A_24 = vector.broadcast %broadcast_in_dim3A_23 : f32 to vector<16xf32>
    %swap3A_25 = arith.constant 32 : index
    %swap3A_26 = tpu.vector_load %arg5[%swap3A_25] {strides = array<i32>} : memref<128xf32, #tpu.memory_space<vmem>>, vector<16xf32>,
    %swap3A_27 = vector.shape_cast %swap3A_26 : vector<16xf32> to vector<16xf32>
    %swap3A_28 = vector.shape_cast %broadcast_in_dim3A_24 : vector<16xf32> to vector<16xf32>
    tpu.vector_store %arg5[%swap3A_25], %swap3A_28 {strides = array<i32>} : memref<128xf32, #tpu.memory_space<vmem>>, vector<16xf32>,
    %broadcast_in_dim3A_29 = arith.constant 0.000000e+00 : f32
    %broadcast_in_dim3A_30 = vector.broadcast %broadcast_in_dim3A_29 : f32 to vector<16xf32>
    %swap3A_31 = arith.constant 32 : index
    %swap3A_32 = tpu.vector_load %arg6[%swap3A_31] {strides = array<i32>} : memref<128xf32, #tpu.memory_space<vmem>>, vector<16xf32>,
    %swap3A_33 = vector.shape_cast %swap3A_32 : vector<16xf32> to vector<16xf32>
    %swap3A_34 = vector.shape_cast %broadcast_in_dim3A_30 : vector<16xf32> to vector<16xf32>
    tpu.vector_store %arg6[%swap3A_31], %swap3A_34 {strides = array<i32>} : memref<128xf32, #tpu.memory_space<vmem>>, vector<16xf32>,
    %broadcast_in_dim3A_35 = arith.constant 1.000000e+00 : f32
    %broadcast_in_dim3A_36 = vector.broadcast %broadcast_in_dim3A_35 : f32 to vector<16xf32>
    %swap3A_37 = arith.constant 48 : index
    %swap3A_38 = tpu.vector_load %arg5[%swap3A_37] {strides = array<i32>} : memref<128xf32, #tpu.memory_space<vmem>>, vector<16xf32>,
    %swap3A_39 = vector.shape_cast %swap3A_38 : vector<16xf32> to vector<16xf32>
    %swap3A_40 = vector.shape_cast %broadcast_in_dim3A_36 : vector<16xf32> to vector<16xf32>
    tpu.vector_store %arg5[%swap3A_37], %swap3A_40 {strides = array<i32>} : memref<128xf32, #tpu.memory_space<vmem>>, vector<16xf32>,
    %broadcast_in_dim3A_41 = arith.constant 0.000000e+00 : f32
    %broadcast_in_dim3A_42 = vector.broadcast %broadcast_in_dim3A_41 : f32 to vector<16xf32>
    %swap3A_43 = arith.constant 48 : index
    %swap3A_44 = tpu.vector_load %arg6[%swap3A_43] {strides = array<i32>} : memref<128xf32, #tpu.memory_space<vmem>>, vector<16xf32>,
    %swap3A_45 = vector.shape_cast %swap3A_44 : vector<16xf32> to vector<16xf32>
    %swap3A_46 = vector.shape_cast %broadcast_in_dim3A_42 : vector<16xf32> to vector<16xf32>
    tpu.vector_store %arg6[%swap3A_43], %swap3A_46 {strides = array<i32>} : memref<128xf32, #tpu.memory_space<vmem>>, vector<16xf32>,
    %broadcast_in_dim3A_47 = arith.constant 1.000000e+00 : f32
    %broadcast_in_dim3A_48 = vector.broadcast %broadcast_in_dim3A_47 : f32 to vector<16xf32>
    %swap3A_49 = arith.constant 64 : index
    %swap3A_50 = tpu.vector_load %arg5[%swap3A_49] {strides = array<i32>} : memref<128xf32, #tpu.memory_space<vmem>>, vector<16xf32>,
    %swap3A_51 = vector.shape_cast %swap3A_50 : vector<16xf32> to vector<16xf32>
    %swap3A_52 = vector.shape_cast %broadcast_in_dim3A_48 : vector<16xf32> to vector<16xf32>
    tpu.vector_store %arg5[%swap3A_49], %swap3A_52 {strides = array<i32>} : memref<128xf32, #tpu.memory_space<vmem>>, vector<16xf32>,
    %broadcast_in_dim3A_53 = arith.constant 0.000000e+00 : f32
    %broadcast_in_dim3A_54 = vector.broadcast %broadcast_in_dim3A_53 : f32 to vector<16xf32>
    %swap3A_55 = arith.constant 64 : index
    %swap3A_56 = tpu.vector_load %arg6[%swap3A_55] {strides = array<i32>} : memref<128xf32, #tpu.memory_space<vmem>>, vector<16xf32>,
    %swap3A_57 = vector.shape_cast %swap3A_56 : vector<16xf32> to vector<16xf32>
    %swap3A_58 = vector.shape_cast %broadcast_in_dim3A_54 : vector<16xf32> to vector<16xf32>
    tpu.vector_store %arg6[%swap3A_55], %swap3A_58 {strides = array<i32>} : memref<128xf32, #tpu.memory_space<vmem>>, vector<16xf32>,
    %broadcast_in_dim3A_59 = arith.constant 1.000000e+00 : f32
    %broadcast_in_dim3A_60 = vector.broadcast %broadcast_in_dim3A_59 : f32 to vector<16xf32>
    %swap3A_61 = arith.constant 80 : index
    %swap3A_62 = tpu.vector_load %arg5[%swap3A_61] {strides = array<i32>} : memref<128xf32, #tpu.memory_space<vmem>>, vector<16xf32>,
    %swap3A_63 = vector.shape_cast %swap3A_62 : vector<16xf32> to vector<16xf32>
    %swap3A_64 = vector.shape_cast %broadcast_in_dim3A_60 : vector<16xf32> to vector<16xf32>
    tpu.vector_store %arg5[%swap3A_61], %swap3A_64 {strides = array<i32>} : memref<128xf32, #tpu.memory_space<vmem>>, vector<16xf32>,
    %broadcast_in_dim3A_65 = arith.constant 0.000000e+00 : f32
    %broadcast_in_dim3A_66 = vector.broadcast %broadcast_in_dim3A_65 : f32 to vector<16xf32>
    %swap3A_67 = arith.constant 80 : index
    %swap3A_68 = tpu.vector_load %arg6[%swap3A_67] {strides = array<i32>} : memref<128xf32, #tpu.memory_space<vmem>>, vector<16xf32>,
    %swap3A_69 = vector.shape_cast %swap3A_68 : vector<16xf32> to vector<16xf32>
    %swap3A_70 = vector.shape_cast %broadcast_in_dim3A_66 : vector<16xf32> to vector<16xf32>
    tpu.vector_store %arg6[%swap3A_67], %swap3A_70 {strides = array<i32>} : memref<128xf32, #tpu.memory_space<vmem>>, vector<16xf32>,
    %broadcast_in_dim3A_71 = arith.constant 1.000000e+00 : f32
    %broadcast_in_dim3A_72 = vector.broadcast %broadcast_in_dim3A_71 : f32 to vector<16xf32>
    %swap3A_73 = arith.constant 96 : index
    %swap3A_74 = tpu.vector_load %arg5[%swap3A_73] {strides = array<i32>} : memref<128xf32, #tpu.memory_space<vmem>>, vector<16xf32>,
    %swap3A_75 = vector.shape_cast %swap3A_74 : vector<16xf32> to vector<16xf32>
    %swap3A_76 = vector.shape_cast %broadcast_in_dim3A_72 : vector<16xf32> to vector<16xf32>
    tpu.vector_store %arg5[%swap3A_73], %swap3A_76 {strides = array<i32>} : memref<128xf32, #tpu.memory_space<vmem>>, vector<16xf32>,
    %broadcast_in_dim3A_77 = arith.constant 0.000000e+00 : f32
    %broadcast_in_dim3A_78 = vector.broadcast %broadcast_in_dim3A_77 : f32 to vector<16xf32>
    %swap3A_79 = arith.constant 96 : index
    %swap3A_80 = tpu.vector_load %arg6[%swap3A_79] {strides = array<i32>} : memref<128xf32, #tpu.memory_space<vmem>>, vector<16xf32>,
    %swap3A_81 = vector.shape_cast %swap3A_80 : vector<16xf32> to vector<16xf32>
    %swap3A_82 = vector.shape_cast %broadcast_in_dim3A_78 : vector<16xf32> to vector<16xf32>
    tpu.vector_store %arg6[%swap3A_79], %swap3A_82 {strides = array<i32>} : memref<128xf32, #tpu.memory_space<vmem>>, vector<16xf32>,
    %broadcast_in_dim3A_83 = arith.constant 1.000000e+00 : f32
    %broadcast_in_dim3A_84 = vector.broadcast %broadcast_in_dim3A_83 : f32 to vector<16xf32>
    %swap3A_85 = arith.constant 112 : index
    %swap3A_86 = tpu.vector_load %arg5[%swap3A_85] {strides = array<i32>} : memref<128xf32, #tpu.memory_space<vmem>>, vector<16xf32>,
    %swap3A_87 = vector.shape_cast %swap3A_86 : vector<16xf32> to vector<16xf32>
    %swap3A_88 = vector.shape_cast %broadcast_in_dim3A_84 : vector<16xf32> to vector<16xf32>
    tpu.vector_store %arg5[%swap3A_85], %swap3A_88 {strides = array<i32>} : memref<128xf32, #tpu.memory_space<vmem>>, vector<16xf32>,
    %broadcast_in_dim3A_89 = arith.constant 0.000000e+00 : f32
    %broadcast_in_dim3A_90 = vector.broadcast %broadcast_in_dim3A_89 : f32 to vector<16xf32>
    %swap3A_91 = arith.constant 112 : index
    %swap3A_92 = tpu.vector_load %arg6[%swap3A_91] {strides = array<i32>} : memref<128xf32, #tpu.memory_space<vmem>>, vector<16xf32>,
    %swap3A_93 = vector.shape_cast %swap3A_92 : vector<16xf32> to vector<16xf32>
    %swap3A_94 = vector.shape_cast %broadcast_in_dim3A_90 : vector<16xf32> to vector<16xf32>
    tpu.vector_store %arg6[%swap3A_91], %swap3A_94 {strides = array<i32>} : memref<128xf32, #tpu.memory_space<vmem>>, vector<16xf32>,
    %add3A_95 = arith.constant 0 : i32
    %add3A_96 = arith.addi %arg1, %add3A_95 : i32
    %lt3A = arith.constant 79 : i32
    %lt3A_97 = arith.cmpi slt, %add3A_96, %lt3A : i32
    %convert_element_type3A = arith.extui %lt3A_97 : i1 to i32
    %cond3A = arith.constant 0 : i32
    %cond3A_98 = arith.cmpi ne, %convert_element_type3A, %cond3A : i32
    scf.if %cond3A_98 {
      %mul3A_168 = arith.constant 128 : i32
      %mul3A_169 = arith.muli %add3A_96, %mul3A_168 : i32
      "tpu.region"() ({
        %run_scoped3A = tpu.sem_alloc : memref<!tpu.dma_semaphore, #tpu.memory_space<semaphore_mem>>
        %dma_start3A = tpu.memref_slice %arg7[%mul3A_169] : memref<10112xf32, #tpu.memory_space<vmem_shared>> -> memref<128xf32, #tpu.memory_space<vmem_shared>>
        %dma_start3A_170 = tpu.memref_slice %arg7[%mul3A_169] : memref<10112xf32, #tpu.memory_space<vmem_shared>> -> memref<128xf32, #tpu.memory_space<vmem_shared>>
        tpu.enqueue_dma source(%arg6 : memref<128xf32, #tpu.memory_space<vmem>>) target(%dma_start3A_170 : memref<128xf32, #tpu.memory_space<vmem_shared>>) target_semaphore(%run_scoped3A : memref<!tpu.dma_semaphore, #tpu.memory_space<semaphore_mem>>)
        %dma_wait3A = tpu.memref_slice %arg7[%mul3A_169] : memref<10112xf32, #tpu.memory_space<vmem_shared>> -> memref<128xf32, #tpu.memory_space<vmem_shared>>
        %dma_wait3A_171 = tpu.memref_slice %arg7[%mul3A_169] : memref<10112xf32, #tpu.memory_space<vmem_shared>> -> memref<128xf32, #tpu.memory_space<vmem_shared>>
        tpu.wait_dma2 semaphore(%run_scoped3A : memref<!tpu.dma_semaphore, #tpu.memory_space<semaphore_mem>>) src(%arg6 : memref<128xf32, #tpu.memory_space<vmem>>) dst(%dma_wait3A_171 : memref<128xf32, #tpu.memory_space<vmem_shared>>)
        tpu.yield
      }) : () -> ()
    } else {
    }
    %add3A_99 = arith.constant 16 : i32
    %add3A_100 = arith.addi %arg1, %add3A_99 : i32
    %lt3A_101 = arith.constant 79 : i32
    %lt3A_102 = arith.cmpi slt, %add3A_100, %lt3A_101 : i32
    %convert_element_type3A_103 = arith.extui %lt3A_102 : i1 to i32
    %cond3A_104 = arith.constant 0 : i32
    %cond3A_105 = arith.cmpi ne, %convert_element_type3A_103, %cond3A_104 : i32
    scf.if %cond3A_105 {
      %mul3A_168 = arith.constant 128 : i32
      %mul3A_169 = arith.muli %add3A_100, %mul3A_168 : i32
      "tpu.region"() ({
        %run_scoped3A = tpu.sem_alloc : memref<!tpu.dma_semaphore, #tpu.memory_space<semaphore_mem>>
        %dma_start3A = tpu.memref_slice %arg7[%mul3A_169] : memref<10112xf32, #tpu.memory_space<vmem_shared>> -> memref<128xf32, #tpu.memory_space<vmem_shared>>
        %dma_start3A_170 = tpu.memref_slice %arg7[%mul3A_169] : memref<10112xf32, #tpu.memory_space<vmem_shared>> -> memref<128xf32, #tpu.memory_space<vmem_shared>>
        tpu.enqueue_dma source(%arg6 : memref<128xf32, #tpu.memory_space<vmem>>) target(%dma_start3A_170 : memref<128xf32, #tpu.memory_space<vmem_shared>>) target_semaphore(%run_scoped3A : memref<!tpu.dma_semaphore, #tpu.memory_space<semaphore_mem>>)
        %dma_wait3A = tpu.memref_slice %arg7[%mul3A_169] : memref<10112xf32, #tpu.memory_space<vmem_shared>> -> memref<128xf32, #tpu.memory_space<vmem_shared>>
        %dma_wait3A_171 = tpu.memref_slice %arg7[%mul3A_169] : memref<10112xf32, #tpu.memory_space<vmem_shared>> -> memref<128xf32, #tpu.memory_space<vmem_shared>>
        tpu.wait_dma2 semaphore(%run_scoped3A : memref<!tpu.dma_semaphore, #tpu.memory_space<semaphore_mem>>) src(%arg6 : memref<128xf32, #tpu.memory_space<vmem>>) dst(%dma_wait3A_171 : memref<128xf32, #tpu.memory_space<vmem_shared>>)
        tpu.yield
      }) : () -> ()
    } else {
    }
    %add3A_106 = arith.constant 32 : i32
    %add3A_107 = arith.addi %arg1, %add3A_106 : i32
    %lt3A_108 = arith.constant 79 : i32
    %lt3A_109 = arith.cmpi slt, %add3A_107, %lt3A_108 : i32
    %convert_element_type3A_110 = arith.extui %lt3A_109 : i1 to i32
    %cond3A_111 = arith.constant 0 : i32
    %cond3A_112 = arith.cmpi ne, %convert_element_type3A_110, %cond3A_111 : i32
    scf.if %cond3A_112 {
      %mul3A_168 = arith.constant 128 : i32
      %mul3A_169 = arith.muli %add3A_107, %mul3A_168 : i32
      "tpu.region"() ({
        %run_scoped3A = tpu.sem_alloc : memref<!tpu.dma_semaphore, #tpu.memory_space<semaphore_mem>>
        %dma_start3A = tpu.memref_slice %arg7[%mul3A_169] : memref<10112xf32, #tpu.memory_space<vmem_shared>> -> memref<128xf32, #tpu.memory_space<vmem_shared>>
        %dma_start3A_170 = tpu.memref_slice %arg7[%mul3A_169] : memref<10112xf32, #tpu.memory_space<vmem_shared>> -> memref<128xf32, #tpu.memory_space<vmem_shared>>
        tpu.enqueue_dma source(%arg6 : memref<128xf32, #tpu.memory_space<vmem>>) target(%dma_start3A_170 : memref<128xf32, #tpu.memory_space<vmem_shared>>) target_semaphore(%run_scoped3A : memref<!tpu.dma_semaphore, #tpu.memory_space<semaphore_mem>>)
        %dma_wait3A = tpu.memref_slice %arg7[%mul3A_169] : memref<10112xf32, #tpu.memory_space<vmem_shared>> -> memref<128xf32, #tpu.memory_space<vmem_shared>>
        %dma_wait3A_171 = tpu.memref_slice %arg7[%mul3A_169] : memref<10112xf32, #tpu.memory_space<vmem_shared>> -> memref<128xf32, #tpu.memory_space<vmem_shared>>
        tpu.wait_dma2 semaphore(%run_scoped3A : memref<!tpu.dma_semaphore, #tpu.memory_space<semaphore_mem>>) src(%arg6 : memref<128xf32, #tpu.memory_space<vmem>>) dst(%dma_wait3A_171 : memref<128xf32, #tpu.memory_space<vmem_shared>>)
        tpu.yield
      }) : () -> ()
    } else {
    }
    %add3A_113 = arith.constant 48 : i32
    %add3A_114 = arith.addi %arg1, %add3A_113 : i32
    %lt3A_115 = arith.constant 79 : i32
    %lt3A_116 = arith.cmpi slt, %add3A_114, %lt3A_115 : i32
    %convert_element_type3A_117 = arith.extui %lt3A_116 : i1 to i32
    %cond3A_118 = arith.constant 0 : i32
    %cond3A_119 = arith.cmpi ne, %convert_element_type3A_117, %cond3A_118 : i32
    scf.if %cond3A_119 {
      %mul3A_168 = arith.constant 128 : i32
      %mul3A_169 = arith.muli %add3A_114, %mul3A_168 : i32
      "tpu.region"() ({
        %run_scoped3A = tpu.sem_alloc : memref<!tpu.dma_semaphore, #tpu.memory_space<semaphore_mem>>
        %dma_start3A = tpu.memref_slice %arg7[%mul3A_169] : memref<10112xf32, #tpu.memory_space<vmem_shared>> -> memref<128xf32, #tpu.memory_space<vmem_shared>>
        %dma_start3A_170 = tpu.memref_slice %arg7[%mul3A_169] : memref<10112xf32, #tpu.memory_space<vmem_shared>> -> memref<128xf32, #tpu.memory_space<vmem_shared>>
        tpu.enqueue_dma source(%arg6 : memref<128xf32, #tpu.memory_space<vmem>>) target(%dma_start3A_170 : memref<128xf32, #tpu.memory_space<vmem_shared>>) target_semaphore(%run_scoped3A : memref<!tpu.dma_semaphore, #tpu.memory_space<semaphore_mem>>)
        %dma_wait3A = tpu.memref_slice %arg7[%mul3A_169] : memref<10112xf32, #tpu.memory_space<vmem_shared>> -> memref<128xf32, #tpu.memory_space<vmem_shared>>
        %dma_wait3A_171 = tpu.memref_slice %arg7[%mul3A_169] : memref<10112xf32, #tpu.memory_space<vmem_shared>> -> memref<128xf32, #tpu.memory_space<vmem_shared>>
        tpu.wait_dma2 semaphore(%run_scoped3A : memref<!tpu.dma_semaphore, #tpu.memory_space<semaphore_mem>>) src(%arg6 : memref<128xf32, #tpu.memory_space<vmem>>) dst(%dma_wait3A_171 : memref<128xf32, #tpu.memory_space<vmem_shared>>)
        tpu.yield
      }) : () -> ()
    } else {
    }
    %add3A_120 = arith.constant 64 : i32
    %add3A_121 = arith.addi %arg1, %add3A_120 : i32
    %lt3A_122 = arith.constant 79 : i32
    %lt3A_123 = arith.cmpi slt, %add3A_121, %lt3A_122 : i32
    %convert_element_type3A_124 = arith.extui %lt3A_123 : i1 to i32
    %cond3A_125 = arith.constant 0 : i32
    %cond3A_126 = arith.cmpi ne, %convert_element_type3A_124, %cond3A_125 : i32
    scf.if %cond3A_126 {
      %mul3A_168 = arith.constant 128 : i32
      %mul3A_169 = arith.muli %add3A_121, %mul3A_168 : i32
      "tpu.region"() ({
        %run_scoped3A = tpu.sem_alloc : memref<!tpu.dma_semaphore, #tpu.memory_space<semaphore_mem>>
        %dma_start3A = tpu.memref_slice %arg7[%mul3A_169] : memref<10112xf32, #tpu.memory_space<vmem_shared>> -> memref<128xf32, #tpu.memory_space<vmem_shared>>
        %dma_start3A_170 = tpu.memref_slice %arg7[%mul3A_169] : memref<10112xf32, #tpu.memory_space<vmem_shared>> -> memref<128xf32, #tpu.memory_space<vmem_shared>>
        tpu.enqueue_dma source(%arg6 : memref<128xf32, #tpu.memory_space<vmem>>) target(%dma_start3A_170 : memref<128xf32, #tpu.memory_space<vmem_shared>>) target_semaphore(%run_scoped3A : memref<!tpu.dma_semaphore, #tpu.memory_space<semaphore_mem>>)
        %dma_wait3A = tpu.memref_slice %arg7[%mul3A_169] : memref<10112xf32, #tpu.memory_space<vmem_shared>> -> memref<128xf32, #tpu.memory_space<vmem_shared>>
        %dma_wait3A_171 = tpu.memref_slice %arg7[%mul3A_169] : memref<10112xf32, #tpu.memory_space<vmem_shared>> -> memref<128xf32, #tpu.memory_space<vmem_shared>>
        tpu.wait_dma2 semaphore(%run_scoped3A : memref<!tpu.dma_semaphore, #tpu.memory_space<semaphore_mem>>) src(%arg6 : memref<128xf32, #tpu.memory_space<vmem>>) dst(%dma_wait3A_171 : memref<128xf32, #tpu.memory_space<vmem_shared>>)
        tpu.yield
      }) : () -> ()
    } else {
    }
    %barrier3A = arith.constant 0 : index
    tpu.barrier barrier_id(%barrier3A)
    %scan3A = arith.constant 0 : i32
    %scan3A_127 = arith.constant 0 : i32
    %scan3A_128 = arith.constant 79 : i32
    %scan3A_129 = arith.addi %scan3A_127, %scan3A_128 : i32
    %scan3A_130 = arith.constant 1 : i32
    scf.for %scan3A_168 = %scan3A_127 to %scan3A_129 step %scan3A_130  : i32 {
      %mul3A_169 = arith.constant 32 : i32
      %mul3A_170 = arith.muli %scan3A_168, %mul3A_169 : i32
      %add3A_171 = arith.addi %add3A, %mul3A_170 : i32
      %lt3A_172 = arith.constant 2500 : i32
      %lt3A_173 = arith.cmpi slt, %add3A_171, %lt3A_172 : i32
      %convert_element_type3A_174 = arith.extui %lt3A_173 : i1 to i32
      %cond3A_175 = arith.constant 0 : i32
      %cond3A_176 = arith.cmpi ne, %convert_element_type3A_174, %cond3A_175 : i32
      scf.if %cond3A_176 {
        %mul3A_177 = arith.constant 128 : i32
        %mul3A_178 = arith.muli %add3A_171, %mul3A_177 : i32
        "tpu.region"() ({
          %run_scoped3A = tpu.sem_alloc : memref<!tpu.dma_semaphore, #tpu.memory_space<semaphore_mem>>
          %dma_start3A = tpu.memref_slice %arg2[%mul3A_178] : memref<320000xi32, #tpu.memory_space<hbm>> -> memref<128xi32, #tpu.memory_space<hbm>>
          %dma_start3A_179 = tpu.memref_slice %arg2[%mul3A_178] : memref<320000xi32, #tpu.memory_space<hbm>> -> memref<128xi32, #tpu.memory_space<hbm>>
          tpu.enqueue_dma source(%dma_start3A_179 : memref<128xi32, #tpu.memory_space<hbm>>) target(%arg4 : memref<128xi32, #tpu.memory_space<vmem>>) target_semaphore(%run_scoped3A : memref<!tpu.dma_semaphore, #tpu.memory_space<semaphore_mem>>)
          %dma_wait3A = tpu.memref_slice %arg2[%mul3A_178] : memref<320000xi32, #tpu.memory_space<hbm>> -> memref<128xi32, #tpu.memory_space<hbm>>
          %dma_wait3A_180 = tpu.memref_slice %arg2[%mul3A_178] : memref<320000xi32, #tpu.memory_space<hbm>> -> memref<128xi32, #tpu.memory_space<hbm>>
          tpu.wait_dma2 semaphore(%run_scoped3A : memref<!tpu.dma_semaphore, #tpu.memory_space<semaphore_mem>>) src(%dma_wait3A_180 : memref<128xi32, #tpu.memory_space<hbm>>) dst(%arg4 : memref<128xi32, #tpu.memory_space<vmem>>)
          tpu.yield
        }) : () -> ()
        "tpu.region"() ({
          %run_scoped3A = tpu.sem_alloc : memref<!tpu.dma_semaphore, #tpu.memory_space<semaphore_mem>>
          %dma_start3A = arith.constant 0 : i32
          %dma_start3A_179 = tpu.memref_slice %arg7[%dma_start3A] : memref<10112xf32, #tpu.memory_space<vmem_shared>> -> memref<10112xf32, #tpu.memory_space<vmem_shared>>
          tpu.enqueue_indirect_dma source(%arg5 : memref<128xf32, #tpu.memory_space<vmem>>) target(%dma_start3A_179 : memref<10112xf32, #tpu.memory_space<vmem_shared>>) offsets(%arg4 : memref<128xi32, #tpu.memory_space<vmem>>) semaphore(%run_scoped3A : memref<!tpu.dma_semaphore, #tpu.memory_space<semaphore_mem>>) {add = true}
          %dma_wait3A = arith.constant 0 : i32
          %dma_wait3A_180 = tpu.memref_slice %arg7[%dma_wait3A] : memref<10112xf32, #tpu.memory_space<vmem_shared>> -> memref<10112xf32, #tpu.memory_space<vmem_shared>>
          tpu.wait_indirect_dma semaphore(%run_scoped3A : memref<!tpu.dma_semaphore, #tpu.memory_space<semaphore_mem>>) src(%arg5 : memref<128xf32, #tpu.memory_space<vmem>>) dst(%dma_wait3A_180 : memref<10112xf32, #tpu.memory_space<vmem_shared>>)
          tpu.yield
        }) : () -> ()
      } else {
      }
    }
    %scan3A_131 = arith.constant 79 : i32
    %barrier3A_132 = arith.constant 0 : index
    tpu.barrier barrier_id(%barrier3A_132)
    %add3A_133 = arith.constant 0 : i32
    %add3A_134 = arith.addi %arg1, %add3A_133 : i32
    %lt3A_135 = arith.constant 79 : i32
    %lt3A_136 = arith.cmpi slt, %add3A_134, %lt3A_135 : i32
    %convert_element_type3A_137 = arith.extui %lt3A_136 : i1 to i32
    %cond3A_138 = arith.constant 0 : i32
    %cond3A_139 = arith.cmpi ne, %convert_element_type3A_137, %cond3A_138 : i32
    scf.if %cond3A_139 {
      %mul3A_168 = arith.constant 128 : i32
      %mul3A_169 = arith.muli %add3A_134, %mul3A_168 : i32
      %mul3A_170 = arith.constant 128 : i32
      %mul3A_171 = arith.muli %add3A_134, %mul3A_170 : i32
      "tpu.region"() ({
        %run_scoped3A = tpu.sem_alloc : memref<!tpu.dma_semaphore, #tpu.memory_space<semaphore_mem>>
        %dma_start3A = tpu.memref_slice %arg3[%arg0, %mul3A_171] : memref<2x10112xf32, #tpu.memory_space<hbm>> -> memref<1x128xf32, #tpu.memory_space<hbm>>
        %dma_start3A_172 = tpu.memref_squeeze %dma_start3A : memref<1x128xf32, #tpu.memory_space<hbm>> -> memref<128xf32, #tpu.memory_space<hbm>>
        %dma_start3A_173 = tpu.memref_slice %arg7[%mul3A_169] : memref<10112xf32, #tpu.memory_space<vmem_shared>> -> memref<128xf32, #tpu.memory_space<vmem_shared>>
        tpu.enqueue_dma source(%dma_start3A_173 : memref<128xf32, #tpu.memory_space<vmem_shared>>) target(%dma_start3A_172 : memref<128xf32, #tpu.memory_space<hbm>>) target_semaphore(%run_scoped3A : memref<!tpu.dma_semaphore, #tpu.memory_space<semaphore_mem>>)
        %dma_wait3A = tpu.memref_slice %arg3[%arg0, %mul3A_171] : memref<2x10112xf32, #tpu.memory_space<hbm>> -> memref<1x128xf32, #tpu.memory_space<hbm>>
        %dma_wait3A_174 = tpu.memref_squeeze %dma_wait3A : memref<1x128xf32, #tpu.memory_space<hbm>> -> memref<128xf32, #tpu.memory_space<hbm>>
        %dma_wait3A_175 = tpu.memref_slice %arg7[%mul3A_169] : memref<10112xf32, #tpu.memory_space<vmem_shared>> -> memref<128xf32, #tpu.memory_space<vmem_shared>>
        tpu.wait_dma2 semaphore(%run_scoped3A : memref<!tpu.dma_semaphore, #tpu.memory_space<semaphore_mem>>) src(%dma_wait3A_175 : memref<128xf32, #tpu.memory_space<vmem_shared>>) dst(%dma_wait3A_174 : memref<128xf32, #tpu.memory_space<hbm>>)
        tpu.yield
      }) : () -> ()
    } else {
    }
    %add3A_140 = arith.constant 16 : i32
    %add3A_141 = arith.addi %arg1, %add3A_140 : i32
    %lt3A_142 = arith.constant 79 : i32
    %lt3A_143 = arith.cmpi slt, %add3A_141, %lt3A_142 : i32
    %convert_element_type3A_144 = arith.extui %lt3A_143 : i1 to i32
    %cond3A_145 = arith.constant 0 : i32
    %cond3A_146 = arith.cmpi ne, %convert_element_type3A_144, %cond3A_145 : i32
    scf.if %cond3A_146 {
      %mul3A_168 = arith.constant 128 : i32
      %mul3A_169 = arith.muli %add3A_141, %mul3A_168 : i32
      %mul3A_170 = arith.constant 128 : i32
      %mul3A_171 = arith.muli %add3A_141, %mul3A_170 : i32
      "tpu.region"() ({
        %run_scoped3A = tpu.sem_alloc : memref<!tpu.dma_semaphore, #tpu.memory_space<semaphore_mem>>
        %dma_start3A = tpu.memref_slice %arg3[%arg0, %mul3A_171] : memref<2x10112xf32, #tpu.memory_space<hbm>> -> memref<1x128xf32, #tpu.memory_space<hbm>>
        %dma_start3A_172 = tpu.memref_squeeze %dma_start3A : memref<1x128xf32, #tpu.memory_space<hbm>> -> memref<128xf32, #tpu.memory_space<hbm>>
        %dma_start3A_173 = tpu.memref_slice %arg7[%mul3A_169] : memref<10112xf32, #tpu.memory_space<vmem_shared>> -> memref<128xf32, #tpu.memory_space<vmem_shared>>
        tpu.enqueue_dma source(%dma_start3A_173 : memref<128xf32, #tpu.memory_space<vmem_shared>>) target(%dma_start3A_172 : memref<128xf32, #tpu.memory_space<hbm>>) target_semaphore(%run_scoped3A : memref<!tpu.dma_semaphore, #tpu.memory_space<semaphore_mem>>)
        %dma_wait3A = tpu.memref_slice %arg3[%arg0, %mul3A_171] : memref<2x10112xf32, #tpu.memory_space<hbm>> -> memref<1x128xf32, #tpu.memory_space<hbm>>
        %dma_wait3A_174 = tpu.memref_squeeze %dma_wait3A : memref<1x128xf32, #tpu.memory_space<hbm>> -> memref<128xf32, #tpu.memory_space<hbm>>
        %dma_wait3A_175 = tpu.memref_slice %arg7[%mul3A_169] : memref<10112xf32, #tpu.memory_space<vmem_shared>> -> memref<128xf32, #tpu.memory_space<vmem_shared>>
        tpu.wait_dma2 semaphore(%run_scoped3A : memref<!tpu.dma_semaphore, #tpu.memory_space<semaphore_mem>>) src(%dma_wait3A_175 : memref<128xf32, #tpu.memory_space<vmem_shared>>) dst(%dma_wait3A_174 : memref<128xf32, #tpu.memory_space<hbm>>)
        tpu.yield
      }) : () -> ()
    } else {
    }
    %add3A_147 = arith.constant 32 : i32
    %add3A_148 = arith.addi %arg1, %add3A_147 : i32
    %lt3A_149 = arith.constant 79 : i32
    %lt3A_150 = arith.cmpi slt, %add3A_148, %lt3A_149 : i32
    %convert_element_type3A_151 = arith.extui %lt3A_150 : i1 to i32
    %cond3A_152 = arith.constant 0 : i32
    %cond3A_153 = arith.cmpi ne, %convert_element_type3A_151, %cond3A_152 : i32
    scf.if %cond3A_153 {
      %mul3A_168 = arith.constant 128 : i32
      %mul3A_169 = arith.muli %add3A_148, %mul3A_168 : i32
      %mul3A_170 = arith.constant 128 : i32
      %mul3A_171 = arith.muli %add3A_148, %mul3A_170 : i32
      "tpu.region"() ({
        %run_scoped3A = tpu.sem_alloc : memref<!tpu.dma_semaphore, #tpu.memory_space<semaphore_mem>>
        %dma_start3A = tpu.memref_slice %arg3[%arg0, %mul3A_171] : memref<2x10112xf32, #tpu.memory_space<hbm>> -> memref<1x128xf32, #tpu.memory_space<hbm>>
        %dma_start3A_172 = tpu.memref_squeeze %dma_start3A : memref<1x128xf32, #tpu.memory_space<hbm>> -> memref<128xf32, #tpu.memory_space<hbm>>
        %dma_start3A_173 = tpu.memref_slice %arg7[%mul3A_169] : memref<10112xf32, #tpu.memory_space<vmem_shared>> -> memref<128xf32, #tpu.memory_space<vmem_shared>>
        tpu.enqueue_dma source(%dma_start3A_173 : memref<128xf32, #tpu.memory_space<vmem_shared>>) target(%dma_start3A_172 : memref<128xf32, #tpu.memory_space<hbm>>) target_semaphore(%run_scoped3A : memref<!tpu.dma_semaphore, #tpu.memory_space<semaphore_mem>>)
        %dma_wait3A = tpu.memref_slice %arg3[%arg0, %mul3A_171] : memref<2x10112xf32, #tpu.memory_space<hbm>> -> memref<1x128xf32, #tpu.memory_space<hbm>>
        %dma_wait3A_174 = tpu.memref_squeeze %dma_wait3A : memref<1x128xf32, #tpu.memory_space<hbm>> -> memref<128xf32, #tpu.memory_space<hbm>>
        %dma_wait3A_175 = tpu.memref_slice %arg7[%mul3A_169] : memref<10112xf32, #tpu.memory_space<vmem_shared>> -> memref<128xf32, #tpu.memory_space<vmem_shared>>
        tpu.wait_dma2 semaphore(%run_scoped3A : memref<!tpu.dma_semaphore, #tpu.memory_space<semaphore_mem>>) src(%dma_wait3A_175 : memref<128xf32, #tpu.memory_space<vmem_shared>>) dst(%dma_wait3A_174 : memref<128xf32, #tpu.memory_space<hbm>>)
        tpu.yield
      }) : () -> ()
    } else {
    }
    %add3A_154 = arith.constant 48 : i32
    %add3A_155 = arith.addi %arg1, %add3A_154 : i32
    %lt3A_156 = arith.constant 79 : i32
    %lt3A_157 = arith.cmpi slt, %add3A_155, %lt3A_156 : i32
    %convert_element_type3A_158 = arith.extui %lt3A_157 : i1 to i32
    %cond3A_159 = arith.constant 0 : i32
    %cond3A_160 = arith.cmpi ne, %convert_element_type3A_158, %cond3A_159 : i32
    scf.if %cond3A_160 {
      %mul3A_168 = arith.constant 128 : i32
      %mul3A_169 = arith.muli %add3A_155, %mul3A_168 : i32
      %mul3A_170 = arith.constant 128 : i32
      %mul3A_171 = arith.muli %add3A_155, %mul3A_170 : i32
      "tpu.region"() ({
        %run_scoped3A = tpu.sem_alloc : memref<!tpu.dma_semaphore, #tpu.memory_space<semaphore_mem>>
        %dma_start3A = tpu.memref_slice %arg3[%arg0, %mul3A_171] : memref<2x10112xf32, #tpu.memory_space<hbm>> -> memref<1x128xf32, #tpu.memory_space<hbm>>
        %dma_start3A_172 = tpu.memref_squeeze %dma_start3A : memref<1x128xf32, #tpu.memory_space<hbm>> -> memref<128xf32, #tpu.memory_space<hbm>>
        %dma_start3A_173 = tpu.memref_slice %arg7[%mul3A_169] : memref<10112xf32, #tpu.memory_space<vmem_shared>> -> memref<128xf32, #tpu.memory_space<vmem_shared>>
        tpu.enqueue_dma source(%dma_start3A_173 : memref<128xf32, #tpu.memory_space<vmem_shared>>) target(%dma_start3A_172 : memref<128xf32, #tpu.memory_space<hbm>>) target_semaphore(%run_scoped3A : memref<!tpu.dma_semaphore, #tpu.memory_space<semaphore_mem>>)
        %dma_wait3A = tpu.memref_slice %arg3[%arg0, %mul3A_171] : memref<2x10112xf32, #tpu.memory_space<hbm>> -> memref<1x128xf32, #tpu.memory_space<hbm>>
        %dma_wait3A_174 = tpu.memref_squeeze %dma_wait3A : memref<1x128xf32, #tpu.memory_space<hbm>> -> memref<128xf32, #tpu.memory_space<hbm>>
        %dma_wait3A_175 = tpu.memref_slice %arg7[%mul3A_169] : memref<10112xf32, #tpu.memory_space<vmem_shared>> -> memref<128xf32, #tpu.memory_space<vmem_shared>>
        tpu.wait_dma2 semaphore(%run_scoped3A : memref<!tpu.dma_semaphore, #tpu.memory_space<semaphore_mem>>) src(%dma_wait3A_175 : memref<128xf32, #tpu.memory_space<vmem_shared>>) dst(%dma_wait3A_174 : memref<128xf32, #tpu.memory_space<hbm>>)
        tpu.yield
      }) : () -> ()
    } else {
    }
    %add3A_161 = arith.constant 64 : i32
    %add3A_162 = arith.addi %arg1, %add3A_161 : i32
    %lt3A_163 = arith.constant 79 : i32
    %lt3A_164 = arith.cmpi slt, %add3A_162, %lt3A_163 : i32
    %convert_element_type3A_165 = arith.extui %lt3A_164 : i1 to i32
    %cond3A_166 = arith.constant 0 : i32
    %cond3A_167 = arith.cmpi ne, %convert_element_type3A_165, %cond3A_166 : i32
    scf.if %cond3A_167 {
      %mul3A_168 = arith.constant 128 : i32
      %mul3A_169 = arith.muli %add3A_162, %mul3A_168 : i32
      %mul3A_170 = arith.constant 128 : i32
      %mul3A_171 = arith.muli %add3A_162, %mul3A_170 : i32
      "tpu.region"() ({
        %run_scoped3A = tpu.sem_alloc : memref<!tpu.dma_semaphore, #tpu.memory_space<semaphore_mem>>
        %dma_start3A = tpu.memref_slice %arg3[%arg0, %mul3A_171] : memref<2x10112xf32, #tpu.memory_space<hbm>> -> memref<1x128xf32, #tpu.memory_space<hbm>>
        %dma_start3A_172 = tpu.memref_squeeze %dma_start3A : memref<1x128xf32, #tpu.memory_space<hbm>> -> memref<128xf32, #tpu.memory_space<hbm>>
        %dma_start3A_173 = tpu.memref_slice %arg7[%mul3A_169] : memref<10112xf32, #tpu.memory_space<vmem_shared>> -> memref<128xf32, #tpu.memory_space<vmem_shared>>
        tpu.enqueue_dma source(%dma_start3A_173 : memref<128xf32, #tpu.memory_space<vmem_shared>>) target(%dma_start3A_172 : memref<128xf32, #tpu.memory_space<hbm>>) target_semaphore(%run_scoped3A : memref<!tpu.dma_semaphore, #tpu.memory_space<semaphore_mem>>)
        %dma_wait3A = tpu.memref_slice %arg3[%arg0, %mul3A_171] : memref<2x10112xf32, #tpu.memory_space<hbm>> -> memref<1x128xf32, #tpu.memory_space<hbm>>
        %dma_wait3A_174 = tpu.memref_squeeze %dma_wait3A : memref<1x128xf32, #tpu.memory_space<hbm>> -> memref<128xf32, #tpu.memory_space<hbm>>
        %dma_wait3A_175 = tpu.memref_slice %arg7[%mul3A_169] : memref<10112xf32, #tpu.memory_space<vmem_shared>> -> memref<128xf32, #tpu.memory_space<vmem_shared>>
        tpu.wait_dma2 semaphore(%run_scoped3A : memref<!tpu.dma_semaphore, #tpu.memory_space<semaphore_mem>>) src(%dma_wait3A_175 : memref<128xf32, #tpu.memory_space<vmem_shared>>) dst(%dma_wait3A_174 : memref<128xf32, #tpu.memory_space<hbm>>)
        tpu.yield
      }) : () -> ()
    } else {
    }
    return
  }
}

#map = affine_map<(d0, d1) -> (0, 0)>
#map1 = affine_map<(d0, d1) -> (0)>
#map2 = affine_map<(d0, d1) -> (0, 0, 0)>
module attributes {stable_mosaic.version = 14 : i64} {
  func.func @_sc_agg(%arg0: i32, %arg1: i32, %arg2: memref<10000x128xf32, #tpu.memory_space<hbm>>, %arg3: memref<320000xi32, #tpu.memory_space<hbm>>, %arg4: memref<320000xi32, #tpu.memory_space<hbm>>, %arg5: memref<2x10112x128xf32, #tpu.memory_space<hbm>>, %arg6: memref<128xi32, #tpu.memory_space<vmem>>, %arg7: memref<128xi32, #tpu.memory_space<vmem>>, %arg8: memref<128x128xf32, #tpu.memory_space<vmem>>, %arg9: memref<10112x128xf32, #tpu.memory_space<vmem_shared>>, %arg10: memref<!tpu.dma_semaphore, #tpu.memory_space<semaphore_mem>>) attributes {dimension_semantics = [#tpu.dimension_semantics<core_parallel>, #tpu.dimension_semantics<subcore_parallel>], iteration_bounds = array<i64: 2, 16>, scalar_prefetch = 0 : i64, scratch_operands = 5 : i64, tpu.core_type = #tpu.core_type<sc_vector_subcore>, window_params = [{transform_indices = #map}, {transform_indices = #map1}, {transform_indices = #map1}, {transform_indices = #map2}]} {
    %mul3A = arith.constant 16 : i32
    %mul3A_0 = arith.muli %arg0, %mul3A : i32
    %add3A = arith.addi %mul3A_0, %arg1 : i32
    %scan3A = arith.constant 0 : i32
    %scan3A_1 = arith.constant 0 : i32
    %scan3A_2 = arith.constant 128 : i32
    %scan3A_3 = arith.addi %scan3A_1, %scan3A_2 : i32
    %scan3A_4 = arith.constant 1 : i32
    scf.for %scan3A_80 = %scan3A_1 to %scan3A_3 step %scan3A_4  : i32 {
      %broadcast_in_dim3A = arith.constant 0.000000e+00 : f32
      %broadcast_in_dim3A_81 = vector.broadcast %broadcast_in_dim3A : f32 to vector<16xf32>
      %swap3A = arith.index_cast %scan3A_80 : i32 to index
      %swap3A_82 = arith.constant 0 : index
      %swap3A_83 = tpu.vector_load %arg8[%swap3A, %swap3A_82] {strides = array<i32>} : memref<128x128xf32, #tpu.memory_space<vmem>>, vector<1x16xf32>,
      %swap3A_84 = vector.shape_cast %swap3A_83 : vector<1x16xf32> to vector<16xf32>
      %swap3A_85 = vector.shape_cast %broadcast_in_dim3A_81 : vector<16xf32> to vector<1x16xf32>
      tpu.vector_store %arg8[%swap3A, %swap3A_82], %swap3A_85 {strides = array<i32>} : memref<128x128xf32, #tpu.memory_space<vmem>>, vector<1x16xf32>,
      %broadcast_in_dim3A_86 = arith.constant 0.000000e+00 : f32
      %broadcast_in_dim3A_87 = vector.broadcast %broadcast_in_dim3A_86 : f32 to vector<16xf32>
      %swap3A_88 = arith.index_cast %scan3A_80 : i32 to index
      %swap3A_89 = arith.constant 16 : index
      %swap3A_90 = tpu.vector_load %arg8[%swap3A_88, %swap3A_89] {strides = array<i32>} : memref<128x128xf32, #tpu.memory_space<vmem>>, vector<1x16xf32>,
      %swap3A_91 = vector.shape_cast %swap3A_90 : vector<1x16xf32> to vector<16xf32>
      %swap3A_92 = vector.shape_cast %broadcast_in_dim3A_87 : vector<16xf32> to vector<1x16xf32>
      tpu.vector_store %arg8[%swap3A_88, %swap3A_89], %swap3A_92 {strides = array<i32>} : memref<128x128xf32, #tpu.memory_space<vmem>>, vector<1x16xf32>,
      %broadcast_in_dim3A_93 = arith.constant 0.000000e+00 : f32
      %broadcast_in_dim3A_94 = vector.broadcast %broadcast_in_dim3A_93 : f32 to vector<16xf32>
      %swap3A_95 = arith.index_cast %scan3A_80 : i32 to index
      %swap3A_96 = arith.constant 32 : index
      %swap3A_97 = tpu.vector_load %arg8[%swap3A_95, %swap3A_96] {strides = array<i32>} : memref<128x128xf32, #tpu.memory_space<vmem>>, vector<1x16xf32>,
      %swap3A_98 = vector.shape_cast %swap3A_97 : vector<1x16xf32> to vector<16xf32>
      %swap3A_99 = vector.shape_cast %broadcast_in_dim3A_94 : vector<16xf32> to vector<1x16xf32>
      tpu.vector_store %arg8[%swap3A_95, %swap3A_96], %swap3A_99 {strides = array<i32>} : memref<128x128xf32, #tpu.memory_space<vmem>>, vector<1x16xf32>,
      %broadcast_in_dim3A_100 = arith.constant 0.000000e+00 : f32
      %broadcast_in_dim3A_101 = vector.broadcast %broadcast_in_dim3A_100 : f32 to vector<16xf32>
      %swap3A_102 = arith.index_cast %scan3A_80 : i32 to index
      %swap3A_103 = arith.constant 48 : index
      %swap3A_104 = tpu.vector_load %arg8[%swap3A_102, %swap3A_103] {strides = array<i32>} : memref<128x128xf32, #tpu.memory_space<vmem>>, vector<1x16xf32>,
      %swap3A_105 = vector.shape_cast %swap3A_104 : vector<1x16xf32> to vector<16xf32>
      %swap3A_106 = vector.shape_cast %broadcast_in_dim3A_101 : vector<16xf32> to vector<1x16xf32>
      tpu.vector_store %arg8[%swap3A_102, %swap3A_103], %swap3A_106 {strides = array<i32>} : memref<128x128xf32, #tpu.memory_space<vmem>>, vector<1x16xf32>,
      %broadcast_in_dim3A_107 = arith.constant 0.000000e+00 : f32
      %broadcast_in_dim3A_108 = vector.broadcast %broadcast_in_dim3A_107 : f32 to vector<16xf32>
      %swap3A_109 = arith.index_cast %scan3A_80 : i32 to index
      %swap3A_110 = arith.constant 64 : index
      %swap3A_111 = tpu.vector_load %arg8[%swap3A_109, %swap3A_110] {strides = array<i32>} : memref<128x128xf32, #tpu.memory_space<vmem>>, vector<1x16xf32>,
      %swap3A_112 = vector.shape_cast %swap3A_111 : vector<1x16xf32> to vector<16xf32>
      %swap3A_113 = vector.shape_cast %broadcast_in_dim3A_108 : vector<16xf32> to vector<1x16xf32>
      tpu.vector_store %arg8[%swap3A_109, %swap3A_110], %swap3A_113 {strides = array<i32>} : memref<128x128xf32, #tpu.memory_space<vmem>>, vector<1x16xf32>,
      %broadcast_in_dim3A_114 = arith.constant 0.000000e+00 : f32
      %broadcast_in_dim3A_115 = vector.broadcast %broadcast_in_dim3A_114 : f32 to vector<16xf32>
      %swap3A_116 = arith.index_cast %scan3A_80 : i32 to index
      %swap3A_117 = arith.constant 80 : index
      %swap3A_118 = tpu.vector_load %arg8[%swap3A_116, %swap3A_117] {strides = array<i32>} : memref<128x128xf32, #tpu.memory_space<vmem>>, vector<1x16xf32>,
      %swap3A_119 = vector.shape_cast %swap3A_118 : vector<1x16xf32> to vector<16xf32>
      %swap3A_120 = vector.shape_cast %broadcast_in_dim3A_115 : vector<16xf32> to vector<1x16xf32>
      tpu.vector_store %arg8[%swap3A_116, %swap3A_117], %swap3A_120 {strides = array<i32>} : memref<128x128xf32, #tpu.memory_space<vmem>>, vector<1x16xf32>,
      %broadcast_in_dim3A_121 = arith.constant 0.000000e+00 : f32
      %broadcast_in_dim3A_122 = vector.broadcast %broadcast_in_dim3A_121 : f32 to vector<16xf32>
      %swap3A_123 = arith.index_cast %scan3A_80 : i32 to index
      %swap3A_124 = arith.constant 96 : index
      %swap3A_125 = tpu.vector_load %arg8[%swap3A_123, %swap3A_124] {strides = array<i32>} : memref<128x128xf32, #tpu.memory_space<vmem>>, vector<1x16xf32>,
      %swap3A_126 = vector.shape_cast %swap3A_125 : vector<1x16xf32> to vector<16xf32>
      %swap3A_127 = vector.shape_cast %broadcast_in_dim3A_122 : vector<16xf32> to vector<1x16xf32>
      tpu.vector_store %arg8[%swap3A_123, %swap3A_124], %swap3A_127 {strides = array<i32>} : memref<128x128xf32, #tpu.memory_space<vmem>>, vector<1x16xf32>,
      %broadcast_in_dim3A_128 = arith.constant 0.000000e+00 : f32
      %broadcast_in_dim3A_129 = vector.broadcast %broadcast_in_dim3A_128 : f32 to vector<16xf32>
      %swap3A_130 = arith.index_cast %scan3A_80 : i32 to index
      %swap3A_131 = arith.constant 112 : index
      %swap3A_132 = tpu.vector_load %arg8[%swap3A_130, %swap3A_131] {strides = array<i32>} : memref<128x128xf32, #tpu.memory_space<vmem>>, vector<1x16xf32>,
      %swap3A_133 = vector.shape_cast %swap3A_132 : vector<1x16xf32> to vector<16xf32>
      %swap3A_134 = vector.shape_cast %broadcast_in_dim3A_129 : vector<16xf32> to vector<1x16xf32>
      tpu.vector_store %arg8[%swap3A_130, %swap3A_131], %swap3A_134 {strides = array<i32>} : memref<128x128xf32, #tpu.memory_space<vmem>>, vector<1x16xf32>,
    }
    %scan3A_5 = arith.constant 128 : i32
    %add3A_6 = arith.constant 0 : i32
    %add3A_7 = arith.addi %arg1, %add3A_6 : i32
    %lt3A = arith.constant 79 : i32
    %lt3A_8 = arith.cmpi slt, %add3A_7, %lt3A : i32
    %convert_element_type3A = arith.extui %lt3A_8 : i1 to i32
    %cond3A = arith.constant 0 : i32
    %cond3A_9 = arith.cmpi ne, %convert_element_type3A, %cond3A : i32
    scf.if %cond3A_9 {
      %mul3A_80 = arith.constant 128 : i32
      %mul3A_81 = arith.muli %add3A_7, %mul3A_80 : i32
      "tpu.region"() ({
        %run_scoped3A = tpu.sem_alloc : memref<!tpu.dma_semaphore, #tpu.memory_space<semaphore_mem>>
        %dma_start3A = arith.constant 0 : i32
        %dma_start3A_82 = tpu.memref_slice %arg9[%mul3A_81, %dma_start3A] : memref<10112x128xf32, #tpu.memory_space<vmem_shared>> -> memref<128x128xf32, #tpu.memory_space<vmem_shared>>
        %dma_start3A_83 = arith.constant 0 : i32
        %dma_start3A_84 = tpu.memref_slice %arg9[%mul3A_81, %dma_start3A_83] : memref<10112x128xf32, #tpu.memory_space<vmem_shared>> -> memref<128x128xf32, #tpu.memory_space<vmem_shared>>
        tpu.enqueue_dma source(%arg8 : memref<128x128xf32, #tpu.memory_space<vmem>>) target(%dma_start3A_84 : memref<128x128xf32, #tpu.memory_space<vmem_shared>>) target_semaphore(%run_scoped3A : memref<!tpu.dma_semaphore, #tpu.memory_space<semaphore_mem>>)
        %dma_wait3A = arith.constant 0 : i32
        %dma_wait3A_85 = tpu.memref_slice %arg9[%mul3A_81, %dma_wait3A] : memref<10112x128xf32, #tpu.memory_space<vmem_shared>> -> memref<128x128xf32, #tpu.memory_space<vmem_shared>>
        %dma_wait3A_86 = arith.constant 0 : i32
        %dma_wait3A_87 = tpu.memref_slice %arg9[%mul3A_81, %dma_wait3A_86] : memref<10112x128xf32, #tpu.memory_space<vmem_shared>> -> memref<128x128xf32, #tpu.memory_space<vmem_shared>>
        tpu.wait_dma2 semaphore(%run_scoped3A : memref<!tpu.dma_semaphore, #tpu.memory_space<semaphore_mem>>) src(%arg8 : memref<128x128xf32, #tpu.memory_space<vmem>>) dst(%dma_wait3A_87 : memref<128x128xf32, #tpu.memory_space<vmem_shared>>)
        tpu.yield
      }) : () -> ()
    } else {
    }
    %add3A_10 = arith.constant 16 : i32
    %add3A_11 = arith.addi %arg1, %add3A_10 : i32
    %lt3A_12 = arith.constant 79 : i32
    %lt3A_13 = arith.cmpi slt, %add3A_11, %lt3A_12 : i32
    %convert_element_type3A_14 = arith.extui %lt3A_13 : i1 to i32
    %cond3A_15 = arith.constant 0 : i32
    %cond3A_16 = arith.cmpi ne, %convert_element_type3A_14, %cond3A_15 : i32
    scf.if %cond3A_16 {
      %mul3A_80 = arith.constant 128 : i32
      %mul3A_81 = arith.muli %add3A_11, %mul3A_80 : i32
      "tpu.region"() ({
        %run_scoped3A = tpu.sem_alloc : memref<!tpu.dma_semaphore, #tpu.memory_space<semaphore_mem>>
        %dma_start3A = arith.constant 0 : i32
        %dma_start3A_82 = tpu.memref_slice %arg9[%mul3A_81, %dma_start3A] : memref<10112x128xf32, #tpu.memory_space<vmem_shared>> -> memref<128x128xf32, #tpu.memory_space<vmem_shared>>
        %dma_start3A_83 = arith.constant 0 : i32
        %dma_start3A_84 = tpu.memref_slice %arg9[%mul3A_81, %dma_start3A_83] : memref<10112x128xf32, #tpu.memory_space<vmem_shared>> -> memref<128x128xf32, #tpu.memory_space<vmem_shared>>
        tpu.enqueue_dma source(%arg8 : memref<128x128xf32, #tpu.memory_space<vmem>>) target(%dma_start3A_84 : memref<128x128xf32, #tpu.memory_space<vmem_shared>>) target_semaphore(%run_scoped3A : memref<!tpu.dma_semaphore, #tpu.memory_space<semaphore_mem>>)
        %dma_wait3A = arith.constant 0 : i32
        %dma_wait3A_85 = tpu.memref_slice %arg9[%mul3A_81, %dma_wait3A] : memref<10112x128xf32, #tpu.memory_space<vmem_shared>> -> memref<128x128xf32, #tpu.memory_space<vmem_shared>>
        %dma_wait3A_86 = arith.constant 0 : i32
        %dma_wait3A_87 = tpu.memref_slice %arg9[%mul3A_81, %dma_wait3A_86] : memref<10112x128xf32, #tpu.memory_space<vmem_shared>> -> memref<128x128xf32, #tpu.memory_space<vmem_shared>>
        tpu.wait_dma2 semaphore(%run_scoped3A : memref<!tpu.dma_semaphore, #tpu.memory_space<semaphore_mem>>) src(%arg8 : memref<128x128xf32, #tpu.memory_space<vmem>>) dst(%dma_wait3A_87 : memref<128x128xf32, #tpu.memory_space<vmem_shared>>)
        tpu.yield
      }) : () -> ()
    } else {
    }
    %add3A_17 = arith.constant 32 : i32
    %add3A_18 = arith.addi %arg1, %add3A_17 : i32
    %lt3A_19 = arith.constant 79 : i32
    %lt3A_20 = arith.cmpi slt, %add3A_18, %lt3A_19 : i32
    %convert_element_type3A_21 = arith.extui %lt3A_20 : i1 to i32
    %cond3A_22 = arith.constant 0 : i32
    %cond3A_23 = arith.cmpi ne, %convert_element_type3A_21, %cond3A_22 : i32
    scf.if %cond3A_23 {
      %mul3A_80 = arith.constant 128 : i32
      %mul3A_81 = arith.muli %add3A_18, %mul3A_80 : i32
      "tpu.region"() ({
        %run_scoped3A = tpu.sem_alloc : memref<!tpu.dma_semaphore, #tpu.memory_space<semaphore_mem>>
        %dma_start3A = arith.constant 0 : i32
        %dma_start3A_82 = tpu.memref_slice %arg9[%mul3A_81, %dma_start3A] : memref<10112x128xf32, #tpu.memory_space<vmem_shared>> -> memref<128x128xf32, #tpu.memory_space<vmem_shared>>
        %dma_start3A_83 = arith.constant 0 : i32
        %dma_start3A_84 = tpu.memref_slice %arg9[%mul3A_81, %dma_start3A_83] : memref<10112x128xf32, #tpu.memory_space<vmem_shared>> -> memref<128x128xf32, #tpu.memory_space<vmem_shared>>
        tpu.enqueue_dma source(%arg8 : memref<128x128xf32, #tpu.memory_space<vmem>>) target(%dma_start3A_84 : memref<128x128xf32, #tpu.memory_space<vmem_shared>>) target_semaphore(%run_scoped3A : memref<!tpu.dma_semaphore, #tpu.memory_space<semaphore_mem>>)
        %dma_wait3A = arith.constant 0 : i32
        %dma_wait3A_85 = tpu.memref_slice %arg9[%mul3A_81, %dma_wait3A] : memref<10112x128xf32, #tpu.memory_space<vmem_shared>> -> memref<128x128xf32, #tpu.memory_space<vmem_shared>>
        %dma_wait3A_86 = arith.constant 0 : i32
        %dma_wait3A_87 = tpu.memref_slice %arg9[%mul3A_81, %dma_wait3A_86] : memref<10112x128xf32, #tpu.memory_space<vmem_shared>> -> memref<128x128xf32, #tpu.memory_space<vmem_shared>>
        tpu.wait_dma2 semaphore(%run_scoped3A : memref<!tpu.dma_semaphore, #tpu.memory_space<semaphore_mem>>) src(%arg8 : memref<128x128xf32, #tpu.memory_space<vmem>>) dst(%dma_wait3A_87 : memref<128x128xf32, #tpu.memory_space<vmem_shared>>)
        tpu.yield
      }) : () -> ()
    } else {
    }
    %add3A_24 = arith.constant 48 : i32
    %add3A_25 = arith.addi %arg1, %add3A_24 : i32
    %lt3A_26 = arith.constant 79 : i32
    %lt3A_27 = arith.cmpi slt, %add3A_25, %lt3A_26 : i32
    %convert_element_type3A_28 = arith.extui %lt3A_27 : i1 to i32
    %cond3A_29 = arith.constant 0 : i32
    %cond3A_30 = arith.cmpi ne, %convert_element_type3A_28, %cond3A_29 : i32
    scf.if %cond3A_30 {
      %mul3A_80 = arith.constant 128 : i32
      %mul3A_81 = arith.muli %add3A_25, %mul3A_80 : i32
      "tpu.region"() ({
        %run_scoped3A = tpu.sem_alloc : memref<!tpu.dma_semaphore, #tpu.memory_space<semaphore_mem>>
        %dma_start3A = arith.constant 0 : i32
        %dma_start3A_82 = tpu.memref_slice %arg9[%mul3A_81, %dma_start3A] : memref<10112x128xf32, #tpu.memory_space<vmem_shared>> -> memref<128x128xf32, #tpu.memory_space<vmem_shared>>
        %dma_start3A_83 = arith.constant 0 : i32
        %dma_start3A_84 = tpu.memref_slice %arg9[%mul3A_81, %dma_start3A_83] : memref<10112x128xf32, #tpu.memory_space<vmem_shared>> -> memref<128x128xf32, #tpu.memory_space<vmem_shared>>
        tpu.enqueue_dma source(%arg8 : memref<128x128xf32, #tpu.memory_space<vmem>>) target(%dma_start3A_84 : memref<128x128xf32, #tpu.memory_space<vmem_shared>>) target_semaphore(%run_scoped3A : memref<!tpu.dma_semaphore, #tpu.memory_space<semaphore_mem>>)
        %dma_wait3A = arith.constant 0 : i32
        %dma_wait3A_85 = tpu.memref_slice %arg9[%mul3A_81, %dma_wait3A] : memref<10112x128xf32, #tpu.memory_space<vmem_shared>> -> memref<128x128xf32, #tpu.memory_space<vmem_shared>>
        %dma_wait3A_86 = arith.constant 0 : i32
        %dma_wait3A_87 = tpu.memref_slice %arg9[%mul3A_81, %dma_wait3A_86] : memref<10112x128xf32, #tpu.memory_space<vmem_shared>> -> memref<128x128xf32, #tpu.memory_space<vmem_shared>>
        tpu.wait_dma2 semaphore(%run_scoped3A : memref<!tpu.dma_semaphore, #tpu.memory_space<semaphore_mem>>) src(%arg8 : memref<128x128xf32, #tpu.memory_space<vmem>>) dst(%dma_wait3A_87 : memref<128x128xf32, #tpu.memory_space<vmem_shared>>)
        tpu.yield
      }) : () -> ()
    } else {
    }
    %add3A_31 = arith.constant 64 : i32
    %add3A_32 = arith.addi %arg1, %add3A_31 : i32
    %lt3A_33 = arith.constant 79 : i32
    %lt3A_34 = arith.cmpi slt, %add3A_32, %lt3A_33 : i32
    %convert_element_type3A_35 = arith.extui %lt3A_34 : i1 to i32
    %cond3A_36 = arith.constant 0 : i32
    %cond3A_37 = arith.cmpi ne, %convert_element_type3A_35, %cond3A_36 : i32
    scf.if %cond3A_37 {
      %mul3A_80 = arith.constant 128 : i32
      %mul3A_81 = arith.muli %add3A_32, %mul3A_80 : i32
      "tpu.region"() ({
        %run_scoped3A = tpu.sem_alloc : memref<!tpu.dma_semaphore, #tpu.memory_space<semaphore_mem>>
        %dma_start3A = arith.constant 0 : i32
        %dma_start3A_82 = tpu.memref_slice %arg9[%mul3A_81, %dma_start3A] : memref<10112x128xf32, #tpu.memory_space<vmem_shared>> -> memref<128x128xf32, #tpu.memory_space<vmem_shared>>
        %dma_start3A_83 = arith.constant 0 : i32
        %dma_start3A_84 = tpu.memref_slice %arg9[%mul3A_81, %dma_start3A_83] : memref<10112x128xf32, #tpu.memory_space<vmem_shared>> -> memref<128x128xf32, #tpu.memory_space<vmem_shared>>
        tpu.enqueue_dma source(%arg8 : memref<128x128xf32, #tpu.memory_space<vmem>>) target(%dma_start3A_84 : memref<128x128xf32, #tpu.memory_space<vmem_shared>>) target_semaphore(%run_scoped3A : memref<!tpu.dma_semaphore, #tpu.memory_space<semaphore_mem>>)
        %dma_wait3A = arith.constant 0 : i32
        %dma_wait3A_85 = tpu.memref_slice %arg9[%mul3A_81, %dma_wait3A] : memref<10112x128xf32, #tpu.memory_space<vmem_shared>> -> memref<128x128xf32, #tpu.memory_space<vmem_shared>>
        %dma_wait3A_86 = arith.constant 0 : i32
        %dma_wait3A_87 = tpu.memref_slice %arg9[%mul3A_81, %dma_wait3A_86] : memref<10112x128xf32, #tpu.memory_space<vmem_shared>> -> memref<128x128xf32, #tpu.memory_space<vmem_shared>>
        tpu.wait_dma2 semaphore(%run_scoped3A : memref<!tpu.dma_semaphore, #tpu.memory_space<semaphore_mem>>) src(%arg8 : memref<128x128xf32, #tpu.memory_space<vmem>>) dst(%dma_wait3A_87 : memref<128x128xf32, #tpu.memory_space<vmem_shared>>)
        tpu.yield
      }) : () -> ()
    } else {
    }
    %barrier3A = arith.constant 0 : index
    tpu.barrier barrier_id(%barrier3A)
    %scan3A_38 = arith.constant 0 : i32
    %scan3A_39 = arith.constant 0 : i32
    %scan3A_40 = arith.constant 79 : i32
    %scan3A_41 = arith.addi %scan3A_39, %scan3A_40 : i32
    %scan3A_42 = arith.constant 1 : i32
    scf.for %scan3A_80 = %scan3A_39 to %scan3A_41 step %scan3A_42  : i32 {
      %mul3A_81 = arith.constant 32 : i32
      %mul3A_82 = arith.muli %scan3A_80, %mul3A_81 : i32
      %add3A_83 = arith.addi %add3A, %mul3A_82 : i32
      %lt3A_84 = arith.constant 2500 : i32
      %lt3A_85 = arith.cmpi slt, %add3A_83, %lt3A_84 : i32
      %convert_element_type3A_86 = arith.extui %lt3A_85 : i1 to i32
      %cond3A_87 = arith.constant 0 : i32
      %cond3A_88 = arith.cmpi ne, %convert_element_type3A_86, %cond3A_87 : i32
      scf.if %cond3A_88 {
        %mul3A_89 = arith.constant 128 : i32
        %mul3A_90 = arith.muli %add3A_83, %mul3A_89 : i32
        "tpu.region"() ({
          %run_scoped3A = tpu.sem_alloc : memref<!tpu.dma_semaphore, #tpu.memory_space<semaphore_mem>>
          %dma_start3A_97 = tpu.memref_slice %arg3[%mul3A_90] : memref<320000xi32, #tpu.memory_space<hbm>> -> memref<128xi32, #tpu.memory_space<hbm>>
          %dma_start3A_98 = tpu.memref_slice %arg3[%mul3A_90] : memref<320000xi32, #tpu.memory_space<hbm>> -> memref<128xi32, #tpu.memory_space<hbm>>
          tpu.enqueue_dma source(%dma_start3A_98 : memref<128xi32, #tpu.memory_space<hbm>>) target(%arg6 : memref<128xi32, #tpu.memory_space<vmem>>) target_semaphore(%run_scoped3A : memref<!tpu.dma_semaphore, #tpu.memory_space<semaphore_mem>>)
          %dma_wait3A_99 = tpu.memref_slice %arg3[%mul3A_90] : memref<320000xi32, #tpu.memory_space<hbm>> -> memref<128xi32, #tpu.memory_space<hbm>>
          %dma_wait3A_100 = tpu.memref_slice %arg3[%mul3A_90] : memref<320000xi32, #tpu.memory_space<hbm>> -> memref<128xi32, #tpu.memory_space<hbm>>
          tpu.wait_dma2 semaphore(%run_scoped3A : memref<!tpu.dma_semaphore, #tpu.memory_space<semaphore_mem>>) src(%dma_wait3A_100 : memref<128xi32, #tpu.memory_space<hbm>>) dst(%arg6 : memref<128xi32, #tpu.memory_space<vmem>>)
          tpu.yield
        }) : () -> ()
        %dma_start3A = arith.constant 0 : i32
        %dma_start3A_91 = arith.constant 0 : i32
        %dma_start3A_92 = tpu.memref_slice %arg2[%dma_start3A, %dma_start3A_91] : memref<10000x128xf32, #tpu.memory_space<hbm>> -> memref<10000x128xf32, #tpu.memory_space<hbm>>
        tpu.enqueue_indirect_dma source(%dma_start3A_92 : memref<10000x128xf32, #tpu.memory_space<hbm>>) target(%arg8 : memref<128x128xf32, #tpu.memory_space<vmem>>) offsets(%arg6 : memref<128xi32, #tpu.memory_space<vmem>>) semaphore(%arg10 : memref<!tpu.dma_semaphore, #tpu.memory_space<semaphore_mem>>)
        %dma_wait3A = arith.constant 0 : i32
        %dma_wait3A_93 = arith.constant 0 : i32
        %dma_wait3A_94 = tpu.memref_slice %arg2[%dma_wait3A, %dma_wait3A_93] : memref<10000x128xf32, #tpu.memory_space<hbm>> -> memref<10000x128xf32, #tpu.memory_space<hbm>>
        tpu.wait_indirect_dma semaphore(%arg10 : memref<!tpu.dma_semaphore, #tpu.memory_space<semaphore_mem>>) src(%dma_wait3A_94 : memref<10000x128xf32, #tpu.memory_space<hbm>>) dst(%arg8 : memref<128x128xf32, #tpu.memory_space<vmem>>)
        %mul3A_95 = arith.constant 128 : i32
        %mul3A_96 = arith.muli %add3A_83, %mul3A_95 : i32
        "tpu.region"() ({
          %run_scoped3A = tpu.sem_alloc : memref<!tpu.dma_semaphore, #tpu.memory_space<semaphore_mem>>
          %dma_start3A_97 = tpu.memref_slice %arg4[%mul3A_96] : memref<320000xi32, #tpu.memory_space<hbm>> -> memref<128xi32, #tpu.memory_space<hbm>>
          %dma_start3A_98 = tpu.memref_slice %arg4[%mul3A_96] : memref<320000xi32, #tpu.memory_space<hbm>> -> memref<128xi32, #tpu.memory_space<hbm>>
          tpu.enqueue_dma source(%dma_start3A_98 : memref<128xi32, #tpu.memory_space<hbm>>) target(%arg7 : memref<128xi32, #tpu.memory_space<vmem>>) target_semaphore(%run_scoped3A : memref<!tpu.dma_semaphore, #tpu.memory_space<semaphore_mem>>)
          %dma_wait3A_99 = tpu.memref_slice %arg4[%mul3A_96] : memref<320000xi32, #tpu.memory_space<hbm>> -> memref<128xi32, #tpu.memory_space<hbm>>
          %dma_wait3A_100 = tpu.memref_slice %arg4[%mul3A_96] : memref<320000xi32, #tpu.memory_space<hbm>> -> memref<128xi32, #tpu.memory_space<hbm>>
          tpu.wait_dma2 semaphore(%run_scoped3A : memref<!tpu.dma_semaphore, #tpu.memory_space<semaphore_mem>>) src(%dma_wait3A_100 : memref<128xi32, #tpu.memory_space<hbm>>) dst(%arg7 : memref<128xi32, #tpu.memory_space<vmem>>)
          tpu.yield
        }) : () -> ()
        "tpu.region"() ({
          %run_scoped3A = tpu.sem_alloc : memref<!tpu.dma_semaphore, #tpu.memory_space<semaphore_mem>>
          %dma_start3A_97 = arith.constant 0 : i32
          %dma_start3A_98 = arith.constant 0 : i32
          %dma_start3A_99 = tpu.memref_slice %arg9[%dma_start3A_97, %dma_start3A_98] : memref<10112x128xf32, #tpu.memory_space<vmem_shared>> -> memref<10112x128xf32, #tpu.memory_space<vmem_shared>>
          tpu.enqueue_indirect_dma source(%arg8 : memref<128x128xf32, #tpu.memory_space<vmem>>) target(%dma_start3A_99 : memref<10112x128xf32, #tpu.memory_space<vmem_shared>>) offsets(%arg7 : memref<128xi32, #tpu.memory_space<vmem>>) semaphore(%run_scoped3A : memref<!tpu.dma_semaphore, #tpu.memory_space<semaphore_mem>>) {add = true}
          %dma_wait3A_100 = arith.constant 0 : i32
          %dma_wait3A_101 = arith.constant 0 : i32
          %dma_wait3A_102 = tpu.memref_slice %arg9[%dma_wait3A_100, %dma_wait3A_101] : memref<10112x128xf32, #tpu.memory_space<vmem_shared>> -> memref<10112x128xf32, #tpu.memory_space<vmem_shared>>
          tpu.wait_indirect_dma semaphore(%run_scoped3A : memref<!tpu.dma_semaphore, #tpu.memory_space<semaphore_mem>>) src(%arg8 : memref<128x128xf32, #tpu.memory_space<vmem>>) dst(%dma_wait3A_102 : memref<10112x128xf32, #tpu.memory_space<vmem_shared>>)
          tpu.yield
        }) : () -> ()
      } else {
      }
    }
    %scan3A_43 = arith.constant 79 : i32
    %barrier3A_44 = arith.constant 0 : index
    tpu.barrier barrier_id(%barrier3A_44)
    %add3A_45 = arith.constant 0 : i32
    %add3A_46 = arith.addi %arg1, %add3A_45 : i32
    %lt3A_47 = arith.constant 79 : i32
    %lt3A_48 = arith.cmpi slt, %add3A_46, %lt3A_47 : i32
    %convert_element_type3A_49 = arith.extui %lt3A_48 : i1 to i32
    %cond3A_50 = arith.constant 0 : i32
    %cond3A_51 = arith.cmpi ne, %convert_element_type3A_49, %cond3A_50 : i32
    scf.if %cond3A_51 {
      %mul3A_80 = arith.constant 128 : i32
      %mul3A_81 = arith.muli %add3A_46, %mul3A_80 : i32
      %mul3A_82 = arith.constant 128 : i32
      %mul3A_83 = arith.muli %add3A_46, %mul3A_82 : i32
      "tpu.region"() ({
        %run_scoped3A = tpu.sem_alloc : memref<!tpu.dma_semaphore, #tpu.memory_space<semaphore_mem>>
        %dma_start3A = arith.constant 0 : i32
        %dma_start3A_84 = tpu.memref_slice %arg5[%arg0, %mul3A_83, %dma_start3A] : memref<2x10112x128xf32, #tpu.memory_space<hbm>> -> memref<1x128x128xf32, #tpu.memory_space<hbm>>
        %dma_start3A_85 = tpu.memref_squeeze %dma_start3A_84 : memref<1x128x128xf32, #tpu.memory_space<hbm>> -> memref<128x128xf32, #tpu.memory_space<hbm>>
        %dma_start3A_86 = arith.constant 0 : i32
        %dma_start3A_87 = tpu.memref_slice %arg9[%mul3A_81, %dma_start3A_86] : memref<10112x128xf32, #tpu.memory_space<vmem_shared>> -> memref<128x128xf32, #tpu.memory_space<vmem_shared>>
        tpu.enqueue_dma source(%dma_start3A_87 : memref<128x128xf32, #tpu.memory_space<vmem_shared>>) target(%dma_start3A_85 : memref<128x128xf32, #tpu.memory_space<hbm>>) target_semaphore(%run_scoped3A : memref<!tpu.dma_semaphore, #tpu.memory_space<semaphore_mem>>)
        %dma_wait3A = arith.constant 0 : i32
        %dma_wait3A_88 = tpu.memref_slice %arg5[%arg0, %mul3A_83, %dma_wait3A] : memref<2x10112x128xf32, #tpu.memory_space<hbm>> -> memref<1x128x128xf32, #tpu.memory_space<hbm>>
        %dma_wait3A_89 = tpu.memref_squeeze %dma_wait3A_88 : memref<1x128x128xf32, #tpu.memory_space<hbm>> -> memref<128x128xf32, #tpu.memory_space<hbm>>
        %dma_wait3A_90 = arith.constant 0 : i32
        %dma_wait3A_91 = tpu.memref_slice %arg9[%mul3A_81, %dma_wait3A_90] : memref<10112x128xf32, #tpu.memory_space<vmem_shared>> -> memref<128x128xf32, #tpu.memory_space<vmem_shared>>
        tpu.wait_dma2 semaphore(%run_scoped3A : memref<!tpu.dma_semaphore, #tpu.memory_space<semaphore_mem>>) src(%dma_wait3A_91 : memref<128x128xf32, #tpu.memory_space<vmem_shared>>) dst(%dma_wait3A_89 : memref<128x128xf32, #tpu.memory_space<hbm>>)
        tpu.yield
      }) : () -> ()
    } else {
    }
    %add3A_52 = arith.constant 16 : i32
    %add3A_53 = arith.addi %arg1, %add3A_52 : i32
    %lt3A_54 = arith.constant 79 : i32
    %lt3A_55 = arith.cmpi slt, %add3A_53, %lt3A_54 : i32
    %convert_element_type3A_56 = arith.extui %lt3A_55 : i1 to i32
    %cond3A_57 = arith.constant 0 : i32
    %cond3A_58 = arith.cmpi ne, %convert_element_type3A_56, %cond3A_57 : i32
    scf.if %cond3A_58 {
      %mul3A_80 = arith.constant 128 : i32
      %mul3A_81 = arith.muli %add3A_53, %mul3A_80 : i32
      %mul3A_82 = arith.constant 128 : i32
      %mul3A_83 = arith.muli %add3A_53, %mul3A_82 : i32
      "tpu.region"() ({
        %run_scoped3A = tpu.sem_alloc : memref<!tpu.dma_semaphore, #tpu.memory_space<semaphore_mem>>
        %dma_start3A = arith.constant 0 : i32
        %dma_start3A_84 = tpu.memref_slice %arg5[%arg0, %mul3A_83, %dma_start3A] : memref<2x10112x128xf32, #tpu.memory_space<hbm>> -> memref<1x128x128xf32, #tpu.memory_space<hbm>>
        %dma_start3A_85 = tpu.memref_squeeze %dma_start3A_84 : memref<1x128x128xf32, #tpu.memory_space<hbm>> -> memref<128x128xf32, #tpu.memory_space<hbm>>
        %dma_start3A_86 = arith.constant 0 : i32
        %dma_start3A_87 = tpu.memref_slice %arg9[%mul3A_81, %dma_start3A_86] : memref<10112x128xf32, #tpu.memory_space<vmem_shared>> -> memref<128x128xf32, #tpu.memory_space<vmem_shared>>
        tpu.enqueue_dma source(%dma_start3A_87 : memref<128x128xf32, #tpu.memory_space<vmem_shared>>) target(%dma_start3A_85 : memref<128x128xf32, #tpu.memory_space<hbm>>) target_semaphore(%run_scoped3A : memref<!tpu.dma_semaphore, #tpu.memory_space<semaphore_mem>>)
        %dma_wait3A = arith.constant 0 : i32
        %dma_wait3A_88 = tpu.memref_slice %arg5[%arg0, %mul3A_83, %dma_wait3A] : memref<2x10112x128xf32, #tpu.memory_space<hbm>> -> memref<1x128x128xf32, #tpu.memory_space<hbm>>
        %dma_wait3A_89 = tpu.memref_squeeze %dma_wait3A_88 : memref<1x128x128xf32, #tpu.memory_space<hbm>> -> memref<128x128xf32, #tpu.memory_space<hbm>>
        %dma_wait3A_90 = arith.constant 0 : i32
        %dma_wait3A_91 = tpu.memref_slice %arg9[%mul3A_81, %dma_wait3A_90] : memref<10112x128xf32, #tpu.memory_space<vmem_shared>> -> memref<128x128xf32, #tpu.memory_space<vmem_shared>>
        tpu.wait_dma2 semaphore(%run_scoped3A : memref<!tpu.dma_semaphore, #tpu.memory_space<semaphore_mem>>) src(%dma_wait3A_91 : memref<128x128xf32, #tpu.memory_space<vmem_shared>>) dst(%dma_wait3A_89 : memref<128x128xf32, #tpu.memory_space<hbm>>)
        tpu.yield
      }) : () -> ()
    } else {
    }
    %add3A_59 = arith.constant 32 : i32
    %add3A_60 = arith.addi %arg1, %add3A_59 : i32
    %lt3A_61 = arith.constant 79 : i32
    %lt3A_62 = arith.cmpi slt, %add3A_60, %lt3A_61 : i32
    %convert_element_type3A_63 = arith.extui %lt3A_62 : i1 to i32
    %cond3A_64 = arith.constant 0 : i32
    %cond3A_65 = arith.cmpi ne, %convert_element_type3A_63, %cond3A_64 : i32
    scf.if %cond3A_65 {
      %mul3A_80 = arith.constant 128 : i32
      %mul3A_81 = arith.muli %add3A_60, %mul3A_80 : i32
      %mul3A_82 = arith.constant 128 : i32
      %mul3A_83 = arith.muli %add3A_60, %mul3A_82 : i32
      "tpu.region"() ({
        %run_scoped3A = tpu.sem_alloc : memref<!tpu.dma_semaphore, #tpu.memory_space<semaphore_mem>>
        %dma_start3A = arith.constant 0 : i32
        %dma_start3A_84 = tpu.memref_slice %arg5[%arg0, %mul3A_83, %dma_start3A] : memref<2x10112x128xf32, #tpu.memory_space<hbm>> -> memref<1x128x128xf32, #tpu.memory_space<hbm>>
        %dma_start3A_85 = tpu.memref_squeeze %dma_start3A_84 : memref<1x128x128xf32, #tpu.memory_space<hbm>> -> memref<128x128xf32, #tpu.memory_space<hbm>>
        %dma_start3A_86 = arith.constant 0 : i32
        %dma_start3A_87 = tpu.memref_slice %arg9[%mul3A_81, %dma_start3A_86] : memref<10112x128xf32, #tpu.memory_space<vmem_shared>> -> memref<128x128xf32, #tpu.memory_space<vmem_shared>>
        tpu.enqueue_dma source(%dma_start3A_87 : memref<128x128xf32, #tpu.memory_space<vmem_shared>>) target(%dma_start3A_85 : memref<128x128xf32, #tpu.memory_space<hbm>>) target_semaphore(%run_scoped3A : memref<!tpu.dma_semaphore, #tpu.memory_space<semaphore_mem>>)
        %dma_wait3A = arith.constant 0 : i32
        %dma_wait3A_88 = tpu.memref_slice %arg5[%arg0, %mul3A_83, %dma_wait3A] : memref<2x10112x128xf32, #tpu.memory_space<hbm>> -> memref<1x128x128xf32, #tpu.memory_space<hbm>>
        %dma_wait3A_89 = tpu.memref_squeeze %dma_wait3A_88 : memref<1x128x128xf32, #tpu.memory_space<hbm>> -> memref<128x128xf32, #tpu.memory_space<hbm>>
        %dma_wait3A_90 = arith.constant 0 : i32
        %dma_wait3A_91 = tpu.memref_slice %arg9[%mul3A_81, %dma_wait3A_90] : memref<10112x128xf32, #tpu.memory_space<vmem_shared>> -> memref<128x128xf32, #tpu.memory_space<vmem_shared>>
        tpu.wait_dma2 semaphore(%run_scoped3A : memref<!tpu.dma_semaphore, #tpu.memory_space<semaphore_mem>>) src(%dma_wait3A_91 : memref<128x128xf32, #tpu.memory_space<vmem_shared>>) dst(%dma_wait3A_89 : memref<128x128xf32, #tpu.memory_space<hbm>>)
        tpu.yield
      }) : () -> ()
    } else {
    }
    %add3A_66 = arith.constant 48 : i32
    %add3A_67 = arith.addi %arg1, %add3A_66 : i32
    %lt3A_68 = arith.constant 79 : i32
    %lt3A_69 = arith.cmpi slt, %add3A_67, %lt3A_68 : i32
    %convert_element_type3A_70 = arith.extui %lt3A_69 : i1 to i32
    %cond3A_71 = arith.constant 0 : i32
    %cond3A_72 = arith.cmpi ne, %convert_element_type3A_70, %cond3A_71 : i32
    scf.if %cond3A_72 {
      %mul3A_80 = arith.constant 128 : i32
      %mul3A_81 = arith.muli %add3A_67, %mul3A_80 : i32
      %mul3A_82 = arith.constant 128 : i32
      %mul3A_83 = arith.muli %add3A_67, %mul3A_82 : i32
      "tpu.region"() ({
        %run_scoped3A = tpu.sem_alloc : memref<!tpu.dma_semaphore, #tpu.memory_space<semaphore_mem>>
        %dma_start3A = arith.constant 0 : i32
        %dma_start3A_84 = tpu.memref_slice %arg5[%arg0, %mul3A_83, %dma_start3A] : memref<2x10112x128xf32, #tpu.memory_space<hbm>> -> memref<1x128x128xf32, #tpu.memory_space<hbm>>
        %dma_start3A_85 = tpu.memref_squeeze %dma_start3A_84 : memref<1x128x128xf32, #tpu.memory_space<hbm>> -> memref<128x128xf32, #tpu.memory_space<hbm>>
        %dma_start3A_86 = arith.constant 0 : i32
        %dma_start3A_87 = tpu.memref_slice %arg9[%mul3A_81, %dma_start3A_86] : memref<10112x128xf32, #tpu.memory_space<vmem_shared>> -> memref<128x128xf32, #tpu.memory_space<vmem_shared>>
        tpu.enqueue_dma source(%dma_start3A_87 : memref<128x128xf32, #tpu.memory_space<vmem_shared>>) target(%dma_start3A_85 : memref<128x128xf32, #tpu.memory_space<hbm>>) target_semaphore(%run_scoped3A : memref<!tpu.dma_semaphore, #tpu.memory_space<semaphore_mem>>)
        %dma_wait3A = arith.constant 0 : i32
        %dma_wait3A_88 = tpu.memref_slice %arg5[%arg0, %mul3A_83, %dma_wait3A] : memref<2x10112x128xf32, #tpu.memory_space<hbm>> -> memref<1x128x128xf32, #tpu.memory_space<hbm>>
        %dma_wait3A_89 = tpu.memref_squeeze %dma_wait3A_88 : memref<1x128x128xf32, #tpu.memory_space<hbm>> -> memref<128x128xf32, #tpu.memory_space<hbm>>
        %dma_wait3A_90 = arith.constant 0 : i32
        %dma_wait3A_91 = tpu.memref_slice %arg9[%mul3A_81, %dma_wait3A_90] : memref<10112x128xf32, #tpu.memory_space<vmem_shared>> -> memref<128x128xf32, #tpu.memory_space<vmem_shared>>
        tpu.wait_dma2 semaphore(%run_scoped3A : memref<!tpu.dma_semaphore, #tpu.memory_space<semaphore_mem>>) src(%dma_wait3A_91 : memref<128x128xf32, #tpu.memory_space<vmem_shared>>) dst(%dma_wait3A_89 : memref<128x128xf32, #tpu.memory_space<hbm>>)
        tpu.yield
      }) : () -> ()
    } else {
    }
    %add3A_73 = arith.constant 64 : i32
    %add3A_74 = arith.addi %arg1, %add3A_73 : i32
    %lt3A_75 = arith.constant 79 : i32
    %lt3A_76 = arith.cmpi slt, %add3A_74, %lt3A_75 : i32
    %convert_element_type3A_77 = arith.extui %lt3A_76 : i1 to i32
    %cond3A_78 = arith.constant 0 : i32
    %cond3A_79 = arith.cmpi ne, %convert_element_type3A_77, %cond3A_78 : i32
    scf.if %cond3A_79 {
      %mul3A_80 = arith.constant 128 : i32
      %mul3A_81 = arith.muli %add3A_74, %mul3A_80 : i32
      %mul3A_82 = arith.constant 128 : i32
      %mul3A_83 = arith.muli %add3A_74, %mul3A_82 : i32
      "tpu.region"() ({
        %run_scoped3A = tpu.sem_alloc : memref<!tpu.dma_semaphore, #tpu.memory_space<semaphore_mem>>
        %dma_start3A = arith.constant 0 : i32
        %dma_start3A_84 = tpu.memref_slice %arg5[%arg0, %mul3A_83, %dma_start3A] : memref<2x10112x128xf32, #tpu.memory_space<hbm>> -> memref<1x128x128xf32, #tpu.memory_space<hbm>>
        %dma_start3A_85 = tpu.memref_squeeze %dma_start3A_84 : memref<1x128x128xf32, #tpu.memory_space<hbm>> -> memref<128x128xf32, #tpu.memory_space<hbm>>
        %dma_start3A_86 = arith.constant 0 : i32
        %dma_start3A_87 = tpu.memref_slice %arg9[%mul3A_81, %dma_start3A_86] : memref<10112x128xf32, #tpu.memory_space<vmem_shared>> -> memref<128x128xf32, #tpu.memory_space<vmem_shared>>
        tpu.enqueue_dma source(%dma_start3A_87 : memref<128x128xf32, #tpu.memory_space<vmem_shared>>) target(%dma_start3A_85 : memref<128x128xf32, #tpu.memory_space<hbm>>) target_semaphore(%run_scoped3A : memref<!tpu.dma_semaphore, #tpu.memory_space<semaphore_mem>>)
        %dma_wait3A = arith.constant 0 : i32
        %dma_wait3A_88 = tpu.memref_slice %arg5[%arg0, %mul3A_83, %dma_wait3A] : memref<2x10112x128xf32, #tpu.memory_space<hbm>> -> memref<1x128x128xf32, #tpu.memory_space<hbm>>
        %dma_wait3A_89 = tpu.memref_squeeze %dma_wait3A_88 : memref<1x128x128xf32, #tpu.memory_space<hbm>> -> memref<128x128xf32, #tpu.memory_space<hbm>>
        %dma_wait3A_90 = arith.constant 0 : i32
        %dma_wait3A_91 = tpu.memref_slice %arg9[%mul3A_81, %dma_wait3A_90] : memref<10112x128xf32, #tpu.memory_space<vmem_shared>> -> memref<128x128xf32, #tpu.memory_space<vmem_shared>>
        tpu.wait_dma2 semaphore(%run_scoped3A : memref<!tpu.dma_semaphore, #tpu.memory_space<semaphore_mem>>) src(%dma_wait3A_91 : memref<128x128xf32, #tpu.memory_space<vmem_shared>>) dst(%dma_wait3A_89 : memref<128x128xf32, #tpu.memory_space<hbm>>)
        tpu.yield
      }) : () -> ()
    } else {
    }
    return
  }
}

#map = affine_map<(d0, d1) -> (0, 0)>
#map1 = affine_map<(d0, d1) -> (0)>
#map2 = affine_map<(d0, d1) -> (0, 0, 0)>
module attributes {stable_mosaic.version = 14 : i64} {
  func.func @_sc_agg(%arg0: i32, %arg1: i32, %arg2: memref<10000x128xf32, #tpu.memory_space<hbm>>, %arg3: memref<320000xi32, #tpu.memory_space<hbm>>, %arg4: memref<320000xi32, #tpu.memory_space<hbm>>, %arg5: memref<2x10112x128xf32, #tpu.memory_space<hbm>>, %arg6: memref<128xi32, #tpu.memory_space<vmem>>, %arg7: memref<128xi32, #tpu.memory_space<vmem>>, %arg8: memref<128x128xf32, #tpu.memory_space<vmem>>, %arg9: memref<10112x128xf32, #tpu.memory_space<vmem_shared>>, %arg10: memref<!tpu.dma_semaphore, #tpu.memory_space<semaphore_mem>>) attributes {dimension_semantics = [#tpu.dimension_semantics<core_parallel>, #tpu.dimension_semantics<subcore_parallel>], iteration_bounds = array<i64: 2, 16>, scalar_prefetch = 0 : i64, scratch_operands = 5 : i64, tpu.core_type = #tpu.core_type<sc_vector_subcore>, window_params = [{transform_indices = #map}, {transform_indices = #map1}, {transform_indices = #map1}, {transform_indices = #map2}]} {
    %mul3A = arith.constant 16 : i32
    %mul3A_0 = arith.muli %arg0, %mul3A : i32
    %add3A = arith.addi %mul3A_0, %arg1 : i32
    %scan3A = arith.constant 0 : i32
    %scan3A_1 = arith.constant 0 : i32
    %scan3A_2 = arith.constant 128 : i32
    %scan3A_3 = arith.addi %scan3A_1, %scan3A_2 : i32
    %scan3A_4 = arith.constant 1 : i32
    scf.for %scan3A_80 = %scan3A_1 to %scan3A_3 step %scan3A_4  : i32 {
      %broadcast_in_dim3A = arith.constant 0.000000e+00 : f32
      %broadcast_in_dim3A_81 = vector.broadcast %broadcast_in_dim3A : f32 to vector<16xf32>
      %swap3A = arith.index_cast %scan3A_80 : i32 to index
      %swap3A_82 = arith.constant 0 : index
      %swap3A_83 = tpu.vector_load %arg8[%swap3A, %swap3A_82] {strides = array<i32>} : memref<128x128xf32, #tpu.memory_space<vmem>>, vector<1x16xf32>,
      %swap3A_84 = vector.shape_cast %swap3A_83 : vector<1x16xf32> to vector<16xf32>
      %swap3A_85 = vector.shape_cast %broadcast_in_dim3A_81 : vector<16xf32> to vector<1x16xf32>
      tpu.vector_store %arg8[%swap3A, %swap3A_82], %swap3A_85 {strides = array<i32>} : memref<128x128xf32, #tpu.memory_space<vmem>>, vector<1x16xf32>,
      %broadcast_in_dim3A_86 = arith.constant 0.000000e+00 : f32
      %broadcast_in_dim3A_87 = vector.broadcast %broadcast_in_dim3A_86 : f32 to vector<16xf32>
      %swap3A_88 = arith.index_cast %scan3A_80 : i32 to index
      %swap3A_89 = arith.constant 16 : index
      %swap3A_90 = tpu.vector_load %arg8[%swap3A_88, %swap3A_89] {strides = array<i32>} : memref<128x128xf32, #tpu.memory_space<vmem>>, vector<1x16xf32>,
      %swap3A_91 = vector.shape_cast %swap3A_90 : vector<1x16xf32> to vector<16xf32>
      %swap3A_92 = vector.shape_cast %broadcast_in_dim3A_87 : vector<16xf32> to vector<1x16xf32>
      tpu.vector_store %arg8[%swap3A_88, %swap3A_89], %swap3A_92 {strides = array<i32>} : memref<128x128xf32, #tpu.memory_space<vmem>>, vector<1x16xf32>,
      %broadcast_in_dim3A_93 = arith.constant 0.000000e+00 : f32
      %broadcast_in_dim3A_94 = vector.broadcast %broadcast_in_dim3A_93 : f32 to vector<16xf32>
      %swap3A_95 = arith.index_cast %scan3A_80 : i32 to index
      %swap3A_96 = arith.constant 32 : index
      %swap3A_97 = tpu.vector_load %arg8[%swap3A_95, %swap3A_96] {strides = array<i32>} : memref<128x128xf32, #tpu.memory_space<vmem>>, vector<1x16xf32>,
      %swap3A_98 = vector.shape_cast %swap3A_97 : vector<1x16xf32> to vector<16xf32>
      %swap3A_99 = vector.shape_cast %broadcast_in_dim3A_94 : vector<16xf32> to vector<1x16xf32>
      tpu.vector_store %arg8[%swap3A_95, %swap3A_96], %swap3A_99 {strides = array<i32>} : memref<128x128xf32, #tpu.memory_space<vmem>>, vector<1x16xf32>,
      %broadcast_in_dim3A_100 = arith.constant 0.000000e+00 : f32
      %broadcast_in_dim3A_101 = vector.broadcast %broadcast_in_dim3A_100 : f32 to vector<16xf32>
      %swap3A_102 = arith.index_cast %scan3A_80 : i32 to index
      %swap3A_103 = arith.constant 48 : index
      %swap3A_104 = tpu.vector_load %arg8[%swap3A_102, %swap3A_103] {strides = array<i32>} : memref<128x128xf32, #tpu.memory_space<vmem>>, vector<1x16xf32>,
      %swap3A_105 = vector.shape_cast %swap3A_104 : vector<1x16xf32> to vector<16xf32>
      %swap3A_106 = vector.shape_cast %broadcast_in_dim3A_101 : vector<16xf32> to vector<1x16xf32>
      tpu.vector_store %arg8[%swap3A_102, %swap3A_103], %swap3A_106 {strides = array<i32>} : memref<128x128xf32, #tpu.memory_space<vmem>>, vector<1x16xf32>,
      %broadcast_in_dim3A_107 = arith.constant 0.000000e+00 : f32
      %broadcast_in_dim3A_108 = vector.broadcast %broadcast_in_dim3A_107 : f32 to vector<16xf32>
      %swap3A_109 = arith.index_cast %scan3A_80 : i32 to index
      %swap3A_110 = arith.constant 64 : index
      %swap3A_111 = tpu.vector_load %arg8[%swap3A_109, %swap3A_110] {strides = array<i32>} : memref<128x128xf32, #tpu.memory_space<vmem>>, vector<1x16xf32>,
      %swap3A_112 = vector.shape_cast %swap3A_111 : vector<1x16xf32> to vector<16xf32>
      %swap3A_113 = vector.shape_cast %broadcast_in_dim3A_108 : vector<16xf32> to vector<1x16xf32>
      tpu.vector_store %arg8[%swap3A_109, %swap3A_110], %swap3A_113 {strides = array<i32>} : memref<128x128xf32, #tpu.memory_space<vmem>>, vector<1x16xf32>,
      %broadcast_in_dim3A_114 = arith.constant 0.000000e+00 : f32
      %broadcast_in_dim3A_115 = vector.broadcast %broadcast_in_dim3A_114 : f32 to vector<16xf32>
      %swap3A_116 = arith.index_cast %scan3A_80 : i32 to index
      %swap3A_117 = arith.constant 80 : index
      %swap3A_118 = tpu.vector_load %arg8[%swap3A_116, %swap3A_117] {strides = array<i32>} : memref<128x128xf32, #tpu.memory_space<vmem>>, vector<1x16xf32>,
      %swap3A_119 = vector.shape_cast %swap3A_118 : vector<1x16xf32> to vector<16xf32>
      %swap3A_120 = vector.shape_cast %broadcast_in_dim3A_115 : vector<16xf32> to vector<1x16xf32>
      tpu.vector_store %arg8[%swap3A_116, %swap3A_117], %swap3A_120 {strides = array<i32>} : memref<128x128xf32, #tpu.memory_space<vmem>>, vector<1x16xf32>,
      %broadcast_in_dim3A_121 = arith.constant 0.000000e+00 : f32
      %broadcast_in_dim3A_122 = vector.broadcast %broadcast_in_dim3A_121 : f32 to vector<16xf32>
      %swap3A_123 = arith.index_cast %scan3A_80 : i32 to index
      %swap3A_124 = arith.constant 96 : index
      %swap3A_125 = tpu.vector_load %arg8[%swap3A_123, %swap3A_124] {strides = array<i32>} : memref<128x128xf32, #tpu.memory_space<vmem>>, vector<1x16xf32>,
      %swap3A_126 = vector.shape_cast %swap3A_125 : vector<1x16xf32> to vector<16xf32>
      %swap3A_127 = vector.shape_cast %broadcast_in_dim3A_122 : vector<16xf32> to vector<1x16xf32>
      tpu.vector_store %arg8[%swap3A_123, %swap3A_124], %swap3A_127 {strides = array<i32>} : memref<128x128xf32, #tpu.memory_space<vmem>>, vector<1x16xf32>,
      %broadcast_in_dim3A_128 = arith.constant 0.000000e+00 : f32
      %broadcast_in_dim3A_129 = vector.broadcast %broadcast_in_dim3A_128 : f32 to vector<16xf32>
      %swap3A_130 = arith.index_cast %scan3A_80 : i32 to index
      %swap3A_131 = arith.constant 112 : index
      %swap3A_132 = tpu.vector_load %arg8[%swap3A_130, %swap3A_131] {strides = array<i32>} : memref<128x128xf32, #tpu.memory_space<vmem>>, vector<1x16xf32>,
      %swap3A_133 = vector.shape_cast %swap3A_132 : vector<1x16xf32> to vector<16xf32>
      %swap3A_134 = vector.shape_cast %broadcast_in_dim3A_129 : vector<16xf32> to vector<1x16xf32>
      tpu.vector_store %arg8[%swap3A_130, %swap3A_131], %swap3A_134 {strides = array<i32>} : memref<128x128xf32, #tpu.memory_space<vmem>>, vector<1x16xf32>,
    }
    %scan3A_5 = arith.constant 128 : i32
    %add3A_6 = arith.constant 0 : i32
    %add3A_7 = arith.addi %arg1, %add3A_6 : i32
    %lt3A = arith.constant 79 : i32
    %lt3A_8 = arith.cmpi slt, %add3A_7, %lt3A : i32
    %convert_element_type3A = arith.extui %lt3A_8 : i1 to i32
    %cond3A = arith.constant 0 : i32
    %cond3A_9 = arith.cmpi ne, %convert_element_type3A, %cond3A : i32
    scf.if %cond3A_9 {
      %mul3A_80 = arith.constant 128 : i32
      %mul3A_81 = arith.muli %add3A_7, %mul3A_80 : i32
      "tpu.region"() ({
        %run_scoped3A = tpu.sem_alloc : memref<!tpu.dma_semaphore, #tpu.memory_space<semaphore_mem>>
        %dma_start3A = arith.constant 0 : i32
        %dma_start3A_82 = tpu.memref_slice %arg9[%mul3A_81, %dma_start3A] : memref<10112x128xf32, #tpu.memory_space<vmem_shared>> -> memref<128x128xf32, #tpu.memory_space<vmem_shared>>
        %dma_start3A_83 = arith.constant 0 : i32
        %dma_start3A_84 = tpu.memref_slice %arg9[%mul3A_81, %dma_start3A_83] : memref<10112x128xf32, #tpu.memory_space<vmem_shared>> -> memref<128x128xf32, #tpu.memory_space<vmem_shared>>
        tpu.enqueue_dma source(%arg8 : memref<128x128xf32, #tpu.memory_space<vmem>>) target(%dma_start3A_84 : memref<128x128xf32, #tpu.memory_space<vmem_shared>>) target_semaphore(%run_scoped3A : memref<!tpu.dma_semaphore, #tpu.memory_space<semaphore_mem>>)
        %dma_wait3A = arith.constant 0 : i32
        %dma_wait3A_85 = tpu.memref_slice %arg9[%mul3A_81, %dma_wait3A] : memref<10112x128xf32, #tpu.memory_space<vmem_shared>> -> memref<128x128xf32, #tpu.memory_space<vmem_shared>>
        %dma_wait3A_86 = arith.constant 0 : i32
        %dma_wait3A_87 = tpu.memref_slice %arg9[%mul3A_81, %dma_wait3A_86] : memref<10112x128xf32, #tpu.memory_space<vmem_shared>> -> memref<128x128xf32, #tpu.memory_space<vmem_shared>>
        tpu.wait_dma2 semaphore(%run_scoped3A : memref<!tpu.dma_semaphore, #tpu.memory_space<semaphore_mem>>) src(%arg8 : memref<128x128xf32, #tpu.memory_space<vmem>>) dst(%dma_wait3A_87 : memref<128x128xf32, #tpu.memory_space<vmem_shared>>)
        tpu.yield
      }) : () -> ()
    } else {
    }
    %add3A_10 = arith.constant 16 : i32
    %add3A_11 = arith.addi %arg1, %add3A_10 : i32
    %lt3A_12 = arith.constant 79 : i32
    %lt3A_13 = arith.cmpi slt, %add3A_11, %lt3A_12 : i32
    %convert_element_type3A_14 = arith.extui %lt3A_13 : i1 to i32
    %cond3A_15 = arith.constant 0 : i32
    %cond3A_16 = arith.cmpi ne, %convert_element_type3A_14, %cond3A_15 : i32
    scf.if %cond3A_16 {
      %mul3A_80 = arith.constant 128 : i32
      %mul3A_81 = arith.muli %add3A_11, %mul3A_80 : i32
      "tpu.region"() ({
        %run_scoped3A = tpu.sem_alloc : memref<!tpu.dma_semaphore, #tpu.memory_space<semaphore_mem>>
        %dma_start3A = arith.constant 0 : i32
        %dma_start3A_82 = tpu.memref_slice %arg9[%mul3A_81, %dma_start3A] : memref<10112x128xf32, #tpu.memory_space<vmem_shared>> -> memref<128x128xf32, #tpu.memory_space<vmem_shared>>
        %dma_start3A_83 = arith.constant 0 : i32
        %dma_start3A_84 = tpu.memref_slice %arg9[%mul3A_81, %dma_start3A_83] : memref<10112x128xf32, #tpu.memory_space<vmem_shared>> -> memref<128x128xf32, #tpu.memory_space<vmem_shared>>
        tpu.enqueue_dma source(%arg8 : memref<128x128xf32, #tpu.memory_space<vmem>>) target(%dma_start3A_84 : memref<128x128xf32, #tpu.memory_space<vmem_shared>>) target_semaphore(%run_scoped3A : memref<!tpu.dma_semaphore, #tpu.memory_space<semaphore_mem>>)
        %dma_wait3A = arith.constant 0 : i32
        %dma_wait3A_85 = tpu.memref_slice %arg9[%mul3A_81, %dma_wait3A] : memref<10112x128xf32, #tpu.memory_space<vmem_shared>> -> memref<128x128xf32, #tpu.memory_space<vmem_shared>>
        %dma_wait3A_86 = arith.constant 0 : i32
        %dma_wait3A_87 = tpu.memref_slice %arg9[%mul3A_81, %dma_wait3A_86] : memref<10112x128xf32, #tpu.memory_space<vmem_shared>> -> memref<128x128xf32, #tpu.memory_space<vmem_shared>>
        tpu.wait_dma2 semaphore(%run_scoped3A : memref<!tpu.dma_semaphore, #tpu.memory_space<semaphore_mem>>) src(%arg8 : memref<128x128xf32, #tpu.memory_space<vmem>>) dst(%dma_wait3A_87 : memref<128x128xf32, #tpu.memory_space<vmem_shared>>)
        tpu.yield
      }) : () -> ()
    } else {
    }
    %add3A_17 = arith.constant 32 : i32
    %add3A_18 = arith.addi %arg1, %add3A_17 : i32
    %lt3A_19 = arith.constant 79 : i32
    %lt3A_20 = arith.cmpi slt, %add3A_18, %lt3A_19 : i32
    %convert_element_type3A_21 = arith.extui %lt3A_20 : i1 to i32
    %cond3A_22 = arith.constant 0 : i32
    %cond3A_23 = arith.cmpi ne, %convert_element_type3A_21, %cond3A_22 : i32
    scf.if %cond3A_23 {
      %mul3A_80 = arith.constant 128 : i32
      %mul3A_81 = arith.muli %add3A_18, %mul3A_80 : i32
      "tpu.region"() ({
        %run_scoped3A = tpu.sem_alloc : memref<!tpu.dma_semaphore, #tpu.memory_space<semaphore_mem>>
        %dma_start3A = arith.constant 0 : i32
        %dma_start3A_82 = tpu.memref_slice %arg9[%mul3A_81, %dma_start3A] : memref<10112x128xf32, #tpu.memory_space<vmem_shared>> -> memref<128x128xf32, #tpu.memory_space<vmem_shared>>
        %dma_start3A_83 = arith.constant 0 : i32
        %dma_start3A_84 = tpu.memref_slice %arg9[%mul3A_81, %dma_start3A_83] : memref<10112x128xf32, #tpu.memory_space<vmem_shared>> -> memref<128x128xf32, #tpu.memory_space<vmem_shared>>
        tpu.enqueue_dma source(%arg8 : memref<128x128xf32, #tpu.memory_space<vmem>>) target(%dma_start3A_84 : memref<128x128xf32, #tpu.memory_space<vmem_shared>>) target_semaphore(%run_scoped3A : memref<!tpu.dma_semaphore, #tpu.memory_space<semaphore_mem>>)
        %dma_wait3A = arith.constant 0 : i32
        %dma_wait3A_85 = tpu.memref_slice %arg9[%mul3A_81, %dma_wait3A] : memref<10112x128xf32, #tpu.memory_space<vmem_shared>> -> memref<128x128xf32, #tpu.memory_space<vmem_shared>>
        %dma_wait3A_86 = arith.constant 0 : i32
        %dma_wait3A_87 = tpu.memref_slice %arg9[%mul3A_81, %dma_wait3A_86] : memref<10112x128xf32, #tpu.memory_space<vmem_shared>> -> memref<128x128xf32, #tpu.memory_space<vmem_shared>>
        tpu.wait_dma2 semaphore(%run_scoped3A : memref<!tpu.dma_semaphore, #tpu.memory_space<semaphore_mem>>) src(%arg8 : memref<128x128xf32, #tpu.memory_space<vmem>>) dst(%dma_wait3A_87 : memref<128x128xf32, #tpu.memory_space<vmem_shared>>)
        tpu.yield
      }) : () -> ()
    } else {
    }
    %add3A_24 = arith.constant 48 : i32
    %add3A_25 = arith.addi %arg1, %add3A_24 : i32
    %lt3A_26 = arith.constant 79 : i32
    %lt3A_27 = arith.cmpi slt, %add3A_25, %lt3A_26 : i32
    %convert_element_type3A_28 = arith.extui %lt3A_27 : i1 to i32
    %cond3A_29 = arith.constant 0 : i32
    %cond3A_30 = arith.cmpi ne, %convert_element_type3A_28, %cond3A_29 : i32
    scf.if %cond3A_30 {
      %mul3A_80 = arith.constant 128 : i32
      %mul3A_81 = arith.muli %add3A_25, %mul3A_80 : i32
      "tpu.region"() ({
        %run_scoped3A = tpu.sem_alloc : memref<!tpu.dma_semaphore, #tpu.memory_space<semaphore_mem>>
        %dma_start3A = arith.constant 0 : i32
        %dma_start3A_82 = tpu.memref_slice %arg9[%mul3A_81, %dma_start3A] : memref<10112x128xf32, #tpu.memory_space<vmem_shared>> -> memref<128x128xf32, #tpu.memory_space<vmem_shared>>
        %dma_start3A_83 = arith.constant 0 : i32
        %dma_start3A_84 = tpu.memref_slice %arg9[%mul3A_81, %dma_start3A_83] : memref<10112x128xf32, #tpu.memory_space<vmem_shared>> -> memref<128x128xf32, #tpu.memory_space<vmem_shared>>
        tpu.enqueue_dma source(%arg8 : memref<128x128xf32, #tpu.memory_space<vmem>>) target(%dma_start3A_84 : memref<128x128xf32, #tpu.memory_space<vmem_shared>>) target_semaphore(%run_scoped3A : memref<!tpu.dma_semaphore, #tpu.memory_space<semaphore_mem>>)
        %dma_wait3A = arith.constant 0 : i32
        %dma_wait3A_85 = tpu.memref_slice %arg9[%mul3A_81, %dma_wait3A] : memref<10112x128xf32, #tpu.memory_space<vmem_shared>> -> memref<128x128xf32, #tpu.memory_space<vmem_shared>>
        %dma_wait3A_86 = arith.constant 0 : i32
        %dma_wait3A_87 = tpu.memref_slice %arg9[%mul3A_81, %dma_wait3A_86] : memref<10112x128xf32, #tpu.memory_space<vmem_shared>> -> memref<128x128xf32, #tpu.memory_space<vmem_shared>>
        tpu.wait_dma2 semaphore(%run_scoped3A : memref<!tpu.dma_semaphore, #tpu.memory_space<semaphore_mem>>) src(%arg8 : memref<128x128xf32, #tpu.memory_space<vmem>>) dst(%dma_wait3A_87 : memref<128x128xf32, #tpu.memory_space<vmem_shared>>)
        tpu.yield
      }) : () -> ()
    } else {
    }
    %add3A_31 = arith.constant 64 : i32
    %add3A_32 = arith.addi %arg1, %add3A_31 : i32
    %lt3A_33 = arith.constant 79 : i32
    %lt3A_34 = arith.cmpi slt, %add3A_32, %lt3A_33 : i32
    %convert_element_type3A_35 = arith.extui %lt3A_34 : i1 to i32
    %cond3A_36 = arith.constant 0 : i32
    %cond3A_37 = arith.cmpi ne, %convert_element_type3A_35, %cond3A_36 : i32
    scf.if %cond3A_37 {
      %mul3A_80 = arith.constant 128 : i32
      %mul3A_81 = arith.muli %add3A_32, %mul3A_80 : i32
      "tpu.region"() ({
        %run_scoped3A = tpu.sem_alloc : memref<!tpu.dma_semaphore, #tpu.memory_space<semaphore_mem>>
        %dma_start3A = arith.constant 0 : i32
        %dma_start3A_82 = tpu.memref_slice %arg9[%mul3A_81, %dma_start3A] : memref<10112x128xf32, #tpu.memory_space<vmem_shared>> -> memref<128x128xf32, #tpu.memory_space<vmem_shared>>
        %dma_start3A_83 = arith.constant 0 : i32
        %dma_start3A_84 = tpu.memref_slice %arg9[%mul3A_81, %dma_start3A_83] : memref<10112x128xf32, #tpu.memory_space<vmem_shared>> -> memref<128x128xf32, #tpu.memory_space<vmem_shared>>
        tpu.enqueue_dma source(%arg8 : memref<128x128xf32, #tpu.memory_space<vmem>>) target(%dma_start3A_84 : memref<128x128xf32, #tpu.memory_space<vmem_shared>>) target_semaphore(%run_scoped3A : memref<!tpu.dma_semaphore, #tpu.memory_space<semaphore_mem>>)
        %dma_wait3A = arith.constant 0 : i32
        %dma_wait3A_85 = tpu.memref_slice %arg9[%mul3A_81, %dma_wait3A] : memref<10112x128xf32, #tpu.memory_space<vmem_shared>> -> memref<128x128xf32, #tpu.memory_space<vmem_shared>>
        %dma_wait3A_86 = arith.constant 0 : i32
        %dma_wait3A_87 = tpu.memref_slice %arg9[%mul3A_81, %dma_wait3A_86] : memref<10112x128xf32, #tpu.memory_space<vmem_shared>> -> memref<128x128xf32, #tpu.memory_space<vmem_shared>>
        tpu.wait_dma2 semaphore(%run_scoped3A : memref<!tpu.dma_semaphore, #tpu.memory_space<semaphore_mem>>) src(%arg8 : memref<128x128xf32, #tpu.memory_space<vmem>>) dst(%dma_wait3A_87 : memref<128x128xf32, #tpu.memory_space<vmem_shared>>)
        tpu.yield
      }) : () -> ()
    } else {
    }
    %barrier3A = arith.constant 0 : index
    tpu.barrier barrier_id(%barrier3A)
    %scan3A_38 = arith.constant 0 : i32
    %scan3A_39 = arith.constant 0 : i32
    %scan3A_40 = arith.constant 79 : i32
    %scan3A_41 = arith.addi %scan3A_39, %scan3A_40 : i32
    %scan3A_42 = arith.constant 1 : i32
    scf.for %scan3A_80 = %scan3A_39 to %scan3A_41 step %scan3A_42  : i32 {
      %mul3A_81 = arith.constant 32 : i32
      %mul3A_82 = arith.muli %scan3A_80, %mul3A_81 : i32
      %add3A_83 = arith.addi %add3A, %mul3A_82 : i32
      %lt3A_84 = arith.constant 2500 : i32
      %lt3A_85 = arith.cmpi slt, %add3A_83, %lt3A_84 : i32
      %convert_element_type3A_86 = arith.extui %lt3A_85 : i1 to i32
      %cond3A_87 = arith.constant 0 : i32
      %cond3A_88 = arith.cmpi ne, %convert_element_type3A_86, %cond3A_87 : i32
      scf.if %cond3A_88 {
        %mul3A_89 = arith.constant 128 : i32
        %mul3A_90 = arith.muli %add3A_83, %mul3A_89 : i32
        "tpu.region"() ({
          %run_scoped3A = tpu.sem_alloc : memref<!tpu.dma_semaphore, #tpu.memory_space<semaphore_mem>>
          %dma_start3A_97 = tpu.memref_slice %arg3[%mul3A_90] : memref<320000xi32, #tpu.memory_space<hbm>> -> memref<128xi32, #tpu.memory_space<hbm>>
          %dma_start3A_98 = tpu.memref_slice %arg3[%mul3A_90] : memref<320000xi32, #tpu.memory_space<hbm>> -> memref<128xi32, #tpu.memory_space<hbm>>
          tpu.enqueue_dma source(%dma_start3A_98 : memref<128xi32, #tpu.memory_space<hbm>>) target(%arg6 : memref<128xi32, #tpu.memory_space<vmem>>) target_semaphore(%run_scoped3A : memref<!tpu.dma_semaphore, #tpu.memory_space<semaphore_mem>>)
          %dma_wait3A_99 = tpu.memref_slice %arg3[%mul3A_90] : memref<320000xi32, #tpu.memory_space<hbm>> -> memref<128xi32, #tpu.memory_space<hbm>>
          %dma_wait3A_100 = tpu.memref_slice %arg3[%mul3A_90] : memref<320000xi32, #tpu.memory_space<hbm>> -> memref<128xi32, #tpu.memory_space<hbm>>
          tpu.wait_dma2 semaphore(%run_scoped3A : memref<!tpu.dma_semaphore, #tpu.memory_space<semaphore_mem>>) src(%dma_wait3A_100 : memref<128xi32, #tpu.memory_space<hbm>>) dst(%arg6 : memref<128xi32, #tpu.memory_space<vmem>>)
          tpu.yield
        }) : () -> ()
        %dma_start3A = arith.constant 0 : i32
        %dma_start3A_91 = arith.constant 0 : i32
        %dma_start3A_92 = tpu.memref_slice %arg2[%dma_start3A, %dma_start3A_91] : memref<10000x128xf32, #tpu.memory_space<hbm>> -> memref<10000x128xf32, #tpu.memory_space<hbm>>
        tpu.enqueue_indirect_dma source(%dma_start3A_92 : memref<10000x128xf32, #tpu.memory_space<hbm>>) target(%arg8 : memref<128x128xf32, #tpu.memory_space<vmem>>) offsets(%arg6 : memref<128xi32, #tpu.memory_space<vmem>>) semaphore(%arg10 : memref<!tpu.dma_semaphore, #tpu.memory_space<semaphore_mem>>)
        %dma_wait3A = arith.constant 0 : i32
        %dma_wait3A_93 = arith.constant 0 : i32
        %dma_wait3A_94 = tpu.memref_slice %arg2[%dma_wait3A, %dma_wait3A_93] : memref<10000x128xf32, #tpu.memory_space<hbm>> -> memref<10000x128xf32, #tpu.memory_space<hbm>>
        tpu.wait_indirect_dma semaphore(%arg10 : memref<!tpu.dma_semaphore, #tpu.memory_space<semaphore_mem>>) src(%dma_wait3A_94 : memref<10000x128xf32, #tpu.memory_space<hbm>>) dst(%arg8 : memref<128x128xf32, #tpu.memory_space<vmem>>)
        %mul3A_95 = arith.constant 128 : i32
        %mul3A_96 = arith.muli %add3A_83, %mul3A_95 : i32
        "tpu.region"() ({
          %run_scoped3A = tpu.sem_alloc : memref<!tpu.dma_semaphore, #tpu.memory_space<semaphore_mem>>
          %dma_start3A_97 = tpu.memref_slice %arg4[%mul3A_96] : memref<320000xi32, #tpu.memory_space<hbm>> -> memref<128xi32, #tpu.memory_space<hbm>>
          %dma_start3A_98 = tpu.memref_slice %arg4[%mul3A_96] : memref<320000xi32, #tpu.memory_space<hbm>> -> memref<128xi32, #tpu.memory_space<hbm>>
          tpu.enqueue_dma source(%dma_start3A_98 : memref<128xi32, #tpu.memory_space<hbm>>) target(%arg7 : memref<128xi32, #tpu.memory_space<vmem>>) target_semaphore(%run_scoped3A : memref<!tpu.dma_semaphore, #tpu.memory_space<semaphore_mem>>)
          %dma_wait3A_99 = tpu.memref_slice %arg4[%mul3A_96] : memref<320000xi32, #tpu.memory_space<hbm>> -> memref<128xi32, #tpu.memory_space<hbm>>
          %dma_wait3A_100 = tpu.memref_slice %arg4[%mul3A_96] : memref<320000xi32, #tpu.memory_space<hbm>> -> memref<128xi32, #tpu.memory_space<hbm>>
          tpu.wait_dma2 semaphore(%run_scoped3A : memref<!tpu.dma_semaphore, #tpu.memory_space<semaphore_mem>>) src(%dma_wait3A_100 : memref<128xi32, #tpu.memory_space<hbm>>) dst(%arg7 : memref<128xi32, #tpu.memory_space<vmem>>)
          tpu.yield
        }) : () -> ()
        "tpu.region"() ({
          %run_scoped3A = tpu.sem_alloc : memref<!tpu.dma_semaphore, #tpu.memory_space<semaphore_mem>>
          %dma_start3A_97 = arith.constant 0 : i32
          %dma_start3A_98 = arith.constant 0 : i32
          %dma_start3A_99 = tpu.memref_slice %arg9[%dma_start3A_97, %dma_start3A_98] : memref<10112x128xf32, #tpu.memory_space<vmem_shared>> -> memref<10112x128xf32, #tpu.memory_space<vmem_shared>>
          tpu.enqueue_indirect_dma source(%arg8 : memref<128x128xf32, #tpu.memory_space<vmem>>) target(%dma_start3A_99 : memref<10112x128xf32, #tpu.memory_space<vmem_shared>>) offsets(%arg7 : memref<128xi32, #tpu.memory_space<vmem>>) semaphore(%run_scoped3A : memref<!tpu.dma_semaphore, #tpu.memory_space<semaphore_mem>>) {add = true}
          %dma_wait3A_100 = arith.constant 0 : i32
          %dma_wait3A_101 = arith.constant 0 : i32
          %dma_wait3A_102 = tpu.memref_slice %arg9[%dma_wait3A_100, %dma_wait3A_101] : memref<10112x128xf32, #tpu.memory_space<vmem_shared>> -> memref<10112x128xf32, #tpu.memory_space<vmem_shared>>
          tpu.wait_indirect_dma semaphore(%run_scoped3A : memref<!tpu.dma_semaphore, #tpu.memory_space<semaphore_mem>>) src(%arg8 : memref<128x128xf32, #tpu.memory_space<vmem>>) dst(%dma_wait3A_102 : memref<10112x128xf32, #tpu.memory_space<vmem_shared>>)
          tpu.yield
        }) : () -> ()
      } else {
      }
    }
    %scan3A_43 = arith.constant 79 : i32
    %barrier3A_44 = arith.constant 0 : index
    tpu.barrier barrier_id(%barrier3A_44)
    %add3A_45 = arith.constant 0 : i32
    %add3A_46 = arith.addi %arg1, %add3A_45 : i32
    %lt3A_47 = arith.constant 79 : i32
    %lt3A_48 = arith.cmpi slt, %add3A_46, %lt3A_47 : i32
    %convert_element_type3A_49 = arith.extui %lt3A_48 : i1 to i32
    %cond3A_50 = arith.constant 0 : i32
    %cond3A_51 = arith.cmpi ne, %convert_element_type3A_49, %cond3A_50 : i32
    scf.if %cond3A_51 {
      %mul3A_80 = arith.constant 128 : i32
      %mul3A_81 = arith.muli %add3A_46, %mul3A_80 : i32
      %mul3A_82 = arith.constant 128 : i32
      %mul3A_83 = arith.muli %add3A_46, %mul3A_82 : i32
      "tpu.region"() ({
        %run_scoped3A = tpu.sem_alloc : memref<!tpu.dma_semaphore, #tpu.memory_space<semaphore_mem>>
        %dma_start3A = arith.constant 0 : i32
        %dma_start3A_84 = tpu.memref_slice %arg5[%arg0, %mul3A_83, %dma_start3A] : memref<2x10112x128xf32, #tpu.memory_space<hbm>> -> memref<1x128x128xf32, #tpu.memory_space<hbm>>
        %dma_start3A_85 = tpu.memref_squeeze %dma_start3A_84 : memref<1x128x128xf32, #tpu.memory_space<hbm>> -> memref<128x128xf32, #tpu.memory_space<hbm>>
        %dma_start3A_86 = arith.constant 0 : i32
        %dma_start3A_87 = tpu.memref_slice %arg9[%mul3A_81, %dma_start3A_86] : memref<10112x128xf32, #tpu.memory_space<vmem_shared>> -> memref<128x128xf32, #tpu.memory_space<vmem_shared>>
        tpu.enqueue_dma source(%dma_start3A_87 : memref<128x128xf32, #tpu.memory_space<vmem_shared>>) target(%dma_start3A_85 : memref<128x128xf32, #tpu.memory_space<hbm>>) target_semaphore(%run_scoped3A : memref<!tpu.dma_semaphore, #tpu.memory_space<semaphore_mem>>)
        %dma_wait3A = arith.constant 0 : i32
        %dma_wait3A_88 = tpu.memref_slice %arg5[%arg0, %mul3A_83, %dma_wait3A] : memref<2x10112x128xf32, #tpu.memory_space<hbm>> -> memref<1x128x128xf32, #tpu.memory_space<hbm>>
        %dma_wait3A_89 = tpu.memref_squeeze %dma_wait3A_88 : memref<1x128x128xf32, #tpu.memory_space<hbm>> -> memref<128x128xf32, #tpu.memory_space<hbm>>
        %dma_wait3A_90 = arith.constant 0 : i32
        %dma_wait3A_91 = tpu.memref_slice %arg9[%mul3A_81, %dma_wait3A_90] : memref<10112x128xf32, #tpu.memory_space<vmem_shared>> -> memref<128x128xf32, #tpu.memory_space<vmem_shared>>
        tpu.wait_dma2 semaphore(%run_scoped3A : memref<!tpu.dma_semaphore, #tpu.memory_space<semaphore_mem>>) src(%dma_wait3A_91 : memref<128x128xf32, #tpu.memory_space<vmem_shared>>) dst(%dma_wait3A_89 : memref<128x128xf32, #tpu.memory_space<hbm>>)
        tpu.yield
      }) : () -> ()
    } else {
    }
    %add3A_52 = arith.constant 16 : i32
    %add3A_53 = arith.addi %arg1, %add3A_52 : i32
    %lt3A_54 = arith.constant 79 : i32
    %lt3A_55 = arith.cmpi slt, %add3A_53, %lt3A_54 : i32
    %convert_element_type3A_56 = arith.extui %lt3A_55 : i1 to i32
    %cond3A_57 = arith.constant 0 : i32
    %cond3A_58 = arith.cmpi ne, %convert_element_type3A_56, %cond3A_57 : i32
    scf.if %cond3A_58 {
      %mul3A_80 = arith.constant 128 : i32
      %mul3A_81 = arith.muli %add3A_53, %mul3A_80 : i32
      %mul3A_82 = arith.constant 128 : i32
      %mul3A_83 = arith.muli %add3A_53, %mul3A_82 : i32
      "tpu.region"() ({
        %run_scoped3A = tpu.sem_alloc : memref<!tpu.dma_semaphore, #tpu.memory_space<semaphore_mem>>
        %dma_start3A = arith.constant 0 : i32
        %dma_start3A_84 = tpu.memref_slice %arg5[%arg0, %mul3A_83, %dma_start3A] : memref<2x10112x128xf32, #tpu.memory_space<hbm>> -> memref<1x128x128xf32, #tpu.memory_space<hbm>>
        %dma_start3A_85 = tpu.memref_squeeze %dma_start3A_84 : memref<1x128x128xf32, #tpu.memory_space<hbm>> -> memref<128x128xf32, #tpu.memory_space<hbm>>
        %dma_start3A_86 = arith.constant 0 : i32
        %dma_start3A_87 = tpu.memref_slice %arg9[%mul3A_81, %dma_start3A_86] : memref<10112x128xf32, #tpu.memory_space<vmem_shared>> -> memref<128x128xf32, #tpu.memory_space<vmem_shared>>
        tpu.enqueue_dma source(%dma_start3A_87 : memref<128x128xf32, #tpu.memory_space<vmem_shared>>) target(%dma_start3A_85 : memref<128x128xf32, #tpu.memory_space<hbm>>) target_semaphore(%run_scoped3A : memref<!tpu.dma_semaphore, #tpu.memory_space<semaphore_mem>>)
        %dma_wait3A = arith.constant 0 : i32
        %dma_wait3A_88 = tpu.memref_slice %arg5[%arg0, %mul3A_83, %dma_wait3A] : memref<2x10112x128xf32, #tpu.memory_space<hbm>> -> memref<1x128x128xf32, #tpu.memory_space<hbm>>
        %dma_wait3A_89 = tpu.memref_squeeze %dma_wait3A_88 : memref<1x128x128xf32, #tpu.memory_space<hbm>> -> memref<128x128xf32, #tpu.memory_space<hbm>>
        %dma_wait3A_90 = arith.constant 0 : i32
        %dma_wait3A_91 = tpu.memref_slice %arg9[%mul3A_81, %dma_wait3A_90] : memref<10112x128xf32, #tpu.memory_space<vmem_shared>> -> memref<128x128xf32, #tpu.memory_space<vmem_shared>>
        tpu.wait_dma2 semaphore(%run_scoped3A : memref<!tpu.dma_semaphore, #tpu.memory_space<semaphore_mem>>) src(%dma_wait3A_91 : memref<128x128xf32, #tpu.memory_space<vmem_shared>>) dst(%dma_wait3A_89 : memref<128x128xf32, #tpu.memory_space<hbm>>)
        tpu.yield
      }) : () -> ()
    } else {
    }
    %add3A_59 = arith.constant 32 : i32
    %add3A_60 = arith.addi %arg1, %add3A_59 : i32
    %lt3A_61 = arith.constant 79 : i32
    %lt3A_62 = arith.cmpi slt, %add3A_60, %lt3A_61 : i32
    %convert_element_type3A_63 = arith.extui %lt3A_62 : i1 to i32
    %cond3A_64 = arith.constant 0 : i32
    %cond3A_65 = arith.cmpi ne, %convert_element_type3A_63, %cond3A_64 : i32
    scf.if %cond3A_65 {
      %mul3A_80 = arith.constant 128 : i32
      %mul3A_81 = arith.muli %add3A_60, %mul3A_80 : i32
      %mul3A_82 = arith.constant 128 : i32
      %mul3A_83 = arith.muli %add3A_60, %mul3A_82 : i32
      "tpu.region"() ({
        %run_scoped3A = tpu.sem_alloc : memref<!tpu.dma_semaphore, #tpu.memory_space<semaphore_mem>>
        %dma_start3A = arith.constant 0 : i32
        %dma_start3A_84 = tpu.memref_slice %arg5[%arg0, %mul3A_83, %dma_start3A] : memref<2x10112x128xf32, #tpu.memory_space<hbm>> -> memref<1x128x128xf32, #tpu.memory_space<hbm>>
        %dma_start3A_85 = tpu.memref_squeeze %dma_start3A_84 : memref<1x128x128xf32, #tpu.memory_space<hbm>> -> memref<128x128xf32, #tpu.memory_space<hbm>>
        %dma_start3A_86 = arith.constant 0 : i32
        %dma_start3A_87 = tpu.memref_slice %arg9[%mul3A_81, %dma_start3A_86] : memref<10112x128xf32, #tpu.memory_space<vmem_shared>> -> memref<128x128xf32, #tpu.memory_space<vmem_shared>>
        tpu.enqueue_dma source(%dma_start3A_87 : memref<128x128xf32, #tpu.memory_space<vmem_shared>>) target(%dma_start3A_85 : memref<128x128xf32, #tpu.memory_space<hbm>>) target_semaphore(%run_scoped3A : memref<!tpu.dma_semaphore, #tpu.memory_space<semaphore_mem>>)
        %dma_wait3A = arith.constant 0 : i32
        %dma_wait3A_88 = tpu.memref_slice %arg5[%arg0, %mul3A_83, %dma_wait3A] : memref<2x10112x128xf32, #tpu.memory_space<hbm>> -> memref<1x128x128xf32, #tpu.memory_space<hbm>>
        %dma_wait3A_89 = tpu.memref_squeeze %dma_wait3A_88 : memref<1x128x128xf32, #tpu.memory_space<hbm>> -> memref<128x128xf32, #tpu.memory_space<hbm>>
        %dma_wait3A_90 = arith.constant 0 : i32
        %dma_wait3A_91 = tpu.memref_slice %arg9[%mul3A_81, %dma_wait3A_90] : memref<10112x128xf32, #tpu.memory_space<vmem_shared>> -> memref<128x128xf32, #tpu.memory_space<vmem_shared>>
        tpu.wait_dma2 semaphore(%run_scoped3A : memref<!tpu.dma_semaphore, #tpu.memory_space<semaphore_mem>>) src(%dma_wait3A_91 : memref<128x128xf32, #tpu.memory_space<vmem_shared>>) dst(%dma_wait3A_89 : memref<128x128xf32, #tpu.memory_space<hbm>>)
        tpu.yield
      }) : () -> ()
    } else {
    }
    %add3A_66 = arith.constant 48 : i32
    %add3A_67 = arith.addi %arg1, %add3A_66 : i32
    %lt3A_68 = arith.constant 79 : i32
    %lt3A_69 = arith.cmpi slt, %add3A_67, %lt3A_68 : i32
    %convert_element_type3A_70 = arith.extui %lt3A_69 : i1 to i32
    %cond3A_71 = arith.constant 0 : i32
    %cond3A_72 = arith.cmpi ne, %convert_element_type3A_70, %cond3A_71 : i32
    scf.if %cond3A_72 {
      %mul3A_80 = arith.constant 128 : i32
      %mul3A_81 = arith.muli %add3A_67, %mul3A_80 : i32
      %mul3A_82 = arith.constant 128 : i32
      %mul3A_83 = arith.muli %add3A_67, %mul3A_82 : i32
      "tpu.region"() ({
        %run_scoped3A = tpu.sem_alloc : memref<!tpu.dma_semaphore, #tpu.memory_space<semaphore_mem>>
        %dma_start3A = arith.constant 0 : i32
        %dma_start3A_84 = tpu.memref_slice %arg5[%arg0, %mul3A_83, %dma_start3A] : memref<2x10112x128xf32, #tpu.memory_space<hbm>> -> memref<1x128x128xf32, #tpu.memory_space<hbm>>
        %dma_start3A_85 = tpu.memref_squeeze %dma_start3A_84 : memref<1x128x128xf32, #tpu.memory_space<hbm>> -> memref<128x128xf32, #tpu.memory_space<hbm>>
        %dma_start3A_86 = arith.constant 0 : i32
        %dma_start3A_87 = tpu.memref_slice %arg9[%mul3A_81, %dma_start3A_86] : memref<10112x128xf32, #tpu.memory_space<vmem_shared>> -> memref<128x128xf32, #tpu.memory_space<vmem_shared>>
        tpu.enqueue_dma source(%dma_start3A_87 : memref<128x128xf32, #tpu.memory_space<vmem_shared>>) target(%dma_start3A_85 : memref<128x128xf32, #tpu.memory_space<hbm>>) target_semaphore(%run_scoped3A : memref<!tpu.dma_semaphore, #tpu.memory_space<semaphore_mem>>)
        %dma_wait3A = arith.constant 0 : i32
        %dma_wait3A_88 = tpu.memref_slice %arg5[%arg0, %mul3A_83, %dma_wait3A] : memref<2x10112x128xf32, #tpu.memory_space<hbm>> -> memref<1x128x128xf32, #tpu.memory_space<hbm>>
        %dma_wait3A_89 = tpu.memref_squeeze %dma_wait3A_88 : memref<1x128x128xf32, #tpu.memory_space<hbm>> -> memref<128x128xf32, #tpu.memory_space<hbm>>
        %dma_wait3A_90 = arith.constant 0 : i32
        %dma_wait3A_91 = tpu.memref_slice %arg9[%mul3A_81, %dma_wait3A_90] : memref<10112x128xf32, #tpu.memory_space<vmem_shared>> -> memref<128x128xf32, #tpu.memory_space<vmem_shared>>
        tpu.wait_dma2 semaphore(%run_scoped3A : memref<!tpu.dma_semaphore, #tpu.memory_space<semaphore_mem>>) src(%dma_wait3A_91 : memref<128x128xf32, #tpu.memory_space<vmem_shared>>) dst(%dma_wait3A_89 : memref<128x128xf32, #tpu.memory_space<hbm>>)
        tpu.yield
      }) : () -> ()
    } else {
    }
    %add3A_73 = arith.constant 64 : i32
    %add3A_74 = arith.addi %arg1, %add3A_73 : i32
    %lt3A_75 = arith.constant 79 : i32
    %lt3A_76 = arith.cmpi slt, %add3A_74, %lt3A_75 : i32
    %convert_element_type3A_77 = arith.extui %lt3A_76 : i1 to i32
    %cond3A_78 = arith.constant 0 : i32
    %cond3A_79 = arith.cmpi ne, %convert_element_type3A_77, %cond3A_78 : i32
    scf.if %cond3A_79 {
      %mul3A_80 = arith.constant 128 : i32
      %mul3A_81 = arith.muli %add3A_74, %mul3A_80 : i32
      %mul3A_82 = arith.constant 128 : i32
      %mul3A_83 = arith.muli %add3A_74, %mul3A_82 : i32
      "tpu.region"() ({
        %run_scoped3A = tpu.sem_alloc : memref<!tpu.dma_semaphore, #tpu.memory_space<semaphore_mem>>
        %dma_start3A = arith.constant 0 : i32
        %dma_start3A_84 = tpu.memref_slice %arg5[%arg0, %mul3A_83, %dma_start3A] : memref<2x10112x128xf32, #tpu.memory_space<hbm>> -> memref<1x128x128xf32, #tpu.memory_space<hbm>>
        %dma_start3A_85 = tpu.memref_squeeze %dma_start3A_84 : memref<1x128x128xf32, #tpu.memory_space<hbm>> -> memref<128x128xf32, #tpu.memory_space<hbm>>
        %dma_start3A_86 = arith.constant 0 : i32
        %dma_start3A_87 = tpu.memref_slice %arg9[%mul3A_81, %dma_start3A_86] : memref<10112x128xf32, #tpu.memory_space<vmem_shared>> -> memref<128x128xf32, #tpu.memory_space<vmem_shared>>
        tpu.enqueue_dma source(%dma_start3A_87 : memref<128x128xf32, #tpu.memory_space<vmem_shared>>) target(%dma_start3A_85 : memref<128x128xf32, #tpu.memory_space<hbm>>) target_semaphore(%run_scoped3A : memref<!tpu.dma_semaphore, #tpu.memory_space<semaphore_mem>>)
        %dma_wait3A = arith.constant 0 : i32
        %dma_wait3A_88 = tpu.memref_slice %arg5[%arg0, %mul3A_83, %dma_wait3A] : memref<2x10112x128xf32, #tpu.memory_space<hbm>> -> memref<1x128x128xf32, #tpu.memory_space<hbm>>
        %dma_wait3A_89 = tpu.memref_squeeze %dma_wait3A_88 : memref<1x128x128xf32, #tpu.memory_space<hbm>> -> memref<128x128xf32, #tpu.memory_space<hbm>>
        %dma_wait3A_90 = arith.constant 0 : i32
        %dma_wait3A_91 = tpu.memref_slice %arg9[%mul3A_81, %dma_wait3A_90] : memref<10112x128xf32, #tpu.memory_space<vmem_shared>> -> memref<128x128xf32, #tpu.memory_space<vmem_shared>>
        tpu.wait_dma2 semaphore(%run_scoped3A : memref<!tpu.dma_semaphore, #tpu.memory_space<semaphore_mem>>) src(%dma_wait3A_91 : memref<128x128xf32, #tpu.memory_space<vmem_shared>>) dst(%dma_wait3A_89 : memref<128x128xf32, #tpu.memory_space<hbm>>)
        tpu.yield
      }) : () -> ()
    } else {
    }
    return
  }
}

module attributes {stable_mosaic.version = 14 : i64} {
  func.func @_tc_first_body(%arg0: i32, %arg1: memref<1000x2xf32, #tpu.memory_space<vmem>>, %arg2: memref<1000x128xf32, #tpu.memory_space<vmem>>, %arg3: memref<128x128xf32, #tpu.memory_space<vmem>>, %arg4: memref<1000x1xf32, #tpu.memory_space<vmem>>, %arg5: memref<1000x128xf32, #tpu.memory_space<vmem>>) attributes {dimension_semantics = [#tpu.dimension_semantics<arbitrary>], iteration_bounds = array<i64: 10>, scalar_prefetch = 0 : i64, scratch_operands = 0 : i64, tpu.core_type = #tpu.core_type<tc>, window_params = [{transform_indices = @transform_0, window_bounds = array<i64: 1000, 2>}, {transform_indices = @transform_1, window_bounds = array<i64: 1000, 128>}, {pipeline_mode = #tpu.pipeline_mode<synchronous>, transform_indices = @transform_2, window_bounds = array<i64: 128, 128>}, {transform_indices = @transform_3, window_bounds = array<i64: 1000, 1>}, {transform_indices = @transform_4, window_bounds = array<i64: 1000, 128>}]} {
    %get3A = arith.constant 0 : index
    %get3A_0 = arith.constant 0 : index
    %get3A_1 = vector.load %arg1[%get3A, %get3A_0] : memref<1000x2xf32, #tpu.memory_space<vmem>>, vector<1000x2xf32>
    %reduce_sum3A = arith.constant dense<0.000000e+00> : vector<1000xf32>
    %reduce_sum3A_2 = vector.multi_reduction <add>, %get3A_1, %reduce_sum3A [1] : vector<1000x2xf32> to vector<1000xf32>
    %broadcast_in_dim3A = vector.shape_cast %reduce_sum3A_2 : vector<1000xf32> to vector<1000x1xf32>
    %add3A = arith.constant 1.000000e+00 : f32
    %add3A_3 = vector.broadcast %add3A : f32 to vector<1000x1xf32>
    %add3A_4 = arith.addf %broadcast_in_dim3A, %add3A_3 : vector<1000x1xf32>
    %rsqrt3A = math.rsqrt %add3A_4 : vector<1000x1xf32>
    %get3A_5 = arith.constant 0 : index
    %get3A_6 = arith.constant 0 : index
    %get3A_7 = vector.load %arg2[%get3A_5, %get3A_6] : memref<1000x128xf32, #tpu.memory_space<vmem>>, vector<1000x128xf32>
    %get3A_8 = arith.constant 0 : index
    %get3A_9 = arith.constant 0 : index
    %get3A_10 = vector.load %arg3[%get3A_8, %get3A_9] : memref<128x128xf32, #tpu.memory_space<vmem>>, vector<128x128xf32>
    %dot_general3A = arith.constant dense<0.000000e+00> : vector<1000x128xf32>
    %dot_general3A_11 = tpu.matmul %get3A_7, %get3A_10, %dot_general3A {dimension_numbers = #tpu.dot_dimension_numbers<[1], [0], [0], [1], [0, 0, 1, 1], [], []>, precision = #tpu.contract_precision<fp32>, transpose_lhs_hint = false} : vector<1000x128xf32>, vector<128x128xf32>, vector<1000x128xf32> -> vector<1000x128xf32>
    %swap3A = arith.constant 0 : index
    %swap3A_12 = arith.constant 0 : index
    %swap3A_13 = vector.load %arg4[%swap3A, %swap3A_12] : memref<1000x1xf32, #tpu.memory_space<vmem>>, vector<1000x1xf32>
    tpu.vector_store %arg4[%swap3A, %swap3A_12], %rsqrt3A {strides = array<i32>} : memref<1000x1xf32, #tpu.memory_space<vmem>>, vector<1000x1xf32>,
    %mul3A = vector.broadcast %rsqrt3A : vector<1000x1xf32> to vector<1000x128xf32>
    %mul3A_14 = arith.mulf %dot_general3A_11, %mul3A : vector<1000x128xf32>
    %swap3A_15 = arith.constant 0 : index
    %swap3A_16 = arith.constant 0 : index
    %swap3A_17 = vector.load %arg5[%swap3A_15, %swap3A_16] : memref<1000x128xf32, #tpu.memory_space<vmem>>, vector<1000x128xf32>
    tpu.vector_store %arg5[%swap3A_15, %swap3A_16], %mul3A_14 {strides = array<i32>} : memref<1000x128xf32, #tpu.memory_space<vmem>>, vector<1000x128xf32>,
    return
  }
  func.func @transform_0(%arg0: i32) -> (i32, i32) {
    %c0_i32 = arith.constant 0 : i32
    %c0_i32_0 = arith.constant 0 : i32
    return %arg0, %c0_i32 : i32, i32
  }
  func.func @transform_1(%arg0: i32) -> (i32, i32) {
    %c0_i32 = arith.constant 0 : i32
    %c0_i32_0 = arith.constant 0 : i32
    return %arg0, %c0_i32 : i32, i32
  }
  func.func @transform_2(%arg0: i32) -> (i32, i32) {
    %c0_i32 = arith.constant 0 : i32
    %c0_i32_0 = arith.constant 0 : i32
    %c0_i32_1 = arith.constant 0 : i32
    return %c0_i32, %c0_i32_0 : i32, i32
  }
  func.func @transform_3(%arg0: i32) -> (i32, i32) {
    %c0_i32 = arith.constant 0 : i32
    %c0_i32_0 = arith.constant 0 : i32
    return %arg0, %c0_i32 : i32, i32
  }
  func.func @transform_4(%arg0: i32) -> (i32, i32) {
    %c0_i32 = arith.constant 0 : i32
    %c0_i32_0 = arith.constant 0 : i32
    return %arg0, %c0_i32 : i32, i32
  }
}

module attributes {stable_mosaic.version = 14 : i64} {
  func.func @_tc_mid_body(%arg0: i32, %arg1: memref<2x1000x128xf32, #tpu.memory_space<vmem>>, %arg2: memref<1000x128xf32, #tpu.memory_space<vmem>>, %arg3: memref<1000x1xf32, #tpu.memory_space<vmem>>, %arg4: memref<1x128xf32, #tpu.memory_space<vmem>>, %arg5: memref<128x128xf32, #tpu.memory_space<vmem>>, %arg6: memref<1000x128xf32, #tpu.memory_space<vmem>>) attributes {dimension_semantics = [#tpu.dimension_semantics<arbitrary>], iteration_bounds = array<i64: 10>, scalar_prefetch = 0 : i64, scratch_operands = 0 : i64, tpu.core_type = #tpu.core_type<tc>, window_params = [{transform_indices = @transform_0, window_bounds = array<i64: 2, 1000, 128>}, {transform_indices = @transform_1, window_bounds = array<i64: 1000, 128>}, {transform_indices = @transform_2, window_bounds = array<i64: 1000, 1>}, {pipeline_mode = #tpu.pipeline_mode<synchronous>, transform_indices = @transform_3, window_bounds = array<i64: 1, 128>}, {pipeline_mode = #tpu.pipeline_mode<synchronous>, transform_indices = @transform_4, window_bounds = array<i64: 128, 128>}, {transform_indices = @transform_5, window_bounds = array<i64: 1000, 128>}]} {
    %get3A = arith.constant 0 : index
    %get3A_0 = arith.constant 0 : index
    %get3A_1 = arith.constant 0 : index
    %get3A_2 = vector.load %arg1[%get3A, %get3A_0, %get3A_1] : memref<2x1000x128xf32, #tpu.memory_space<vmem>>, vector<2x1000x128xf32>
    %slice3A = vector.extract_strided_slice %get3A_2 {offsets = [0, 0, 0], sizes = [1, 1000, 128], strides = [1, 1, 1]} : vector<2x1000x128xf32> to vector<1x1000x128xf32>
    %squeeze3A = vector.shape_cast %slice3A : vector<1x1000x128xf32> to vector<1000x128xf32>
    %slice3A_3 = vector.extract_strided_slice %get3A_2 {offsets = [1, 0, 0], sizes = [1, 1000, 128], strides = [1, 1, 1]} : vector<2x1000x128xf32> to vector<1x1000x128xf32>
    %squeeze3A_4 = vector.shape_cast %slice3A_3 : vector<1x1000x128xf32> to vector<1000x128xf32>
    %add3A = arith.addf %squeeze3A, %squeeze3A_4 : vector<1000x128xf32>
    %get3A_5 = arith.constant 0 : index
    %get3A_6 = arith.constant 0 : index
    %get3A_7 = vector.load %arg2[%get3A_5, %get3A_6] : memref<1000x128xf32, #tpu.memory_space<vmem>>, vector<1000x128xf32>
    %add3A_8 = arith.addf %add3A, %get3A_7 : vector<1000x128xf32>
    %get3A_9 = arith.constant 0 : index
    %get3A_10 = arith.constant 0 : index
    %get3A_11 = vector.load %arg3[%get3A_9, %get3A_10] : memref<1000x1xf32, #tpu.memory_space<vmem>>, vector<1000x1xf32>
    %mul3A = vector.broadcast %get3A_11 : vector<1000x1xf32> to vector<1000x128xf32>
    %mul3A_12 = arith.mulf %add3A_8, %mul3A : vector<1000x128xf32>
    %get3A_13 = arith.constant 0 : index
    %get3A_14 = arith.constant 0 : index
    %get3A_15 = vector.load %arg4[%get3A_13, %get3A_14] : memref<1x128xf32, #tpu.memory_space<vmem>>, vector<1x128xf32>
    %add3A_16 = vector.broadcast %get3A_15 : vector<1x128xf32> to vector<1000x128xf32>
    %add3A_17 = arith.addf %mul3A_12, %add3A_16 : vector<1000x128xf32>
    %max3A = arith.constant 0.000000e+00 : f32
    %max3A_18 = vector.broadcast %max3A : f32 to vector<1000x128xf32>
    %max3A_19 = arith.maximumf %add3A_17, %max3A_18 : vector<1000x128xf32>
    %get3A_20 = arith.constant 0 : index
    %get3A_21 = arith.constant 0 : index
    %get3A_22 = vector.load %arg5[%get3A_20, %get3A_21] : memref<128x128xf32, #tpu.memory_space<vmem>>, vector<128x128xf32>
    %dot_general3A = arith.constant dense<0.000000e+00> : vector<1000x128xf32>
    %dot_general3A_23 = tpu.matmul %max3A_19, %get3A_22, %dot_general3A {dimension_numbers = #tpu.dot_dimension_numbers<[1], [0], [0], [1], [0, 0, 1, 1], [], []>, precision = #tpu.contract_precision<fp32>, transpose_lhs_hint = false} : vector<1000x128xf32>, vector<128x128xf32>, vector<1000x128xf32> -> vector<1000x128xf32>
    %mul3A_24 = vector.broadcast %get3A_11 : vector<1000x1xf32> to vector<1000x128xf32>
    %mul3A_25 = arith.mulf %dot_general3A_23, %mul3A_24 : vector<1000x128xf32>
    %swap3A = arith.constant 0 : index
    %swap3A_26 = arith.constant 0 : index
    %swap3A_27 = vector.load %arg6[%swap3A, %swap3A_26] : memref<1000x128xf32, #tpu.memory_space<vmem>>, vector<1000x128xf32>
    tpu.vector_store %arg6[%swap3A, %swap3A_26], %mul3A_25 {strides = array<i32>} : memref<1000x128xf32, #tpu.memory_space<vmem>>, vector<1000x128xf32>,
    return
  }
  func.func @transform_0(%arg0: i32) -> (i32, i32, i32) {
    %c0_i32 = arith.constant 0 : i32
    %c0_i32_0 = arith.constant 0 : i32
    %c0_i32_1 = arith.constant 0 : i32
    return %c0_i32, %arg0, %c0_i32_0 : i32, i32, i32
  }
  func.func @transform_1(%arg0: i32) -> (i32, i32) {
    %c0_i32 = arith.constant 0 : i32
    %c0_i32_0 = arith.constant 0 : i32
    return %arg0, %c0_i32 : i32, i32
  }
  func.func @transform_2(%arg0: i32) -> (i32, i32) {
    %c0_i32 = arith.constant 0 : i32
    %c0_i32_0 = arith.constant 0 : i32
    return %arg0, %c0_i32 : i32, i32
  }
  func.func @transform_3(%arg0: i32) -> (i32, i32) {
    %c0_i32 = arith.constant 0 : i32
    %c0_i32_0 = arith.constant 0 : i32
    %c0_i32_1 = arith.constant 0 : i32
    return %c0_i32, %c0_i32_0 : i32, i32
  }
  func.func @transform_4(%arg0: i32) -> (i32, i32) {
    %c0_i32 = arith.constant 0 : i32
    %c0_i32_0 = arith.constant 0 : i32
    %c0_i32_1 = arith.constant 0 : i32
    return %c0_i32, %c0_i32_0 : i32, i32
  }
  func.func @transform_5(%arg0: i32) -> (i32, i32) {
    %c0_i32 = arith.constant 0 : i32
    %c0_i32_0 = arith.constant 0 : i32
    return %arg0, %c0_i32 : i32, i32
  }
}

module attributes {stable_mosaic.version = 14 : i64} {
  func.func @_tc_last_body(%arg0: i32, %arg1: memref<2x1000x128xf32, #tpu.memory_space<vmem>>, %arg2: memref<1000x128xf32, #tpu.memory_space<vmem>>, %arg3: memref<1000x1xf32, #tpu.memory_space<vmem>>, %arg4: memref<1x128xf32, #tpu.memory_space<vmem>>, %arg5: memref<1000x128xf32, #tpu.memory_space<vmem>>) attributes {dimension_semantics = [#tpu.dimension_semantics<arbitrary>], iteration_bounds = array<i64: 10>, scalar_prefetch = 0 : i64, scratch_operands = 0 : i64, tpu.core_type = #tpu.core_type<tc>, window_params = [{transform_indices = @transform_0, window_bounds = array<i64: 2, 1000, 128>}, {transform_indices = @transform_1, window_bounds = array<i64: 1000, 128>}, {transform_indices = @transform_2, window_bounds = array<i64: 1000, 1>}, {pipeline_mode = #tpu.pipeline_mode<synchronous>, transform_indices = @transform_3, window_bounds = array<i64: 1, 128>}, {transform_indices = @transform_4, window_bounds = array<i64: 1000, 128>}]} {
    %get3A = arith.constant 0 : index
    %get3A_0 = arith.constant 0 : index
    %get3A_1 = arith.constant 0 : index
    %get3A_2 = vector.load %arg1[%get3A, %get3A_0, %get3A_1] : memref<2x1000x128xf32, #tpu.memory_space<vmem>>, vector<2x1000x128xf32>
    %slice3A = vector.extract_strided_slice %get3A_2 {offsets = [0, 0, 0], sizes = [1, 1000, 128], strides = [1, 1, 1]} : vector<2x1000x128xf32> to vector<1x1000x128xf32>
    %squeeze3A = vector.shape_cast %slice3A : vector<1x1000x128xf32> to vector<1000x128xf32>
    %slice3A_3 = vector.extract_strided_slice %get3A_2 {offsets = [1, 0, 0], sizes = [1, 1000, 128], strides = [1, 1, 1]} : vector<2x1000x128xf32> to vector<1x1000x128xf32>
    %squeeze3A_4 = vector.shape_cast %slice3A_3 : vector<1x1000x128xf32> to vector<1000x128xf32>
    %add3A = arith.addf %squeeze3A, %squeeze3A_4 : vector<1000x128xf32>
    %get3A_5 = arith.constant 0 : index
    %get3A_6 = arith.constant 0 : index
    %get3A_7 = vector.load %arg2[%get3A_5, %get3A_6] : memref<1000x128xf32, #tpu.memory_space<vmem>>, vector<1000x128xf32>
    %add3A_8 = arith.addf %add3A, %get3A_7 : vector<1000x128xf32>
    %get3A_9 = arith.constant 0 : index
    %get3A_10 = arith.constant 0 : index
    %get3A_11 = vector.load %arg3[%get3A_9, %get3A_10] : memref<1000x1xf32, #tpu.memory_space<vmem>>, vector<1000x1xf32>
    %mul3A = vector.broadcast %get3A_11 : vector<1000x1xf32> to vector<1000x128xf32>
    %mul3A_12 = arith.mulf %add3A_8, %mul3A : vector<1000x128xf32>
    %get3A_13 = arith.constant 0 : index
    %get3A_14 = arith.constant 0 : index
    %get3A_15 = vector.load %arg4[%get3A_13, %get3A_14] : memref<1x128xf32, #tpu.memory_space<vmem>>, vector<1x128xf32>
    %add3A_16 = vector.broadcast %get3A_15 : vector<1x128xf32> to vector<1000x128xf32>
    %add3A_17 = arith.addf %mul3A_12, %add3A_16 : vector<1000x128xf32>
    %swap3A = arith.constant 0 : index
    %swap3A_18 = arith.constant 0 : index
    %swap3A_19 = vector.load %arg5[%swap3A, %swap3A_18] : memref<1000x128xf32, #tpu.memory_space<vmem>>, vector<1000x128xf32>
    tpu.vector_store %arg5[%swap3A, %swap3A_18], %add3A_17 {strides = array<i32>} : memref<1000x128xf32, #tpu.memory_space<vmem>>, vector<1000x128xf32>,
    return
  }
  func.func @transform_0(%arg0: i32) -> (i32, i32, i32) {
    %c0_i32 = arith.constant 0 : i32
    %c0_i32_0 = arith.constant 0 : i32
    %c0_i32_1 = arith.constant 0 : i32
    return %c0_i32, %arg0, %c0_i32_0 : i32, i32, i32
  }
  func.func @transform_1(%arg0: i32) -> (i32, i32) {
    %c0_i32 = arith.constant 0 : i32
    %c0_i32_0 = arith.constant 0 : i32
    return %arg0, %c0_i32 : i32, i32
  }
  func.func @transform_2(%arg0: i32) -> (i32, i32) {
    %c0_i32 = arith.constant 0 : i32
    %c0_i32_0 = arith.constant 0 : i32
    return %arg0, %c0_i32 : i32, i32
  }
  func.func @transform_3(%arg0: i32) -> (i32, i32) {
    %c0_i32 = arith.constant 0 : i32
    %c0_i32_0 = arith.constant 0 : i32
    %c0_i32_1 = arith.constant 0 : i32
    return %c0_i32, %c0_i32_0 : i32, i32
  }
  func.func @transform_4(%arg0: i32) -> (i32, i32) {
    %c0_i32 = arith.constant 0 : i32
    %c0_i32_0 = arith.constant 0 : i32
    return %arg0, %c0_i32 : i32, i32
  }
}

</mosaic_0001>

<sc_bundles>
// kernel: kernel.10.cloned.1.call-start
scs
__scs_entry_jumppad:
0x0: {  	(pc) =	sbr.rel $0x88, $3  }
0x1: {  	(tag) =	ssettag $0x0;
	lr =	simm.s32 $0x1  }
0x2: {  	[smem:$0x3F99] =	sst lr;
	_ =	strace $0xD0000000  }
0x3: {  	_ = 	snop  }
0x4: {  	_ = 	snop  }
0x5: {  	_ = 	snop  }
0x6: {  	_ = 	snop  }
0x7: {  	_ = 	snop  }
__scs_overlays_trampoline_lowered:
0x8: {  	[smem:$0x3FA8] =	sst s0  }
0x9: {  	[smem:$0x3FA9] =	sst s1  }
0xa: {  	[smem:$0x3FAA] =	sst s2  }
0xb: {  	[smem:$0x3FAB] =	sst s3  }
0xc: {  	[smem:$0x3FAC] =	sst s4  }
0xd: {  	[smem:$0x3FAD] =	sst s5  }
0xe: {  	[smem:$0x3FAE] =	sst s6  }
0xf: {  	[smem:$0x3FAF] =	sst s7  }
0x10: {  	[smem:$0x3FB0] =	sst s8  }
0x11: {  	[smem:$0x3FB1] =	sst s9;
	s0 =	simm.s32 @!p0 $0x0  }
0x12: {  	s1 =	sld [smem:$0x3F97];
	s0 =	simm.s32 @p0 $0x1  }
0x13: {  	[smem:$0x3FB2] =	sst s0;
	s0 =	simm.s32 @!p1 $0x0  }
0x14: {  	s2 =	sld [smem:$0x3F96];
	s0 =	simm.s32 @p1 $0x1  }
0x15: {  	[smem:$0x3FB3] =	sst s0;
	s0 =	simm.s32 @!p2 $0x0  }
0x16: {  	s3 =	sld [smem:$0x3FDB];
	s0 =	simm.s32 @p2 $0x1  }
0x17: {  	s4 =	simm.s32 $0x1BF5;
	[smem:$0x3FB5] =	sst s0  }
0x18: {  	s0 =	sld [smem:$0x3F98];
	_ =	swait.ge [sflag:s4], $0x0  }
0x19: {  	s7 =	sld [smem:$0x3F99]  }
0x1a: {  	s8 =	sadd.s32 $0xFFFFE003, lr  }
0x1b: {  	s9 =	sadd.s32 $0xFFFFFEF7, lr;
	s5 =	simm.s32 $0xFFFFFFFF;
	p2 =	slt.u32 s8, $0xFFFFF086  }
0x1c: {  	p1 =	slt.u32 s9, $0xF7A;
	s5 =	simm.s32 @!p2 $0x0  }
0x1d: {  	s5 =	simm.s32 @p1 $0x1;
	p0 =	seq.s32 s7, s2  }
0x1e: {  	s7 =	smul.u32 @!p0 $0xF7A, s2;
	p2 =	seq.s32 @!p0 s5, $0x0  }
0x1f: {  	s9 =	smul.u32 $0xF7A, s1;
	s8 =	simm.s32 @!p0 $0x1BF5;
	p2 =	por !p2, p0  }
0x20: {  	[sflag:s8] =	ssyncset.s32 @!p0 $0xFFFFF086;
	s6 =	sadd.s32 @!p0 s3, s7;
	s7 =	simm.s32 @!p0 $0x108  }
0x21: {  	s3 =	sadd.s32 s3, s9;
	s6 =	sadd.s32 @!p0 $0x88, s6;
	s7 =	simm.s32 @p2 $0x1082  }
0x22: {  	[simem:s7], [sflag:s8] =	dma.local @!p0 [hbm:s6], $0xF7A  }
0x23: {  	s9 =	sor.u32 $0xD0000000, s2;
	s6 =	simm.s32 $0x108;
	_ =	swait.ge @!p0 [sflag:s8], $0x0  }
0x24: {  	s3 =	sadd.s32 $0x88, s3;
	s6 =	simm.s32 @!p1 $0x1082;
	[sflag:s4] =	ssyncset.s32 $0xFFFFF086  }
0x25: {  	[simem:s6], [sflag:s4] =	dma.local [hbm:s3], $0xF7A  }
0x26: {  	[smem:$0x3F99] =	sst s1;
	(tag) =	ssettag s2;
	_ =	strace s9  }
0x27: {  	s1 =	sld [smem:$0x3FA9]  }
0x28: {  	s2 =	sld [smem:$0x3FAA]  }
0x29: {  	s4 =	sld [smem:$0x3FAC]  }
0x2a: {  	p0 =	seq.s32 s5, $0x0;
	s5 =	sld [smem:$0x3FAD]  }
0x2b: {  	s6 =	sld [smem:$0x3FAE]  }
0x2c: {  	s7 =	sld [smem:$0x3FAF]  }
0x2d: {  	s3 =	simm.s32 $0x108;
	s8 =	sld [smem:$0x3FB0]  }
0x2e: {  	s3 =	simm.s32 @!p0 $0x1082;
	s9 =	sld [smem:$0x3FB1]  }
0x2f: {  	lr =	sadd.s32 s0, s3;
	s0 =	sld [smem:$0x3FA8]  }
0x30: {  	s3 =	sld [smem:$0x3FAB]  }
0x31: {  	[smem:$0x3FB4] =	sst s10  }
0x32: {  	s10 =	sld [smem:$0x3FB2];
	_ =	sdelay $0x3  }
0x33: {  	p0 =	seq.s32 s10, $0x1;
	s10 =	sld [smem:$0x3FB4];
	_ =	sdelay $0x3  }
0x34: {  	[smem:$0x3FB4] =	sst s10  }
0x35: {  	s10 =	sld [smem:$0x3FB3];
	_ =	sdelay $0x3  }
0x36: {  	p1 =	seq.s32 s10, $0x1;
	s10 =	sld [smem:$0x3FB4];
	_ =	sdelay $0x3  }
0x37: {  	[smem:$0x3FB4] =	sst s10  }
0x38: {  	s10 =	sld [smem:$0x3FB5]  }
0x39: {  	_ = 	snop;
	(pc) =	sbr.ind lr, $3  }
0x3a: {  	_ = 	snop  }
0x3b: {  	_ = 	snop  }
0x3c: {  	p2 =	seq.s32 s10, $0x1;
	s10 =	sld [smem:$0x3FB4]  }
0x3d: {  	_ =	shalt  }
0x3e: {  	_ =	shalt  }
0x3f: {  	_ =	shalt  }
0x40: {  	_ =	shalt  }
0x41: {  	_ =	shalt  }
0x42: {  	_ =	shalt  }
0x43: {  	_ =	shalt  }
0x44: {  	_ =	shalt  }
0x45: {  	_ =	shalt  }
0x46: {  	_ =	shalt  }
0x47: {  	_ =	shalt  }
0x48: {  	_ =	shalt  }
0x49: {  	_ =	shalt  }
0x4a: {  	_ =	shalt  }
0x4b: {  	_ =	shalt  }
0x4c: {  	_ =	shalt  }
0x4d: {  	_ =	shalt  }
0x4e: {  	_ =	shalt  }
0x4f: {  	_ =	shalt  }
0x50: {  	_ =	shalt  }
0x51: {  	_ =	shalt  }
0x52: {  	_ =	shalt  }
0x53: {  	_ =	shalt  }
0x54: {  	_ =	shalt  }
0x55: {  	_ =	shalt  }
0x56: {  	_ =	shalt  }
0x57: {  	_ =	shalt  }
0x58: {  	_ =	shalt  }
0x59: {  	_ =	shalt  }
0x5a: {  	_ =	shalt  }
0x5b: {  	_ =	shalt  }
0x5c: {  	_ =	shalt  }
0x5d: {  	_ =	shalt  }
0x5e: {  	_ =	shalt  }
0x5f: {  	_ =	shalt  }
0x60: {  	_ =	shalt  }
0x61: {  	_ =	shalt  }
0x62: {  	_ =	shalt  }
0x63: {  	_ =	shalt  }
0x64: {  	_ =	shalt  }
0x65: {  	_ =	shalt  }
0x66: {  	_ =	shalt  }
0x67: {  	_ =	shalt  }
0x68: {  	_ =	shalt  }
0x69: {  	_ =	shalt  }
0x6a: {  	_ =	shalt  }
0x6b: {  	_ =	shalt  }
0x6c: {  	_ =	shalt  }
0x6d: {  	_ =	shalt  }
0x6e: {  	_ =	shalt  }
0x6f: {  	_ =	shalt  }
0x70: {  	_ =	shalt  }
0x71: {  	_ =	shalt  }
0x72: {  	_ =	shalt  }
0x73: {  	_ =	shalt  }
0x74: {  	_ =	shalt  }
0x75: {  	_ =	shalt  }
0x76: {  	_ =	shalt  }
0x77: {  	_ =	shalt  }
0x78: {  	_ =	shalt  }
0x79: {  	_ =	shalt  }
0x7a: {  	_ =	shalt  }
0x7b: {  	_ =	shalt  }
0x7c: {  	_ =	shalt  }
0x7d: {  	_ =	shalt  }
0x7e: {  	_ =	shalt  }
0x7f: {  	_ =	shalt  }
0x80: {  	_ =	shalt  }
0x81: {  	_ =	shalt  }
0x82: {  	_ =	shalt  }
0x83: {  	_ =	shalt  }
0x84: {  	_ =	shalt  }
0x85: {  	_ =	shalt  }
0x86: {  	_ =	shalt  }
0x87: {  	_ =	shalt  }
.Lfunc_end0:
.L_simem_size_0:
called_computation_lowered:
.L_overlay_start_0:
0x88: {  	s2 =	sld [smem:$0x3FD9]  }
0x89: {  	s3 =	sld [smem:$0x3FFE];
	_ =	sdelay $0x1  }
0x8a: {  	s1 =	srdreg.scid  }
0x8b: {  	s0 =	sand.u32 $0x1, s1  }
0x8c: {  	s17 =	sshll.u32 s0, $0xA;
	s2 =	sadd.s32 s3, s2  }
0x8d: {  	s2 =	sadd.s32 s2, s17  }
0x8e: {  	[smem:$0x3FC0] =	sst s2  }
0x8f: {  	_ = 	snop  }
0x90: {  	s2 =	sld [smem:$0x3FD0];
	(tm) =	ssettm $0x1  }
0x91: {  	s18 =	sld [smem:$0x3FFB];
	_ =	sdelay $0x3  }
0x92: {  	_ =	strace s18  }
0x93: {  	s3 =	sld [smem:$0x3FFC];
	_ =	sdelay $0x3  }
0x94: {  	_ =	strace s3  }
0x95: {  	s3 =	sld [smem:$0x3FFD];
	_ =	sdelay $0x3  }
0x96: {  	_ =	strace s3  }
0x97: {  	_ =	strace $0x8FFFFFFF  }
0x98: {  	s19 =	sld [smem:$0x3FDB];
	_ =	sdelay $0x1  }
0x99: {  	s4 =	simm.s32 $_scs_section_size  }
0x9a: {  	s5 =	simm.s32 $_size__tile_overlayer_lowered;
	s6 =	simm.s32 $_tile_overlayer_lowered  }
0x9b: {  	s22 =	simm.s32 $0x1BFF;
	s21 =	sshll.u32 s6, $0x1;
	s3 =	sadd.s32 s4, s19  }
0x9c: {  	s7 =	simm.s32 $0x0;
	s20 =	sshll.u32 s5, $0x1;
	s5 =	sadd.s32 s21, s3  }
0x9d: {  	[timem:s7], [sflag:s22] =	dma.local [hbm:s5], s20  }
0x9e: {  	_ =	swait.ge [sflag:s22], s20  }
0x9f: {  	s4 =	ssub.s32 $0x0, s20;
	[sflag:s22] =	ssyncset.done $0x0  }
0xa0: {  	[sflag:s22] =	ssyncadd.s32 s4;
	_ =	sdelay $0x1  }
0xa1: {  	s23 =	simm.s32 $0x1B8B  }
0xa2: {  	_ =	swait.ge [sflag:s23], $0x1  }
0xa3: {  	[sflag:s23] =	ssyncset.done $0x0  }
0xa4: {  	s25 =	simm.s32 $0x1B8E;
	s24 =	sld [smem:$0x3FFE];
	[sflag:s23] =	ssyncadd.s32 $0xFFFFFFFF  }
0xa5: {  	s26 =	simm.s32 $execute0_lowered;
	[smem:$0x3FD2] =	sst s25  }
0xa6: {  	s5 =	sshll.u32 s26, $0x1;
	_ =	strace $0x80000046;
	[dreg:$0x1] =	wrdreg $0xFFFFFFFF  }
0xa7: {  	s28 =	simm.s32 $_size_execute0_lowered;
	s3 =	sadd.s32 s3, s5;
	[dreg:$0x0] =	wrdreg $0x0  }
0xa8: {  	s5 =	sshll.u32 s28, $0x1;
	[dreg:$0x2] =	wrdreg s3  }
0xa9: {  	[dreg:$0x3] =	wrdreg s5  }
0xaa: {  	[dreg:$0x4] =	wrdreg $0xC0  }
0xab: {  	_ =	task [dreg:s7], $0x5FFFF  }
0xac: {  	[dreg:$0x1] =	wrdreg $0xFFFFFFFF  }
0xad: {  	[dreg:$0x0] =	wrdreg $0x60  }
0xae: {  	[dreg:$0x2] =	wrdreg s24  }
0xaf: {  	[dreg:$0x3] =	wrdreg s2  }
0xb0: {  	[dreg:$0x4] =	wrdreg $0x1800  }
0xb1: {  	[dreg:$0x5] =	wrdreg $0x9  }
0xb2: {  	_ =	task.clear_ibuf [dreg:s7], $0x6FFFF;
	_ =	strace $0x90000046  }
0xb3: {  	s29 =	simm.s32 $0x9;
	_ =	strace $0x80000048  }
0xb4: {  	_ =	swait.ge [sflag:s29], $0x1  }
0xb5: {  	[sflag:s29] =	ssyncadd.s32 $0xFFFFFFFF  }
0xb6: {  	_ =	strace $0x90000048  }
0xb7: {  	_ =	sfence  }
0xb8: {  	s30 =	sld [smem:$0x0];
	_ =	sdelay $0x2  }
0xb9: {  	s31 =	sshll.u32 s1, $0xD;
	s1 =	sshrl.u32 s1, $0x2  }
0xba: {  	s3 =	sand.u32 $0x4000, s31;
	s1 =	sadd.s32 s1, s30  }
0xbb: {  	s0 =	sor.u32 s3, s0;
	s1 =	sshll.u32 s1, $0x11  }
0xbc: {  	s0 =	sor.u32 s1, s0  }
0xbd: {  	s0 =	sadd.s32 $0x8F2B, s0  }
0xbe: {  	[sflag:s0] =	ssyncadd.remote.s32 $0x1  }
0xbf: {  	_ =	sfence.sel $0xFFFF  }
0xc0: {  	[dreg:$0x0] =	wrdreg $0xFFFFFFFF;
	(pc) =	sbr.abs _section_cstart, $3  }
0xc1: {  	[dreg:$0x1] =	wrdreg $0xFFFFFFFF  }
0xc2: {  	_ =	task.clear_ibuf [dreg:s7], $0x2FFFF;
	_ =	strace $0x9FFFFFFF  }
0xc3: {  	(tm) =	ssettm $0x7FFFFFFF  }
tec
execute0_lowered:
.L_overlay_start_1:
0x0: {  	(tag) =	ssettag $0x1  }
0x1: {  	s3 =	rddreg [dreg:$0x0]  }
0x2: {  	s13 =	rddreg [dreg:$0x1]  }
0x3: {  	s1 =	rddreg [dreg:$0x2]  }
0x4: {  	s0 =	rddreg [dreg:$0x3];
	s2 =	simm.s32 $0x0;
	s4 =	srdreg.scid  }
0x5: {  	[smem:$0x7FF] =	sst s2;
	s8 =	sand.u32 $0x1, s4  }
0x6: {  	_ =	strace $0x80000047;
	s4 =	sshll.u32 s8, $0x8;
	s5 =	ssub.s32 $0x2, s8  }
0x7: {  	s16 =	sshll.u32 s8, $0x4;
	s19 =	sshll.u32 s8, $0x7;
	s20 =	sshrl.u32 s5, $0x1  }
0x8: {  	s14 =	sadd.s32 s4, s3;
	s3 =	stileid.u32;
	s15 =	ssub.s32 s5, s20  }
0x9: {  	s21 =	sshll.u32 s3, $0x7;
	s9 =	sor.u32 $0x10, s3;
	s10 =	sor.u32 $0x20, s3  }
0xa: {  	s11 =	sor.u32 $0x30, s3;
	s12 =	sor.u32 $0x40, s3;
	s18 =	sshll.u32 s3, $0x8  }
0xb: {  	s30 =	sshll.u32 s3, $0x4;
	s16 =	sor.u32 s16, s3;
	p0 =	seq.s32 s3, $0xF  }
0xc: {  	s4 =	sadd.s32 s21, s1;
	s22 =	sshll.u32 s9, $0x7;
	s6 =	sshll.u32 s10, $0x7  }
0xd: {  	s7 =	sshll.u32 s11, $0x7;
	s17 =	sshll.u32 s12, $0x7;
	s9 =	sshll.u32 s9, $0x8  }
0xe: {  	s23 =	sor.u32 s19, s18;
	s20 =	sshll.u32 s10, $0x8;
	s26 =	sshll.u32 s11, $0x8  }
0xf: {  	s12 =	sshll.u32 s12, $0x8;
	s31 =	sadd.s32 s30, s14;
	s14 =	smax.u32 s15, $0x1  }
0x10: {  	s18 =	simm.s32 $0x1;
	s5 =	sadd.s32 s22, s1;
	s6 =	sadd.s32 s6, s1  }
0x11: {  	s7 =	sadd.s32 s7, s1;
	s8 =	sadd.s32 s17, s1;
	s9 =	sor.u32 s19, s9  }
0x12: {  	s17 =	sshrl.u32 s23, $0x3;
	s25 =	sor.u32 s19, s20;
	s28 =	sor.u32 s19, s26  }
0x13: {  	s12 =	sor.u32 s19, s12;
	s15 =	sadd.s32 $0xCA00, s31;
	s24 =	sshrl.u32 s9, $0x3  }
0x14: {  	s9 =	sadd.s32 s13, s17;
	s17 =	sshrl.u32 s25, $0x3;
	s29 =	sshrl.u32 s12, $0x3  }
0x15: {  	s10 =	sadd.s32 s13, s24;
	s11 =	sadd.s32 s13, s17;
	s17 =	sshrl.u32 s28, $0x3  }
0x16: {  	v0 =	vimm.f32 $1.000000000e+00;
	v1 =	vimm.f32 $0.0e+00;
	s12 =	sadd.s32 s13, s17;
	s13 =	sadd.s32 s13, s29;
	s17 =	simm.s32 $0x100  }
.LBB2_1:
0x17: {  	[tilespmem:$0x80] =	vst v0  }
0x18: {  	[tilespmem:$0x100] =	vst v1  }
0x19: {  	[tilespmem:$0x90] =	vst v0  }
0x1a: {  	[tilespmem:$0x110] =	vst v1  }
0x1b: {  	[tilespmem:$0xA0] =	vst v0  }
0x1c: {  	[tilespmem:$0x120] =	vst v1  }
0x1d: {  	[tilespmem:$0xB0] =	vst v0  }
0x1e: {  	[tilespmem:$0x130] =	vst v1  }
0x1f: {  	[tilespmem:$0xC0] =	vst v0  }
0x20: {  	[tilespmem:$0x140] =	vst v1  }
0x21: {  	[tilespmem:$0xD0] =	vst v0  }
0x22: {  	[tilespmem:$0x150] =	vst v1  }
0x23: {  	[tilespmem:$0xE0] =	vst v0  }
0x24: {  	[tilespmem:$0x160] =	vst v1  }
0x25: {  	[tilespmem:$0xF0] =	vst v0  }
0x26: {  	[tilespmem:$0x170] =	vst v1  }
0x27: {  	[spmem:s4] =	stream.linear.scatter [tilespmem:s17], [sflag:$0x1], $0x80, $0x38;
	[tilespmem:$0x3F8] =	vst v63  }
0x28: {  	_ =	swait.ge [sflag:s18], $0x80  }
0x29: {  	[sflag:s18] =	ssyncset.done $0x0  }
0x2a: {  	[sflag:s18] =	ssyncadd.s32 $0xFFFFFF80  }
0x2b: {  	[spmem:s5] =	stream.linear.scatter [tilespmem:s17], [sflag:$0x1], $0x80, $0x38;
	[tilespmem:$0x3F8] =	vst v63  }
0x2c: {  	_ =	swait.ge [sflag:s18], $0x80  }
0x2d: {  	[sflag:s18] =	ssyncset.done $0x0  }
0x2e: {  	[sflag:s18] =	ssyncadd.s32 $0xFFFFFF80  }
0x2f: {  	[spmem:s6] =	stream.linear.scatter [tilespmem:s17], [sflag:$0x1], $0x80, $0x38;
	[tilespmem:$0x3F8] =	vst v63  }
0x30: {  	_ =	swait.ge [sflag:s18], $0x80  }
0x31: {  	[sflag:s18] =	ssyncset.done $0x0  }
0x32: {  	[sflag:s18] =	ssyncadd.s32 $0xFFFFFF80  }
0x33: {  	[spmem:s7] =	stream.linear.scatter [tilespmem:s17], [sflag:$0x1], $0x80, $0x38;
	[tilespmem:$0x3F8] =	vst v63  }
0x34: {  	_ =	swait.ge [sflag:s18], $0x80  }
0x35: {  	[sflag:s18] =	ssyncset.done $0x0  }
0x36: {  	s19 =	simm.s32 @!p0 $0x100;
	[sflag:s18] =	ssyncadd.s32 $0xFFFFFF80  }
0x37: {  	[spmem:s8] =	stream.linear.scatter @!p0 [tilespmem:s19], [sflag:$0x1], $0x80, $0x38;
	[tilespmem:$0x3F8] =	vst v63  }
0x38: {  	s19 =	simm.s32 @!p0 $0x1  }
0x39: {  	_ =	swait.ge @!p0 [sflag:s19], $0x80  }
0x3a: {  	s20 =	sadd.s32 $0x0, s16;
	[sflag:s19] =	ssyncset.done @!p0 $0x0  }
0x3b: {  	p1 =	sgt.u32 s20, $0x9C3;
	[sflag:s19] =	ssyncadd.s32 @!p0 $0xFFFFFF80  }
0x3c: {  	s20 =	simm.s32 @!p1 $0x0;
	s21 =	simm.s32 @!p1 $0x2;
	[bflag:$0x0] =	sbarrier.arrive $0xFFFF  }
0x3d: {  	[tilespmem:s20], [sflag:$0x2] =	stream.linear.gather @!p1 [hbm4b:s15+s20], $0x80, $0x38;
	[tilespmem:$0x3F8] =	vst v63  }
0x3e: {  	_ =	swait.ge @!p1 [sflag:s21], $0x80  }
0x3f: {  	s31 =	sadd.s32 $0x20, s16;
	[sflag:s21] =	ssyncset.done @!p1 $0x0  }
0x40: {  	s22 =	simm.s32 @!p1 $0x80;
	[sflag:s21] =	ssyncadd.s32 @!p1 $0xFFFFFF80;
	s21 =	simm.s32 @!p1 $0x1  }
0x41: {  	[spmem:s1] =	stream.indirect.scatter.add.f32 @!p1 [tilespmem:s22], [sflag:$0x1], $0x1, s20, s22, $0xb8;
	[tilespmem:$0x3F8] =	vst v63  }
0x42: {  	p2 =	por p1, p1;
	s19 =	simm.s32 $0x40;
	_ =	swait.ge @!p1 [sflag:s21], $0x80  }
0x43: {  	s20 =	sadd.s32 $0x200, s15;
	p1 =	sgt.u32 s31, $0x9C3;
	[sflag:s21] =	ssyncset.done @!p2 $0x0  }
.LBB2_2:
0x44: {  	s22 =	simm.s32 @!p1 $0x0;
	s23 =	simm.s32 @!p1 $0x2  }
0x45: {  	[sflag:s21] =	ssyncadd.s32 @!p2 $0xFFFFFF80;
	s24 =	smov.u32 s19;
	s19 =	sadd.s32 $0x20, s19  }
0x46: {  	[tilespmem:s22], [sflag:$0x2] =	stream.linear.gather @!p1 [hbm4b:s20+s22], $0x80, $0x38;
	[tilespmem:$0x3F8] =	vst v63  }
0x47: {  	p3 =	sne.s32 s19, $0x9E0;
	_ =	swait.ge @!p1 [sflag:s23], $0x80  }
.Ltmp0:
0x48: {  	[sflag:s23] =	ssyncset.done @!p1 $0x0;
	(pc) =	sbr.rel @p3 .LBB2_2-.Ltmp0, $4  }
0x49: {  	s21 =	simm.s32 @!p1 $0x1;
	[sflag:s23] =	ssyncadd.s32 @!p1 $0xFFFFFF80;
	s23 =	simm.s32 @!p1 $0x80  }
0x4a: {  	[spmem:s1] =	stream.indirect.scatter.add.f32 @!p1 [tilespmem:s23], [sflag:$0x1], $0x1, s22, s23, $0xb8;
	[tilespmem:$0x3F8] =	vst v63  }
0x4b: {  	p2 =	por p1, p1;
	s22 =	sadd.s32 s24, s16;
	_ =	swait.ge @!p1 [sflag:s21], $0x80  }
0x4c: {  	s20 =	sadd.s32 $0x200, s20;
	p1 =	sgt.u32 s22, $0x9C3;
	[sflag:s21] =	ssyncset.done @!p2 $0x0  }
0x4d: {  	s19 =	simm.s32 @!p1 $0x0;
	s22 =	simm.s32 @!p1 $0x2;
	[sflag:s21] =	ssyncadd.s32 @!p2 $0xFFFFFF80  }
0x4e: {  	[tilespmem:s19], [sflag:$0x2] =	stream.linear.gather @!p1 [hbm4b:s20+s19], $0x80, $0x38;
	[tilespmem:$0x3F8] =	vst v63  }
0x4f: {  	_ =	swait.ge @!p1 [sflag:s22], $0x80  }
0x50: {  	[sflag:s22] =	ssyncset.done @!p1 $0x0  }
0x51: {  	s21 =	simm.s32 @!p1 $0x1;
	s20 =	simm.s32 @!p1 $0x80;
	[sflag:s22] =	ssyncadd.s32 @!p1 $0xFFFFFF80  }
0x52: {  	[spmem:s1] =	stream.indirect.scatter.add.f32 @!p1 [tilespmem:s20], [sflag:$0x1], $0x1, s19, s20, $0xb8;
	[tilespmem:$0x3F8] =	vst v63  }
0x53: {  	_ =	swait.ge @!p1 [sflag:s21], $0x80;
	p1 =	por p1, p1  }
0x54: {  	[sflag:s21] =	ssyncset.done @!p1 $0x0  }
0x55: {  	s26 =	sshll.u32 s3, $0x6;
	[sflag:s21] =	ssyncadd.s32 @!p1 $0xFFFFFF80  }
0x56: {  	s28 =	sshrl.u32 s4, $0x3;
	s19 =	sor.u32 $0x1C01, s26;
	[bflag:$0x0] =	sbarrier.arrive $0xFFFF  }
0x57: {  	[hbm:s9], [sflag:s19] =	dma.local [spmem:s28], $0x10  }
0x58: {  	_ =	swait.ge [sflag:s18], $0x10  }
0x59: {  	[sflag:s18] =	ssyncset.done $0x0  }
0x5a: {  	s29 =	sshrl.u32 s5, $0x3;
	[sflag:s18] =	ssyncadd.s32 $0xFFFFFFF0  }
0x5b: {  	[hbm:s10], [sflag:s19] =	dma.local [spmem:s29], $0x10  }
0x5c: {  	_ =	swait.ge [sflag:s18], $0x10  }
0x5d: {  	[sflag:s18] =	ssyncset.done $0x0  }
0x5e: {  	s30 =	sshrl.u32 s6, $0x3;
	[sflag:s18] =	ssyncadd.s32 $0xFFFFFFF0  }
0x5f: {  	[hbm:s11], [sflag:s19] =	dma.local [spmem:s30], $0x10  }
0x60: {  	_ =	swait.ge [sflag:s18], $0x10  }
0x61: {  	[sflag:s18] =	ssyncset.done $0x0  }
0x62: {  	s31 =	sshrl.u32 s7, $0x3;
	[sflag:s18] =	ssyncadd.s32 $0xFFFFFFF0  }
0x63: {  	[hbm:s12], [sflag:s19] =	dma.local [spmem:s31], $0x10  }
0x64: {  	_ =	swait.ge [sflag:s18], $0x10  }
0x65: {  	s2 =	sadd.s32 $0x1, s2;
	[sflag:s18] =	ssyncset.done $0x0  }
0x66: {  	s20 =	sshrl.u32 @!p0 s8, $0x3;
	p1 =	sne.s32 s2, s14;
	[sflag:s18] =	ssyncadd.s32 $0xFFFFFFF0  }
0x67: {  	[hbm:s13], [sflag:s19] =	dma.local @!p0 [spmem:s20], $0x10  }
.Ltmp1:
0x68: {  	_ = 	snop;
	(pc) =	sbr.rel @p1 .LBB2_1-.Ltmp1, $4  }
0x69: {  	s19 =	simm.s32 @!p0 $0x1  }
0x6a: {  	_ =	swait.ge @!p0 [sflag:s19], $0x10  }
0x6b: {  	[sflag:s19] =	ssyncset.done @!p0 $0x0  }
0x6c: {  	[sflag:s19] =	ssyncadd.s32 @!p0 $0xFFFFFFF0  }
0x6d: {  	_ =	sfence.sel $0x180000  }
0x6e: {  	[bflag:$0x0] =	sbarrier.arrive $0xFFFF  }
0x6f: {  	p0 =	sne.s32 s3, $0x0;
	_ =	strace $0x90000047  }
0x70: {  	s0 =	sadd.s32 @!p0 $0x100000, s0;
	[bflag:$0x2] =	sbarrier.arrive $0xFFFF  }
0x71: {  	[sflag:s0] =	ssyncadd.tile.s32 @!p0 $0x1;
	_ =	shalt  }
.Lfunc_end2:
_tile_overlayer_lowered:
.L_overlay_start_2:
0x72: {  	(tag) =	ssettag $0x2  }
0x73: {  	s0 =	rddreg [dreg:$0x0];
	s2 =	stileid.u32  }
0x74: {  	s1 =	rddreg [dreg:$0x1];
	p0 =	sne.s32 s2, $0x0  }
0x75: {  	s3 =	rddreg [dreg:$0x2];
	[bflag:$0x3] =	sbarrier.arrive $0xFFFF;
	s2 =	simm.s32 @!p0 $0x1C01  }
0x76: {  	[timem:s3], [sflag:s2] =	dma.local @!p0 [hbm:s0], s1  }
0x77: {  	s0 =	simm.s32 @!p0 $0x1  }
0x78: {  	_ =	swait.ge @!p0 [sflag:s0], s1  }
0x79: {  	s1 =	ssub.s32 @!p0 $0x0, s1;
	[sflag:s0] =	ssyncset.done @!p0 $0x0  }
0x7a: {  	[sflag:s0] =	ssyncadd.s32 @!p0 s1  }
0x7b: {  	[bflag:$0x3] =	sbarrier.arrive $0xFFFF  }
0x7c: {  	_ =	shalt  }

// kernel: kernel.13.cloned.1.call-start
scs
__scs_entry_jumppad:
0x0: {  	(pc) =	sbr.rel $0x88, $3  }
0x1: {  	(tag) =	ssettag $0x0;
	lr =	simm.s32 $0x1  }
0x2: {  	[smem:$0x3F99] =	sst lr;
	_ =	strace $0xD0000000  }
0x3: {  	_ = 	snop  }
0x4: {  	_ = 	snop  }
0x5: {  	_ = 	snop  }
0x6: {  	_ = 	snop  }
0x7: {  	_ = 	snop  }
__scs_overlays_trampoline_lowered:
0x8: {  	[smem:$0x3FA8] =	sst s0  }
0x9: {  	[smem:$0x3FA9] =	sst s1  }
0xa: {  	[smem:$0x3FAA] =	sst s2  }
0xb: {  	[smem:$0x3FAB] =	sst s3  }
0xc: {  	[smem:$0x3FAC] =	sst s4  }
0xd: {  	[smem:$0x3FAD] =	sst s5  }
0xe: {  	[smem:$0x3FAE] =	sst s6  }
0xf: {  	[smem:$0x3FAF] =	sst s7  }
0x10: {  	[smem:$0x3FB0] =	sst s8  }
0x11: {  	[smem:$0x3FB1] =	sst s9;
	s0 =	simm.s32 @!p0 $0x0  }
0x12: {  	s1 =	sld [smem:$0x3F97];
	s0 =	simm.s32 @p0 $0x1  }
0x13: {  	[smem:$0x3FB2] =	sst s0;
	s0 =	simm.s32 @!p1 $0x0  }
0x14: {  	s2 =	sld [smem:$0x3F96];
	s0 =	simm.s32 @p1 $0x1  }
0x15: {  	[smem:$0x3FB3] =	sst s0;
	s0 =	simm.s32 @!p2 $0x0  }
0x16: {  	s3 =	sld [smem:$0x3FDB];
	s0 =	simm.s32 @p2 $0x1  }
0x17: {  	s4 =	simm.s32 $0x1BF5;
	[smem:$0x3FB5] =	sst s0  }
0x18: {  	s0 =	sld [smem:$0x3F98];
	_ =	swait.ge [sflag:s4], $0x0  }
0x19: {  	s7 =	sld [smem:$0x3F99]  }
0x1a: {  	s8 =	sadd.s32 $0xFFFFE003, lr  }
0x1b: {  	s9 =	sadd.s32 $0xFFFFFEF7, lr;
	s5 =	simm.s32 $0xFFFFFFFF;
	p2 =	slt.u32 s8, $0xFFFFF086  }
0x1c: {  	p1 =	slt.u32 s9, $0xF7A;
	s5 =	simm.s32 @!p2 $0x0  }
0x1d: {  	s5 =	simm.s32 @p1 $0x1;
	p0 =	seq.s32 s7, s2  }
0x1e: {  	s7 =	smul.u32 @!p0 $0xF7A, s2;
	p2 =	seq.s32 @!p0 s5, $0x0  }
0x1f: {  	s9 =	smul.u32 $0xF7A, s1;
	s8 =	simm.s32 @!p0 $0x1BF5;
	p2 =	por !p2, p0  }
0x20: {  	[sflag:s8] =	ssyncset.s32 @!p0 $0xFFFFF086;
	s6 =	sadd.s32 @!p0 s3, s7;
	s7 =	simm.s32 @!p0 $0x108  }
0x21: {  	s3 =	sadd.s32 s3, s9;
	s6 =	sadd.s32 @!p0 $0x88, s6;
	s7 =	simm.s32 @p2 $0x1082  }
0x22: {  	[simem:s7], [sflag:s8] =	dma.local @!p0 [hbm:s6], $0xF7A  }
0x23: {  	s9 =	sor.u32 $0xD0000000, s2;
	s6 =	simm.s32 $0x108;
	_ =	swait.ge @!p0 [sflag:s8], $0x0  }
0x24: {  	s3 =	sadd.s32 $0x88, s3;
	s6 =	simm.s32 @!p1 $0x1082;
	[sflag:s4] =	ssyncset.s32 $0xFFFFF086  }
0x25: {  	[simem:s6], [sflag:s4] =	dma.local [hbm:s3], $0xF7A  }
0x26: {  	[smem:$0x3F99] =	sst s1;
	(tag) =	ssettag s2;
	_ =	strace s9  }
0x27: {  	s1 =	sld [smem:$0x3FA9]  }
0x28: {  	s2 =	sld [smem:$0x3FAA]  }
0x29: {  	s4 =	sld [smem:$0x3FAC]  }
0x2a: {  	p0 =	seq.s32 s5, $0x0;
	s5 =	sld [smem:$0x3FAD]  }
0x2b: {  	s6 =	sld [smem:$0x3FAE]  }
0x2c: {  	s7 =	sld [smem:$0x3FAF]  }
0x2d: {  	s3 =	simm.s32 $0x108;
	s8 =	sld [smem:$0x3FB0]  }
0x2e: {  	s3 =	simm.s32 @!p0 $0x1082;
	s9 =	sld [smem:$0x3FB1]  }
0x2f: {  	lr =	sadd.s32 s0, s3;
	s0 =	sld [smem:$0x3FA8]  }
0x30: {  	s3 =	sld [smem:$0x3FAB]  }
0x31: {  	[smem:$0x3FB4] =	sst s10  }
0x32: {  	s10 =	sld [smem:$0x3FB2];
	_ =	sdelay $0x3  }
0x33: {  	p0 =	seq.s32 s10, $0x1;
	s10 =	sld [smem:$0x3FB4];
	_ =	sdelay $0x3  }
0x34: {  	[smem:$0x3FB4] =	sst s10  }
0x35: {  	s10 =	sld [smem:$0x3FB3];
	_ =	sdelay $0x3  }
0x36: {  	p1 =	seq.s32 s10, $0x1;
	s10 =	sld [smem:$0x3FB4];
	_ =	sdelay $0x3  }
0x37: {  	[smem:$0x3FB4] =	sst s10  }
0x38: {  	s10 =	sld [smem:$0x3FB5]  }
0x39: {  	_ = 	snop;
	(pc) =	sbr.ind lr, $3  }
0x3a: {  	_ = 	snop  }
0x3b: {  	_ = 	snop  }
0x3c: {  	p2 =	seq.s32 s10, $0x1;
	s10 =	sld [smem:$0x3FB4]  }
0x3d: {  	_ =	shalt  }
0x3e: {  	_ =	shalt  }
0x3f: {  	_ =	shalt  }
0x40: {  	_ =	shalt  }
0x41: {  	_ =	shalt  }
0x42: {  	_ =	shalt  }
0x43: {  	_ =	shalt  }
0x44: {  	_ =	shalt  }
0x45: {  	_ =	shalt  }
0x46: {  	_ =	shalt  }
0x47: {  	_ =	shalt  }
0x48: {  	_ =	shalt  }
0x49: {  	_ =	shalt  }
0x4a: {  	_ =	shalt  }
0x4b: {  	_ =	shalt  }
0x4c: {  	_ =	shalt  }
0x4d: {  	_ =	shalt  }
0x4e: {  	_ =	shalt  }
0x4f: {  	_ =	shalt  }
0x50: {  	_ =	shalt  }
0x51: {  	_ =	shalt  }
0x52: {  	_ =	shalt  }
0x53: {  	_ =	shalt  }
0x54: {  	_ =	shalt  }
0x55: {  	_ =	shalt  }
0x56: {  	_ =	shalt  }
0x57: {  	_ =	shalt  }
0x58: {  	_ =	shalt  }
0x59: {  	_ =	shalt  }
0x5a: {  	_ =	shalt  }
0x5b: {  	_ =	shalt  }
0x5c: {  	_ =	shalt  }
0x5d: {  	_ =	shalt  }
0x5e: {  	_ =	shalt  }
0x5f: {  	_ =	shalt  }
0x60: {  	_ =	shalt  }
0x61: {  	_ =	shalt  }
0x62: {  	_ =	shalt  }
0x63: {  	_ =	shalt  }
0x64: {  	_ =	shalt  }
0x65: {  	_ =	shalt  }
0x66: {  	_ =	shalt  }
0x67: {  	_ =	shalt  }
0x68: {  	_ =	shalt  }
0x69: {  	_ =	shalt  }
0x6a: {  	_ =	shalt  }
0x6b: {  	_ =	shalt  }
0x6c: {  	_ =	shalt  }
0x6d: {  	_ =	shalt  }
0x6e: {  	_ =	shalt  }
0x6f: {  	_ =	shalt  }
0x70: {  	_ =	shalt  }
0x71: {  	_ =	shalt  }
0x72: {  	_ =	shalt  }
0x73: {  	_ =	shalt  }
0x74: {  	_ =	shalt  }
0x75: {  	_ =	shalt  }
0x76: {  	_ =	shalt  }
0x77: {  	_ =	shalt  }
0x78: {  	_ =	shalt  }
0x79: {  	_ =	shalt  }
0x7a: {  	_ =	shalt  }
0x7b: {  	_ =	shalt  }
0x7c: {  	_ =	shalt  }
0x7d: {  	_ =	shalt  }
0x7e: {  	_ =	shalt  }
0x7f: {  	_ =	shalt  }
0x80: {  	_ =	shalt  }
0x81: {  	_ =	shalt  }
0x82: {  	_ =	shalt  }
0x83: {  	_ =	shalt  }
0x84: {  	_ =	shalt  }
0x85: {  	_ =	shalt  }
0x86: {  	_ =	shalt  }
0x87: {  	_ =	shalt  }
.Lfunc_end0:
.L_simem_size_0:
called_computation.1_lowered:
.L_overlay_start_0:
0x88: {  	s2 =	sld [smem:$0x3FD9]  }
0x89: {  	s3 =	sld [smem:$0x3FFE];
	_ =	sdelay $0x1  }
0x8a: {  	s1 =	srdreg.scid  }
0x8b: {  	s0 =	sand.u32 $0x1, s1  }
0x8c: {  	s17 =	sshll.u32 s0, $0xA;
	s2 =	sadd.s32 s3, s2  }
0x8d: {  	s2 =	sadd.s32 s2, s17  }
0x8e: {  	[smem:$0x3FC0] =	sst s2  }
0x8f: {  	_ = 	snop  }
0x90: {  	s2 =	sld [smem:$0x3FD0];
	(tm) =	ssettm $0x1  }
0x91: {  	s18 =	sld [smem:$0x3FFB];
	_ =	sdelay $0x3  }
0x92: {  	_ =	strace s18  }
0x93: {  	s3 =	sld [smem:$0x3FFC];
	_ =	sdelay $0x3  }
0x94: {  	_ =	strace s3  }
0x95: {  	s3 =	sld [smem:$0x3FFD];
	_ =	sdelay $0x3  }
0x96: {  	_ =	strace s3  }
0x97: {  	_ =	strace $0x8FFFFFFF  }
0x98: {  	s19 =	sld [smem:$0x3FDB];
	_ =	sdelay $0x1  }
0x99: {  	s4 =	simm.s32 $_scs_section_size  }
0x9a: {  	s5 =	simm.s32 $_size__tile_overlayer_lowered;
	s6 =	simm.s32 $_tile_overlayer_lowered  }
0x9b: {  	s22 =	simm.s32 $0x1BFF;
	s21 =	sshll.u32 s6, $0x1;
	s3 =	sadd.s32 s4, s19  }
0x9c: {  	s7 =	simm.s32 $0x0;
	s20 =	sshll.u32 s5, $0x1;
	s5 =	sadd.s32 s21, s3  }
0x9d: {  	[timem:s7], [sflag:s22] =	dma.local [hbm:s5], s20  }
0x9e: {  	_ =	swait.ge [sflag:s22], s20  }
0x9f: {  	s4 =	ssub.s32 $0x0, s20;
	[sflag:s22] =	ssyncset.done $0x0  }
0xa0: {  	[sflag:s22] =	ssyncadd.s32 s4;
	_ =	sdelay $0x1  }
0xa1: {  	s23 =	simm.s32 $0x1B8B  }
0xa2: {  	_ =	swait.ge [sflag:s23], $0x1  }
0xa3: {  	[sflag:s23] =	ssyncset.done $0x0  }
0xa4: {  	s25 =	simm.s32 $0x1B8E;
	s24 =	sld [smem:$0x3FFE];
	[sflag:s23] =	ssyncadd.s32 $0xFFFFFFFF  }
0xa5: {  	s26 =	simm.s32 $execute0_lowered;
	[smem:$0x3FD2] =	sst s25  }
0xa6: {  	s5 =	sshll.u32 s26, $0x1;
	_ =	strace $0x80000049;
	[dreg:$0x1] =	wrdreg $0xFFFFFFFF  }
0xa7: {  	s28 =	simm.s32 $_size_execute0_lowered;
	s3 =	sadd.s32 s3, s5;
	[dreg:$0x0] =	wrdreg $0x0  }
0xa8: {  	s5 =	sshll.u32 s28, $0x1;
	[dreg:$0x2] =	wrdreg s3  }
0xa9: {  	[dreg:$0x3] =	wrdreg s5  }
0xaa: {  	[dreg:$0x4] =	wrdreg $0xC0  }
0xab: {  	_ =	task [dreg:s7], $0x5FFFF  }
0xac: {  	[dreg:$0x1] =	wrdreg $0xFFFFFFFF  }
0xad: {  	[dreg:$0x0] =	wrdreg $0x60  }
0xae: {  	[dreg:$0x2] =	wrdreg s2  }
0xaf: {  	[dreg:$0x3] =	wrdreg s24  }
0xb0: {  	[dreg:$0x4] =	wrdreg $0x41000  }
0xb1: {  	[dreg:$0x5] =	wrdreg $0x9  }
0xb2: {  	_ =	task.clear_ibuf [dreg:s7], $0x6FFFF;
	_ =	strace $0x90000049  }
0xb3: {  	s29 =	simm.s32 $0x9;
	_ =	strace $0x8000004B  }
0xb4: {  	_ =	swait.ge [sflag:s29], $0x1  }
0xb5: {  	[sflag:s29] =	ssyncadd.s32 $0xFFFFFFFF  }
0xb6: {  	_ =	strace $0x9000004B  }
0xb7: {  	_ =	sfence  }
0xb8: {  	s30 =	sld [smem:$0x0];
	_ =	sdelay $0x2  }
0xb9: {  	s31 =	sshll.u32 s1, $0xD;
	s1 =	sshrl.u32 s1, $0x2  }
0xba: {  	s3 =	sand.u32 $0x4000, s31;
	s1 =	sadd.s32 s1, s30  }
0xbb: {  	s0 =	sor.u32 s3, s0;
	s1 =	sshll.u32 s1, $0x11  }
0xbc: {  	s0 =	sor.u32 s1, s0  }
0xbd: {  	s0 =	sadd.s32 $0x8F2B, s0  }
0xbe: {  	[sflag:s0] =	ssyncadd.remote.s32 $0x1  }
0xbf: {  	_ =	sfence.sel $0xFFFF  }
0xc0: {  	[dreg:$0x0] =	wrdreg $0xFFFFFFFF;
	(pc) =	sbr.abs _section_cstart, $3  }
0xc1: {  	[dreg:$0x1] =	wrdreg $0xFFFFFFFF  }
0xc2: {  	_ =	task.clear_ibuf [dreg:s7], $0x2FFFF;
	_ =	strace $0x9FFFFFFF  }
0xc3: {  	(tm) =	ssettm $0x7FFFFFFF  }
tec
execute0_lowered:
.L_overlay_start_1:
0x0: {  	(tag) =	ssettag $0x1  }
0x1: {  	s1 =	rddreg [dreg:$0x0]  }
0x2: {  	s5 =	rddreg [dreg:$0x1]  }
0x3: {  	s2 =	rddreg [dreg:$0x2]  }
0x4: {  	s0 =	rddreg [dreg:$0x3];
	s3 =	simm.s32 $0x0  }
0x5: {  	s4 =	srdreg.scid;
	[smem:$0x7FF] =	sst s3  }
0x6: {  	s6 =	sand.u32 $0x1, s4;
	s14 =	sadd.s32 $0x16800, s5;
	_ =	strace $0x8000004A  }
0x7: {  	s4 =	sshll.u32 s6, $0x8;
	s7 =	ssub.s32 $0x2, s6;
	s18 =	sshll.u32 s6, $0x4  }
0x8: {  	s16 =	sadd.s32 s4, s5;
	s4 =	stileid.u32;
	s23 =	sshrl.u32 s7, $0x1  }
0x9: {  	s13 =	smul.u32 $0x13C000, s6;
	s9 =	sshll.u32 s4, $0xE;
	s15 =	ssub.s32 s7, s23  }
0xa: {  	s30 =	sshll.u32 s4, $0x4;
	s18 =	sor.u32 s18, s4;
	p0 =	seq.s32 s4, $0xF  }
0xb: {  	s5 =	sadd.s32 s9, s2;
	s10 =	sor.u32 $0x40000, s9;
	s11 =	sor.u32 $0x80000, s9  }
0xc: {  	s12 =	sor.u32 $0xC0000, s9;
	s17 =	sor.u32 $0x100000, s9;
	s19 =	sadd.s32 s9, s13  }
0xd: {  	s15 =	smax.u32 s15, $0x1;
	s31 =	sadd.s32 s30, s16;
	s6 =	sadd.s32 s10, s2  }
0xe: {  	s7 =	sadd.s32 s11, s2;
	s8 =	sadd.s32 s12, s2;
	s9 =	sadd.s32 s17, s2  }
0xf: {  	s19 =	sshrl.u32 s19, $0x3;
	s20 =	sadd.s32 s13, s10;
	s25 =	sadd.s32 s13, s11  }
0x10: {  	s28 =	sadd.s32 s13, s12;
	s17 =	sadd.s32 s13, s17;
	s16 =	sadd.s32 $0xCA00, s31  }
0x11: {  	s10 =	sadd.s32 s14, s19;
	s24 =	sshrl.u32 s20, $0x3;
	s26 =	sshrl.u32 s25, $0x3  }
0x12: {  	s29 =	sshrl.u32 s28, $0x3;
	s17 =	sshrl.u32 s17, $0x3;
	s19 =	simm.s32 $0x100  }
0x13: {  	s20 =	simm.s32 $0x2;
	s11 =	sadd.s32 s14, s24;
	s12 =	sadd.s32 s14, s26  }
0x14: {  	v0 =	vimm.f32 $0.0e+00;
	s13 =	sadd.s32 s14, s29;
	s14 =	sadd.s32 s14, s17;
	s17 =	sadd.s32 $0x2C00, s31  }
.LBB2_1:
0x15: {  	s21 =	simm.s32 $0x0;
	s22 =	simm.s32 $0x200  }
.LBB2_2:
0x16: {  	p1 =	sne.s32 s22, $0xFE00;
	[tilespmem:s21+$0x170] =	vst v0  }
0x17: {  	[tilespmem:s21+$0x100] =	vst v0  }
0x18: {  	[tilespmem:s21+$0x110] =	vst v0  }
.Ltmp0:
0x19: {  	[tilespmem:s21+$0x120] =	vst v0;
	(pc) =	sbr.rel @p1 .LBB2_2-.Ltmp0, $4  }
0x1a: {  	[tilespmem:s21+$0x130] =	vst v0  }
0x1b: {  	[tilespmem:s21+$0x140] =	vst v0  }
0x1c: {  	[tilespmem:s21+$0x150] =	vst v0  }
0x1d: {  	[tilespmem:s21+$0x160] =	vst v0;
	s21 =	sshra.s32 s22, $0x2;
	s22 =	sadd.s32 $0x200, s22  }
0x1e: {  	[tilespmem:s21+$0x170] =	vst v0  }
0x1f: {  	[tilespmem:s21+$0x100] =	vst v0  }
0x20: {  	[tilespmem:s21+$0x110] =	vst v0  }
0x21: {  	[tilespmem:s21+$0x120] =	vst v0  }
0x22: {  	[tilespmem:s21+$0x130] =	vst v0  }
0x23: {  	[tilespmem:s21+$0x140] =	vst v0  }
0x24: {  	[tilespmem:s21+$0x150] =	vst v0  }
0x25: {  	[tilespmem:s21+$0x160] =	vst v0  }
0x26: {  	[spmem:s5] =	stream.linear.scatter [tilespmem:s19], [sflag:$0x2], $0x4000, $0x38;
	[tilespmem:$0x17D00] =	vst v63  }
0x27: {  	_ =	swait.ge [sflag:s20], $0x4000  }
0x28: {  	[sflag:s20] =	ssyncset.done $0x0  }
0x29: {  	[sflag:s20] =	ssyncadd.s32 $0xFFFFC000  }
0x2a: {  	[spmem:s6] =	stream.linear.scatter [tilespmem:s19], [sflag:$0x2], $0x4000, $0x38;
	[tilespmem:$0x17D00] =	vst v63  }
0x2b: {  	_ =	swait.ge [sflag:s20], $0x4000  }
0x2c: {  	[sflag:s20] =	ssyncset.done $0x0  }
0x2d: {  	[sflag:s20] =	ssyncadd.s32 $0xFFFFC000  }
0x2e: {  	[spmem:s7] =	stream.linear.scatter [tilespmem:s19], [sflag:$0x2], $0x4000, $0x38;
	[tilespmem:$0x17D00] =	vst v63  }
0x2f: {  	_ =	swait.ge [sflag:s20], $0x4000  }
0x30: {  	[sflag:s20] =	ssyncset.done $0x0  }
0x31: {  	[sflag:s20] =	ssyncadd.s32 $0xFFFFC000  }
0x32: {  	[spmem:s8] =	stream.linear.scatter [tilespmem:s19], [sflag:$0x2], $0x4000, $0x38;
	[tilespmem:$0x17D00] =	vst v63  }
0x33: {  	_ =	swait.ge [sflag:s20], $0x4000  }
0x34: {  	[sflag:s20] =	ssyncset.done $0x0  }
0x35: {  	s21 =	simm.s32 @!p0 $0x100;
	[sflag:s20] =	ssyncadd.s32 $0xFFFFC000  }
0x36: {  	[spmem:s9] =	stream.linear.scatter @!p0 [tilespmem:s21], [sflag:$0x2], $0x4000, $0x38;
	[tilespmem:$0x17D00] =	vst v63  }
0x37: {  	s21 =	simm.s32 @!p0 $0x2  }
0x38: {  	_ =	swait.ge @!p0 [sflag:s21], $0x4000  }
0x39: {  	p1 =	sgt.u32 s18, $0x9C3;
	[sflag:s21] =	ssyncset.done @!p0 $0x0  }
0x3a: {  	s22 =	simm.s32 @!p1 $0x0;
	[sflag:s21] =	ssyncadd.s32 @!p0 $0xFFFFC000  }
0x3b: {  	s23 =	simm.s32 @!p1 $0x3;
	s21 =	sadd.s32 @!p1 $0x0, s17;
	[bflag:$0x0] =	sbarrier.arrive $0xFFFF  }
0x3c: {  	[tilespmem:s22], [sflag:$0x3] =	stream.linear.gather @!p1 [hbm4b:s21+s22], $0x80, $0x38;
	[tilespmem:$0x17D00] =	vst v63  }
0x3d: {  	_ =	swait.ge @!p1 [sflag:s23], $0x80;
	p1 =	por p1, p1  }
0x3e: {  	[sflag:s23] =	ssyncset.done @!p1 $0x0;
	s21 =	simm.s32 @!p1 $0x1  }
0x3f: {  	s24 =	simm.s32 @!p1 $0x80;
	s25 =	simm.s32 @!p1 $0x100;
	[sflag:s23] =	ssyncadd.s32 @!p1 $0xFFFFFF80  }
0x40: {  	[tilespmem:s25], [sflag:$0x1] =	stream.indirect.gather @!p1 [hbm4b:s1+s24], $0x80, s22, s24, $0xb8;
	[tilespmem:$0x17D00] =	vst v63  }
0x41: {  	_ =	swait.ge @!p1 [sflag:s21], $0x4000  }
0x42: {  	[sflag:s21] =	ssyncset.done @!p1 $0x0  }
0x43: {  	[sflag:s21] =	ssyncadd.s32 @!p1 $0xFFFFC000;
	s21 =	sadd.s32 @!p1 $0x0, s16  }
0x44: {  	[tilespmem:s24], [sflag:$0x3] =	stream.linear.gather @!p1 [hbm4b:s21+s22], $0x80, $0x38;
	[tilespmem:$0x17D00] =	vst v63  }
0x45: {  	_ =	swait.ge @!p1 [sflag:s23], $0x80  }
0x46: {  	[sflag:s23] =	ssyncset.done @!p1 $0x0  }
0x47: {  	[sflag:s23] =	ssyncadd.s32 @!p1 $0xFFFFFF80  }
0x48: {  	[spmem:s2] =	stream.indirect.scatter.add.f32 @!p1 [tilespmem:s25], [sflag:$0x2], $0x80, s24, s24, $0xb8;
	[tilespmem:$0x17D00] =	vst v63  }
0x49: {  	s21 =	simm.s32 $0x200;
	s22 =	sadd.s32 $0x20, s18;
	s24 =	simm.s32 @!p1 $0x2  }
0x4a: {  	p3 =	sgt.u32 s22, $0x9C3;
	s23 =	simm.s32 $0x400;
	_ =	swait.ge @!p1 [sflag:s24], $0x4000  }
.LBB2_4:
0x4b: {  	s25 =	sadd.s32 @!p3 s21, s17  }
0x4c: {  	s26 =	simm.s32 @!p3 $0x0;
	[sflag:s24] =	ssyncset.done @!p1 $0x0;
	s28 =	smov.u32 s23  }
0x4d: {  	s23 =	sadd.s32 $0x200, s23;
	s29 =	simm.s32 @!p3 $0x3;
	[sflag:s24] =	ssyncadd.s32 @!p1 $0xFFFFC000  }
0x4e: {  	[tilespmem:s26], [sflag:$0x3] =	stream.linear.gather @!p3 [hbm4b:s25+s26], $0x80, $0x38;
	[tilespmem:$0x17D00] =	vst v63  }
0x4f: {  	p2 =	sne.s32 s23, $0x9E00;
	p1 =	por p3, p3;
	_ =	swait.ge @!p3 [sflag:s29], $0x80  }
0x50: {  	s24 =	simm.s32 @!p1 $0x1;
	[sflag:s29] =	ssyncset.done @!p1 $0x0  }
0x51: {  	s25 =	simm.s32 @!p1 $0x80;
	s30 =	simm.s32 @!p1 $0x100;
	[sflag:s29] =	ssyncadd.s32 @!p1 $0xFFFFFF80  }
0x52: {  	[tilespmem:s30], [sflag:$0x1] =	stream.indirect.gather @!p1 [hbm4b:s1+s25], $0x80, s26, s25, $0xb8;
	[tilespmem:$0x17D00] =	vst v63  }
0x53: {  	_ =	swait.ge @!p1 [sflag:s24], $0x4000  }
0x54: {  	[sflag:s24] =	ssyncset.done @!p1 $0x0  }
0x55: {  	[sflag:s24] =	ssyncadd.s32 @!p1 $0xFFFFC000;
	s24 =	sadd.s32 @!p1 s21, s16;
	s21 =	smov.u32 s28  }
0x56: {  	[tilespmem:s25], [sflag:$0x3] =	stream.linear.gather @!p1 [hbm4b:s24+s26], $0x80, $0x38;
	[tilespmem:$0x17D00] =	vst v63  }
.Ltmp1:
0x57: {  	_ =	swait.ge @!p1 [sflag:s29], $0x80;
	(pc) =	sbr.rel @p2 .LBB2_4-.Ltmp1, $4  }
0x58: {  	[sflag:s29] =	ssyncset.done @!p1 $0x0  }
0x59: {  	s22 =	sadd.s32 $0x20, s22;
	s24 =	simm.s32 @!p1 $0x2;
	[sflag:s29] =	ssyncadd.s32 @!p1 $0xFFFFFF80  }
0x5a: {  	[spmem:s2] =	stream.indirect.scatter.add.f32 @!p1 [tilespmem:s30], [sflag:$0x2], $0x80, s25, s25, $0xb8;
	[tilespmem:$0x17D00] =	vst v63  }
0x5b: {  	p3 =	sgt.u32 s22, $0x9C3;
	_ =	swait.ge @!p1 [sflag:s24], $0x4000  }
0x5c: {  	s22 =	sadd.s32 @!p3 s21, s17;
	[sflag:s24] =	ssyncset.done @!p1 $0x0  }
0x5d: {  	s23 =	simm.s32 @!p3 $0x0;
	s25 =	simm.s32 @!p3 $0x3;
	[sflag:s24] =	ssyncadd.s32 @!p1 $0xFFFFC000  }
0x5e: {  	[tilespmem:s23], [sflag:$0x3] =	stream.linear.gather @!p3 [hbm4b:s22+s23], $0x80, $0x38;
	[tilespmem:$0x17D00] =	vst v63  }
0x5f: {  	p1 =	por p3, p3;
	_ =	swait.ge @!p3 [sflag:s25], $0x80  }
0x60: {  	s22 =	simm.s32 @!p1 $0x1;
	[sflag:s25] =	ssyncset.done @!p1 $0x0  }
0x61: {  	s24 =	simm.s32 @!p1 $0x80;
	s26 =	simm.s32 @!p1 $0x100;
	[sflag:s25] =	ssyncadd.s32 @!p1 $0xFFFFFF80  }
0x62: {  	[tilespmem:s26], [sflag:$0x1] =	stream.indirect.gather @!p1 [hbm4b:s1+s24], $0x80, s23, s24, $0xb8;
	[tilespmem:$0x17D00] =	vst v63  }
0x63: {  	_ =	swait.ge @!p1 [sflag:s22], $0x4000  }
0x64: {  	[sflag:s22] =	ssyncset.done @!p1 $0x0  }
0x65: {  	s21 =	sadd.s32 @!p1 s21, s16;
	[sflag:s22] =	ssyncadd.s32 @!p1 $0xFFFFC000  }
0x66: {  	[tilespmem:s24], [sflag:$0x3] =	stream.linear.gather @!p1 [hbm4b:s21+s23], $0x80, $0x38;
	[tilespmem:$0x17D00] =	vst v63  }
0x67: {  	_ =	swait.ge @!p1 [sflag:s25], $0x80  }
0x68: {  	[sflag:s25] =	ssyncset.done @!p1 $0x0  }
0x69: {  	s21 =	simm.s32 @!p1 $0x2;
	[sflag:s25] =	ssyncadd.s32 @!p1 $0xFFFFFF80  }
0x6a: {  	[spmem:s2] =	stream.indirect.scatter.add.f32 @!p1 [tilespmem:s26], [sflag:$0x2], $0x80, s24, s24, $0xb8;
	[tilespmem:$0x17D00] =	vst v63  }
0x6b: {  	_ =	swait.ge @!p1 [sflag:s21], $0x4000  }
0x6c: {  	[sflag:s21] =	ssyncset.done @!p1 $0x0  }
0x6d: {  	s26 =	sshll.u32 s4, $0x6;
	[sflag:s21] =	ssyncadd.s32 @!p1 $0xFFFFC000  }
0x6e: {  	s28 =	sshrl.u32 s5, $0x3;
	s21 =	sor.u32 $0x1C02, s26;
	[bflag:$0x0] =	sbarrier.arrive $0xFFFF  }
0x6f: {  	[hbm:s10], [sflag:s21] =	dma.local [spmem:s28], $0x800  }
0x70: {  	_ =	swait.ge [sflag:s20], $0x800  }
0x71: {  	[sflag:s20] =	ssyncset.done $0x0  }
0x72: {  	s29 =	sshrl.u32 s6, $0x3;
	[sflag:s20] =	ssyncadd.s32 $0xFFFFF800  }
0x73: {  	[hbm:s11], [sflag:s21] =	dma.local [spmem:s29], $0x800  }
0x74: {  	_ =	swait.ge [sflag:s20], $0x800  }
0x75: {  	[sflag:s20] =	ssyncset.done $0x0  }
0x76: {  	s30 =	sshrl.u32 s7, $0x3;
	[sflag:s20] =	ssyncadd.s32 $0xFFFFF800  }
0x77: {  	[hbm:s12], [sflag:s21] =	dma.local [spmem:s30], $0x800  }
0x78: {  	_ =	swait.ge [sflag:s20], $0x800  }
0x79: {  	[sflag:s20] =	ssyncset.done $0x0  }
0x7a: {  	s31 =	sshrl.u32 s8, $0x3;
	[sflag:s20] =	ssyncadd.s32 $0xFFFFF800  }
0x7b: {  	[hbm:s13], [sflag:s21] =	dma.local [spmem:s31], $0x800  }
0x7c: {  	_ =	swait.ge [sflag:s20], $0x800  }
0x7d: {  	s3 =	sadd.s32 $0x1, s3;
	[sflag:s20] =	ssyncset.done $0x0  }
0x7e: {  	s22 =	sshrl.u32 @!p0 s9, $0x3;
	p1 =	sne.s32 s3, s15;
	[sflag:s20] =	ssyncadd.s32 $0xFFFFF800  }
0x7f: {  	[hbm:s14], [sflag:s21] =	dma.local @!p0 [spmem:s22], $0x800  }
.Ltmp2:
0x80: {  	_ = 	snop;
	(pc) =	sbr.rel @p1 .LBB2_1-.Ltmp2, $4  }
0x81: {  	s21 =	simm.s32 @!p0 $0x2  }
0x82: {  	_ =	swait.ge @!p0 [sflag:s21], $0x800  }
0x83: {  	[sflag:s21] =	ssyncset.done @!p0 $0x0  }
0x84: {  	[sflag:s21] =	ssyncadd.s32 @!p0 $0xFFFFF800  }
0x85: {  	_ =	sfence.sel $0x180000  }
0x86: {  	[bflag:$0x0] =	sbarrier.arrive $0xFFFF  }
0x87: {  	p0 =	sne.s32 s4, $0x0;
	_ =	strace $0x9000004A  }
0x88: {  	s0 =	sadd.s32 @!p0 $0x100000, s0;
	[bflag:$0x2] =	sbarrier.arrive $0xFFFF  }
0x89: {  	[sflag:s0] =	ssyncadd.tile.s32 @!p0 $0x1;
	_ =	shalt  }
.Lfunc_end2:
_tile_overlayer_lowered:
.L_overlay_start_2:
0x8a: {  	(tag) =	ssettag $0x2  }
0x8b: {  	s0 =	rddreg [dreg:$0x0];
	s2 =	stileid.u32  }
0x8c: {  	s1 =	rddreg [dreg:$0x1];
	p0 =	sne.s32 s2, $0x0  }
0x8d: {  	s3 =	rddreg [dreg:$0x2];
	[bflag:$0x3] =	sbarrier.arrive $0xFFFF;
	s2 =	simm.s32 @!p0 $0x1C02  }
0x8e: {  	[timem:s3], [sflag:s2] =	dma.local @!p0 [hbm:s0], s1  }
0x8f: {  	s0 =	simm.s32 @!p0 $0x2  }
0x90: {  	_ =	swait.ge @!p0 [sflag:s0], s1  }
0x91: {  	s1 =	ssub.s32 @!p0 $0x0, s1;
	[sflag:s0] =	ssyncset.done @!p0 $0x0  }
0x92: {  	[sflag:s0] =	ssyncadd.s32 @!p0 s1  }
0x93: {  	[bflag:$0x3] =	sbarrier.arrive $0xFFFF  }
0x94: {  	_ =	shalt  }

// kernel: kernel.16.cloned.1.call-start
scs
__scs_entry_jumppad:
0x0: {  	(pc) =	sbr.rel $0x88, $3  }
0x1: {  	(tag) =	ssettag $0x0;
	lr =	simm.s32 $0x1  }
0x2: {  	[smem:$0x3F99] =	sst lr;
	_ =	strace $0xD0000000  }
0x3: {  	_ = 	snop  }
0x4: {  	_ = 	snop  }
0x5: {  	_ = 	snop  }
0x6: {  	_ = 	snop  }
0x7: {  	_ = 	snop  }
__scs_overlays_trampoline_lowered:
0x8: {  	[smem:$0x3FA8] =	sst s0  }
0x9: {  	[smem:$0x3FA9] =	sst s1  }
0xa: {  	[smem:$0x3FAA] =	sst s2  }
0xb: {  	[smem:$0x3FAB] =	sst s3  }
0xc: {  	[smem:$0x3FAC] =	sst s4  }
0xd: {  	[smem:$0x3FAD] =	sst s5  }
0xe: {  	[smem:$0x3FAE] =	sst s6  }
0xf: {  	[smem:$0x3FAF] =	sst s7  }
0x10: {  	[smem:$0x3FB0] =	sst s8  }
0x11: {  	[smem:$0x3FB1] =	sst s9;
	s0 =	simm.s32 @!p0 $0x0  }
0x12: {  	s1 =	sld [smem:$0x3F97];
	s0 =	simm.s32 @p0 $0x1  }
0x13: {  	[smem:$0x3FB2] =	sst s0;
	s0 =	simm.s32 @!p1 $0x0  }
0x14: {  	s2 =	sld [smem:$0x3F96];
	s0 =	simm.s32 @p1 $0x1  }
0x15: {  	[smem:$0x3FB3] =	sst s0;
	s0 =	simm.s32 @!p2 $0x0  }
0x16: {  	s3 =	sld [smem:$0x3FDB];
	s0 =	simm.s32 @p2 $0x1  }
0x17: {  	s4 =	simm.s32 $0x1BF5;
	[smem:$0x3FB5] =	sst s0  }
0x18: {  	s0 =	sld [smem:$0x3F98];
	_ =	swait.ge [sflag:s4], $0x0  }
0x19: {  	s7 =	sld [smem:$0x3F99]  }
0x1a: {  	s8 =	sadd.s32 $0xFFFFE003, lr  }
0x1b: {  	s9 =	sadd.s32 $0xFFFFFEF7, lr;
	s5 =	simm.s32 $0xFFFFFFFF;
	p2 =	slt.u32 s8, $0xFFFFF086  }
0x1c: {  	p1 =	slt.u32 s9, $0xF7A;
	s5 =	simm.s32 @!p2 $0x0  }
0x1d: {  	s5 =	simm.s32 @p1 $0x1;
	p0 =	seq.s32 s7, s2  }
0x1e: {  	s7 =	smul.u32 @!p0 $0xF7A, s2;
	p2 =	seq.s32 @!p0 s5, $0x0  }
0x1f: {  	s9 =	smul.u32 $0xF7A, s1;
	s8 =	simm.s32 @!p0 $0x1BF5;
	p2 =	por !p2, p0  }
0x20: {  	[sflag:s8] =	ssyncset.s32 @!p0 $0xFFFFF086;
	s6 =	sadd.s32 @!p0 s3, s7;
	s7 =	simm.s32 @!p0 $0x108  }
0x21: {  	s3 =	sadd.s32 s3, s9;
	s6 =	sadd.s32 @!p0 $0x88, s6;
	s7 =	simm.s32 @p2 $0x1082  }
0x22: {  	[simem:s7], [sflag:s8] =	dma.local @!p0 [hbm:s6], $0xF7A  }
0x23: {  	s9 =	sor.u32 $0xD0000000, s2;
	s6 =	simm.s32 $0x108;
	_ =	swait.ge @!p0 [sflag:s8], $0x0  }
0x24: {  	s3 =	sadd.s32 $0x88, s3;
	s6 =	simm.s32 @!p1 $0x1082;
	[sflag:s4] =	ssyncset.s32 $0xFFFFF086  }
0x25: {  	[simem:s6], [sflag:s4] =	dma.local [hbm:s3], $0xF7A  }
0x26: {  	[smem:$0x3F99] =	sst s1;
	(tag) =	ssettag s2;
	_ =	strace s9  }
0x27: {  	s1 =	sld [smem:$0x3FA9]  }
0x28: {  	s2 =	sld [smem:$0x3FAA]  }
0x29: {  	s4 =	sld [smem:$0x3FAC]  }
0x2a: {  	p0 =	seq.s32 s5, $0x0;
	s5 =	sld [smem:$0x3FAD]  }
0x2b: {  	s6 =	sld [smem:$0x3FAE]  }
0x2c: {  	s7 =	sld [smem:$0x3FAF]  }
0x2d: {  	s3 =	simm.s32 $0x108;
	s8 =	sld [smem:$0x3FB0]  }
0x2e: {  	s3 =	simm.s32 @!p0 $0x1082;
	s9 =	sld [smem:$0x3FB1]  }
0x2f: {  	lr =	sadd.s32 s0, s3;
	s0 =	sld [smem:$0x3FA8]  }
0x30: {  	s3 =	sld [smem:$0x3FAB]  }
0x31: {  	[smem:$0x3FB4] =	sst s10  }
0x32: {  	s10 =	sld [smem:$0x3FB2];
	_ =	sdelay $0x3  }
0x33: {  	p0 =	seq.s32 s10, $0x1;
	s10 =	sld [smem:$0x3FB4];
	_ =	sdelay $0x3  }
0x34: {  	[smem:$0x3FB4] =	sst s10  }
0x35: {  	s10 =	sld [smem:$0x3FB3];
	_ =	sdelay $0x3  }
0x36: {  	p1 =	seq.s32 s10, $0x1;
	s10 =	sld [smem:$0x3FB4];
	_ =	sdelay $0x3  }
0x37: {  	[smem:$0x3FB4] =	sst s10  }
0x38: {  	s10 =	sld [smem:$0x3FB5]  }
0x39: {  	_ = 	snop;
	(pc) =	sbr.ind lr, $3  }
0x3a: {  	_ = 	snop  }
0x3b: {  	_ = 	snop  }
0x3c: {  	p2 =	seq.s32 s10, $0x1;
	s10 =	sld [smem:$0x3FB4]  }
0x3d: {  	_ =	shalt  }
0x3e: {  	_ =	shalt  }
0x3f: {  	_ =	shalt  }
0x40: {  	_ =	shalt  }
0x41: {  	_ =	shalt  }
0x42: {  	_ =	shalt  }
0x43: {  	_ =	shalt  }
0x44: {  	_ =	shalt  }
0x45: {  	_ =	shalt  }
0x46: {  	_ =	shalt  }
0x47: {  	_ =	shalt  }
0x48: {  	_ =	shalt  }
0x49: {  	_ =	shalt  }
0x4a: {  	_ =	shalt  }
0x4b: {  	_ =	shalt  }
0x4c: {  	_ =	shalt  }
0x4d: {  	_ =	shalt  }
0x4e: {  	_ =	shalt  }
0x4f: {  	_ =	shalt  }
0x50: {  	_ =	shalt  }
0x51: {  	_ =	shalt  }
0x52: {  	_ =	shalt  }
0x53: {  	_ =	shalt  }
0x54: {  	_ =	shalt  }
0x55: {  	_ =	shalt  }
0x56: {  	_ =	shalt  }
0x57: {  	_ =	shalt  }
0x58: {  	_ =	shalt  }
0x59: {  	_ =	shalt  }
0x5a: {  	_ =	shalt  }
0x5b: {  	_ =	shalt  }
0x5c: {  	_ =	shalt  }
0x5d: {  	_ =	shalt  }
0x5e: {  	_ =	shalt  }
0x5f: {  	_ =	shalt  }
0x60: {  	_ =	shalt  }
0x61: {  	_ =	shalt  }
0x62: {  	_ =	shalt  }
0x63: {  	_ =	shalt  }
0x64: {  	_ =	shalt  }
0x65: {  	_ =	shalt  }
0x66: {  	_ =	shalt  }
0x67: {  	_ =	shalt  }
0x68: {  	_ =	shalt  }
0x69: {  	_ =	shalt  }
0x6a: {  	_ =	shalt  }
0x6b: {  	_ =	shalt  }
0x6c: {  	_ =	shalt  }
0x6d: {  	_ =	shalt  }
0x6e: {  	_ =	shalt  }
0x6f: {  	_ =	shalt  }
0x70: {  	_ =	shalt  }
0x71: {  	_ =	shalt  }
0x72: {  	_ =	shalt  }
0x73: {  	_ =	shalt  }
0x74: {  	_ =	shalt  }
0x75: {  	_ =	shalt  }
0x76: {  	_ =	shalt  }
0x77: {  	_ =	shalt  }
0x78: {  	_ =	shalt  }
0x79: {  	_ =	shalt  }
0x7a: {  	_ =	shalt  }
0x7b: {  	_ =	shalt  }
0x7c: {  	_ =	shalt  }
0x7d: {  	_ =	shalt  }
0x7e: {  	_ =	shalt  }
0x7f: {  	_ =	shalt  }
0x80: {  	_ =	shalt  }
0x81: {  	_ =	shalt  }
0x82: {  	_ =	shalt  }
0x83: {  	_ =	shalt  }
0x84: {  	_ =	shalt  }
0x85: {  	_ =	shalt  }
0x86: {  	_ =	shalt  }
0x87: {  	_ =	shalt  }
.Lfunc_end0:
.L_simem_size_0:
called_computation.2_lowered:
.L_overlay_start_0:
0x88: {  	s2 =	sld [smem:$0x3FD9]  }
0x89: {  	s3 =	sld [smem:$0x3FFE];
	_ =	sdelay $0x1  }
0x8a: {  	s1 =	srdreg.scid  }
0x8b: {  	s0 =	sand.u32 $0x1, s1  }
0x8c: {  	s17 =	sshll.u32 s0, $0xA;
	s2 =	sadd.s32 s3, s2  }
0x8d: {  	s2 =	sadd.s32 s2, s17  }
0x8e: {  	[smem:$0x3FC0] =	sst s2  }
0x8f: {  	_ = 	snop  }
0x90: {  	s2 =	sld [smem:$0x3FD0];
	(tm) =	ssettm $0x1  }
0x91: {  	s18 =	sld [smem:$0x3FFB];
	_ =	sdelay $0x3  }
0x92: {  	_ =	strace s18  }
0x93: {  	s3 =	sld [smem:$0x3FFC];
	_ =	sdelay $0x3  }
0x94: {  	_ =	strace s3  }
0x95: {  	s3 =	sld [smem:$0x3FFD];
	_ =	sdelay $0x3  }
0x96: {  	_ =	strace s3  }
0x97: {  	_ =	strace $0x8FFFFFFF  }
0x98: {  	s19 =	sld [smem:$0x3FDB];
	_ =	sdelay $0x1  }
0x99: {  	s4 =	simm.s32 $_scs_section_size  }
0x9a: {  	s5 =	simm.s32 $_size__tile_overlayer_lowered;
	s6 =	simm.s32 $_tile_overlayer_lowered  }
0x9b: {  	s22 =	simm.s32 $0x1BFF;
	s21 =	sshll.u32 s6, $0x1;
	s3 =	sadd.s32 s4, s19  }
0x9c: {  	s7 =	simm.s32 $0x0;
	s20 =	sshll.u32 s5, $0x1;
	s5 =	sadd.s32 s21, s3  }
0x9d: {  	[timem:s7], [sflag:s22] =	dma.local [hbm:s5], s20  }
0x9e: {  	_ =	swait.ge [sflag:s22], s20  }
0x9f: {  	s4 =	ssub.s32 $0x0, s20;
	[sflag:s22] =	ssyncset.done $0x0  }
0xa0: {  	[sflag:s22] =	ssyncadd.s32 s4;
	_ =	sdelay $0x1  }
0xa1: {  	s23 =	simm.s32 $0x1B8B  }
0xa2: {  	_ =	swait.ge [sflag:s23], $0x1  }
0xa3: {  	[sflag:s23] =	ssyncset.done $0x0  }
0xa4: {  	s25 =	simm.s32 $0x1B8E;
	s24 =	sld [smem:$0x3FFE];
	[sflag:s23] =	ssyncadd.s32 $0xFFFFFFFF  }
0xa5: {  	s26 =	simm.s32 $execute0_lowered;
	[smem:$0x3FD2] =	sst s25  }
0xa6: {  	s5 =	sshll.u32 s26, $0x1;
	_ =	strace $0x8000004C;
	[dreg:$0x1] =	wrdreg $0xFFFFFFFF  }
0xa7: {  	s28 =	simm.s32 $_size_execute0_lowered;
	s3 =	sadd.s32 s3, s5;
	[dreg:$0x0] =	wrdreg $0x0  }
0xa8: {  	s5 =	sshll.u32 s28, $0x1;
	[dreg:$0x2] =	wrdreg s3  }
0xa9: {  	[dreg:$0x3] =	wrdreg s5  }
0xaa: {  	[dreg:$0x4] =	wrdreg $0xC0  }
0xab: {  	_ =	task [dreg:s7], $0x5FFFF  }
0xac: {  	[dreg:$0x1] =	wrdreg $0xFFFFFFFF  }
0xad: {  	[dreg:$0x0] =	wrdreg $0x60  }
0xae: {  	[dreg:$0x2] =	wrdreg s2  }
0xaf: {  	[dreg:$0x3] =	wrdreg s24  }
0xb0: {  	[dreg:$0x4] =	wrdreg $0x41000  }
0xb1: {  	[dreg:$0x5] =	wrdreg $0x9  }
0xb2: {  	_ =	task.clear_ibuf [dreg:s7], $0x6FFFF;
	_ =	strace $0x9000004C  }
0xb3: {  	s29 =	simm.s32 $0x9;
	_ =	strace $0x8000004E  }
0xb4: {  	_ =	swait.ge [sflag:s29], $0x1  }
0xb5: {  	[sflag:s29] =	ssyncadd.s32 $0xFFFFFFFF  }
0xb6: {  	_ =	strace $0x9000004E  }
0xb7: {  	_ =	sfence  }
0xb8: {  	s30 =	sld [smem:$0x0];
	_ =	sdelay $0x2  }
0xb9: {  	s31 =	sshll.u32 s1, $0xD;
	s1 =	sshrl.u32 s1, $0x2  }
0xba: {  	s3 =	sand.u32 $0x4000, s31;
	s1 =	sadd.s32 s1, s30  }
0xbb: {  	s0 =	sor.u32 s3, s0;
	s1 =	sshll.u32 s1, $0x11  }
0xbc: {  	s0 =	sor.u32 s1, s0  }
0xbd: {  	s0 =	sadd.s32 $0x8F2B, s0  }
0xbe: {  	[sflag:s0] =	ssyncadd.remote.s32 $0x1  }
0xbf: {  	_ =	sfence.sel $0xFFFF  }
0xc0: {  	[dreg:$0x0] =	wrdreg $0xFFFFFFFF;
	(pc) =	sbr.abs _section_cstart, $3  }
0xc1: {  	[dreg:$0x1] =	wrdreg $0xFFFFFFFF  }
0xc2: {  	_ =	task.clear_ibuf [dreg:s7], $0x2FFFF;
	_ =	strace $0x9FFFFFFF  }
0xc3: {  	(tm) =	ssettm $0x7FFFFFFF  }
tec
execute0_lowered:
.L_overlay_start_1:
0x0: {  	(tag) =	ssettag $0x1  }
0x1: {  	s1 =	rddreg [dreg:$0x0]  }
0x2: {  	s5 =	rddreg [dreg:$0x1]  }
0x3: {  	s2 =	rddreg [dreg:$0x2]  }
0x4: {  	s0 =	rddreg [dreg:$0x3];
	s3 =	simm.s32 $0x0  }
0x5: {  	s4 =	srdreg.scid;
	[smem:$0x7FF] =	sst s3  }
0x6: {  	s6 =	sand.u32 $0x1, s4;
	s14 =	sadd.s32 $0x16800, s5;
	_ =	strace $0x8000004D  }
0x7: {  	s4 =	sshll.u32 s6, $0x8;
	s7 =	ssub.s32 $0x2, s6;
	s18 =	sshll.u32 s6, $0x4  }
0x8: {  	s16 =	sadd.s32 s4, s5;
	s4 =	stileid.u32;
	s23 =	sshrl.u32 s7, $0x1  }
0x9: {  	s13 =	smul.u32 $0x13C000, s6;
	s9 =	sshll.u32 s4, $0xE;
	s15 =	ssub.s32 s7, s23  }
0xa: {  	s30 =	sshll.u32 s4, $0x4;
	s18 =	sor.u32 s18, s4;
	p0 =	seq.s32 s4, $0xF  }
0xb: {  	s5 =	sadd.s32 s9, s2;
	s10 =	sor.u32 $0x40000, s9;
	s11 =	sor.u32 $0x80000, s9  }
0xc: {  	s12 =	sor.u32 $0xC0000, s9;
	s17 =	sor.u32 $0x100000, s9;
	s19 =	sadd.s32 s9, s13  }
0xd: {  	s15 =	smax.u32 s15, $0x1;
	s31 =	sadd.s32 s30, s16;
	s6 =	sadd.s32 s10, s2  }
0xe: {  	s7 =	sadd.s32 s11, s2;
	s8 =	sadd.s32 s12, s2;
	s9 =	sadd.s32 s17, s2  }
0xf: {  	s19 =	sshrl.u32 s19, $0x3;
	s20 =	sadd.s32 s13, s10;
	s25 =	sadd.s32 s13, s11  }
0x10: {  	s28 =	sadd.s32 s13, s12;
	s17 =	sadd.s32 s13, s17;
	s16 =	sadd.s32 $0xCA00, s31  }
0x11: {  	s10 =	sadd.s32 s14, s19;
	s24 =	sshrl.u32 s20, $0x3;
	s26 =	sshrl.u32 s25, $0x3  }
0x12: {  	s29 =	sshrl.u32 s28, $0x3;
	s17 =	sshrl.u32 s17, $0x3;
	s19 =	simm.s32 $0x100  }
0x13: {  	s20 =	simm.s32 $0x2;
	s11 =	sadd.s32 s14, s24;
	s12 =	sadd.s32 s14, s26  }
0x14: {  	v0 =	vimm.f32 $0.0e+00;
	s13 =	sadd.s32 s14, s29;
	s14 =	sadd.s32 s14, s17;
	s17 =	sadd.s32 $0x2C00, s31  }
.LBB2_1:
0x15: {  	s21 =	simm.s32 $0x0;
	s22 =	simm.s32 $0x200  }
.LBB2_2:
0x16: {  	p1 =	sne.s32 s22, $0xFE00;
	[tilespmem:s21+$0x170] =	vst v0  }
0x17: {  	[tilespmem:s21+$0x100] =	vst v0  }
0x18: {  	[tilespmem:s21+$0x110] =	vst v0  }
.Ltmp0:
0x19: {  	[tilespmem:s21+$0x120] =	vst v0;
	(pc) =	sbr.rel @p1 .LBB2_2-.Ltmp0, $4  }
0x1a: {  	[tilespmem:s21+$0x130] =	vst v0  }
0x1b: {  	[tilespmem:s21+$0x140] =	vst v0  }
0x1c: {  	[tilespmem:s21+$0x150] =	vst v0  }
0x1d: {  	[tilespmem:s21+$0x160] =	vst v0;
	s21 =	sshra.s32 s22, $0x2;
	s22 =	sadd.s32 $0x200, s22  }
0x1e: {  	[tilespmem:s21+$0x170] =	vst v0  }
0x1f: {  	[tilespmem:s21+$0x100] =	vst v0  }
0x20: {  	[tilespmem:s21+$0x110] =	vst v0  }
0x21: {  	[tilespmem:s21+$0x120] =	vst v0  }
0x22: {  	[tilespmem:s21+$0x130] =	vst v0  }
0x23: {  	[tilespmem:s21+$0x140] =	vst v0  }
0x24: {  	[tilespmem:s21+$0x150] =	vst v0  }
0x25: {  	[tilespmem:s21+$0x160] =	vst v0  }
0x26: {  	[spmem:s5] =	stream.linear.scatter [tilespmem:s19], [sflag:$0x2], $0x4000, $0x38;
	[tilespmem:$0x17D00] =	vst v63  }
0x27: {  	_ =	swait.ge [sflag:s20], $0x4000  }
0x28: {  	[sflag:s20] =	ssyncset.done $0x0  }
0x29: {  	[sflag:s20] =	ssyncadd.s32 $0xFFFFC000  }
0x2a: {  	[spmem:s6] =	stream.linear.scatter [tilespmem:s19], [sflag:$0x2], $0x4000, $0x38;
	[tilespmem:$0x17D00] =	vst v63  }
0x2b: {  	_ =	swait.ge [sflag:s20], $0x4000  }
0x2c: {  	[sflag:s20] =	ssyncset.done $0x0  }
0x2d: {  	[sflag:s20] =	ssyncadd.s32 $0xFFFFC000  }
0x2e: {  	[spmem:s7] =	stream.linear.scatter [tilespmem:s19], [sflag:$0x2], $0x4000, $0x38;
	[tilespmem:$0x17D00] =	vst v63  }
0x2f: {  	_ =	swait.ge [sflag:s20], $0x4000  }
0x30: {  	[sflag:s20] =	ssyncset.done $0x0  }
0x31: {  	[sflag:s20] =	ssyncadd.s32 $0xFFFFC000  }
0x32: {  	[spmem:s8] =	stream.linear.scatter [tilespmem:s19], [sflag:$0x2], $0x4000, $0x38;
	[tilespmem:$0x17D00] =	vst v63  }
0x33: {  	_ =	swait.ge [sflag:s20], $0x4000  }
0x34: {  	[sflag:s20] =	ssyncset.done $0x0  }
0x35: {  	s21 =	simm.s32 @!p0 $0x100;
	[sflag:s20] =	ssyncadd.s32 $0xFFFFC000  }
0x36: {  	[spmem:s9] =	stream.linear.scatter @!p0 [tilespmem:s21], [sflag:$0x2], $0x4000, $0x38;
	[tilespmem:$0x17D00] =	vst v63  }
0x37: {  	s21 =	simm.s32 @!p0 $0x2  }
0x38: {  	_ =	swait.ge @!p0 [sflag:s21], $0x4000  }
0x39: {  	p1 =	sgt.u32 s18, $0x9C3;
	[sflag:s21] =	ssyncset.done @!p0 $0x0  }
0x3a: {  	s22 =	simm.s32 @!p1 $0x0;
	[sflag:s21] =	ssyncadd.s32 @!p0 $0xFFFFC000  }
0x3b: {  	s23 =	simm.s32 @!p1 $0x3;
	s21 =	sadd.s32 @!p1 $0x0, s17;
	[bflag:$0x0] =	sbarrier.arrive $0xFFFF  }
0x3c: {  	[tilespmem:s22], [sflag:$0x3] =	stream.linear.gather @!p1 [hbm4b:s21+s22], $0x80, $0x38;
	[tilespmem:$0x17D00] =	vst v63  }
0x3d: {  	_ =	swait.ge @!p1 [sflag:s23], $0x80;
	p1 =	por p1, p1  }
0x3e: {  	[sflag:s23] =	ssyncset.done @!p1 $0x0;
	s21 =	simm.s32 @!p1 $0x1  }
0x3f: {  	s24 =	simm.s32 @!p1 $0x80;
	s25 =	simm.s32 @!p1 $0x100;
	[sflag:s23] =	ssyncadd.s32 @!p1 $0xFFFFFF80  }
0x40: {  	[tilespmem:s25], [sflag:$0x1] =	stream.indirect.gather @!p1 [hbm4b:s1+s24], $0x80, s22, s24, $0xb8;
	[tilespmem:$0x17D00] =	vst v63  }
0x41: {  	_ =	swait.ge @!p1 [sflag:s21], $0x4000  }
0x42: {  	[sflag:s21] =	ssyncset.done @!p1 $0x0  }
0x43: {  	[sflag:s21] =	ssyncadd.s32 @!p1 $0xFFFFC000;
	s21 =	sadd.s32 @!p1 $0x0, s16  }
0x44: {  	[tilespmem:s24], [sflag:$0x3] =	stream.linear.gather @!p1 [hbm4b:s21+s22], $0x80, $0x38;
	[tilespmem:$0x17D00] =	vst v63  }
0x45: {  	_ =	swait.ge @!p1 [sflag:s23], $0x80  }
0x46: {  	[sflag:s23] =	ssyncset.done @!p1 $0x0  }
0x47: {  	[sflag:s23] =	ssyncadd.s32 @!p1 $0xFFFFFF80  }
0x48: {  	[spmem:s2] =	stream.indirect.scatter.add.f32 @!p1 [tilespmem:s25], [sflag:$0x2], $0x80, s24, s24, $0xb8;
	[tilespmem:$0x17D00] =	vst v63  }
0x49: {  	s21 =	simm.s32 $0x200;
	s22 =	sadd.s32 $0x20, s18;
	s24 =	simm.s32 @!p1 $0x2  }
0x4a: {  	p3 =	sgt.u32 s22, $0x9C3;
	s23 =	simm.s32 $0x400;
	_ =	swait.ge @!p1 [sflag:s24], $0x4000  }
.LBB2_4:
0x4b: {  	s25 =	sadd.s32 @!p3 s21, s17  }
0x4c: {  	s26 =	simm.s32 @!p3 $0x0;
	[sflag:s24] =	ssyncset.done @!p1 $0x0;
	s28 =	smov.u32 s23  }
0x4d: {  	s23 =	sadd.s32 $0x200, s23;
	s29 =	simm.s32 @!p3 $0x3;
	[sflag:s24] =	ssyncadd.s32 @!p1 $0xFFFFC000  }
0x4e: {  	[tilespmem:s26], [sflag:$0x3] =	stream.linear.gather @!p3 [hbm4b:s25+s26], $0x80, $0x38;
	[tilespmem:$0x17D00] =	vst v63  }
0x4f: {  	p2 =	sne.s32 s23, $0x9E00;
	p1 =	por p3, p3;
	_ =	swait.ge @!p3 [sflag:s29], $0x80  }
0x50: {  	s24 =	simm.s32 @!p1 $0x1;
	[sflag:s29] =	ssyncset.done @!p1 $0x0  }
0x51: {  	s25 =	simm.s32 @!p1 $0x80;
	s30 =	simm.s32 @!p1 $0x100;
	[sflag:s29] =	ssyncadd.s32 @!p1 $0xFFFFFF80  }
0x52: {  	[tilespmem:s30], [sflag:$0x1] =	stream.indirect.gather @!p1 [hbm4b:s1+s25], $0x80, s26, s25, $0xb8;
	[tilespmem:$0x17D00] =	vst v63  }
0x53: {  	_ =	swait.ge @!p1 [sflag:s24], $0x4000  }
0x54: {  	[sflag:s24] =	ssyncset.done @!p1 $0x0  }
0x55: {  	[sflag:s24] =	ssyncadd.s32 @!p1 $0xFFFFC000;
	s24 =	sadd.s32 @!p1 s21, s16;
	s21 =	smov.u32 s28  }
0x56: {  	[tilespmem:s25], [sflag:$0x3] =	stream.linear.gather @!p1 [hbm4b:s24+s26], $0x80, $0x38;
	[tilespmem:$0x17D00] =	vst v63  }
.Ltmp1:
0x57: {  	_ =	swait.ge @!p1 [sflag:s29], $0x80;
	(pc) =	sbr.rel @p2 .LBB2_4-.Ltmp1, $4  }
0x58: {  	[sflag:s29] =	ssyncset.done @!p1 $0x0  }
0x59: {  	s22 =	sadd.s32 $0x20, s22;
	s24 =	simm.s32 @!p1 $0x2;
	[sflag:s29] =	ssyncadd.s32 @!p1 $0xFFFFFF80  }
0x5a: {  	[spmem:s2] =	stream.indirect.scatter.add.f32 @!p1 [tilespmem:s30], [sflag:$0x2], $0x80, s25, s25, $0xb8;
	[tilespmem:$0x17D00] =	vst v63  }
0x5b: {  	p3 =	sgt.u32 s22, $0x9C3;
	_ =	swait.ge @!p1 [sflag:s24], $0x4000  }
0x5c: {  	s22 =	sadd.s32 @!p3 s21, s17;
	[sflag:s24] =	ssyncset.done @!p1 $0x0  }
0x5d: {  	s23 =	simm.s32 @!p3 $0x0;
	s25 =	simm.s32 @!p3 $0x3;
	[sflag:s24] =	ssyncadd.s32 @!p1 $0xFFFFC000  }
0x5e: {  	[tilespmem:s23], [sflag:$0x3] =	stream.linear.gather @!p3 [hbm4b:s22+s23], $0x80, $0x38;
	[tilespmem:$0x17D00] =	vst v63  }
0x5f: {  	p1 =	por p3, p3;
	_ =	swait.ge @!p3 [sflag:s25], $0x80  }
0x60: {  	s22 =	simm.s32 @!p1 $0x1;
	[sflag:s25] =	ssyncset.done @!p1 $0x0  }
0x61: {  	s24 =	simm.s32 @!p1 $0x80;
	s26 =	simm.s32 @!p1 $0x100;
	[sflag:s25] =	ssyncadd.s32 @!p1 $0xFFFFFF80  }
0x62: {  	[tilespmem:s26], [sflag:$0x1] =	stream.indirect.gather @!p1 [hbm4b:s1+s24], $0x80, s23, s24, $0xb8;
	[tilespmem:$0x17D00] =	vst v63  }
0x63: {  	_ =	swait.ge @!p1 [sflag:s22], $0x4000  }
0x64: {  	[sflag:s22] =	ssyncset.done @!p1 $0x0  }
0x65: {  	s21 =	sadd.s32 @!p1 s21, s16;
	[sflag:s22] =	ssyncadd.s32 @!p1 $0xFFFFC000  }
0x66: {  	[tilespmem:s24], [sflag:$0x3] =	stream.linear.gather @!p1 [hbm4b:s21+s23], $0x80, $0x38;
	[tilespmem:$0x17D00] =	vst v63  }
0x67: {  	_ =	swait.ge @!p1 [sflag:s25], $0x80  }
0x68: {  	[sflag:s25] =	ssyncset.done @!p1 $0x0  }
0x69: {  	s21 =	simm.s32 @!p1 $0x2;
	[sflag:s25] =	ssyncadd.s32 @!p1 $0xFFFFFF80  }
0x6a: {  	[spmem:s2] =	stream.indirect.scatter.add.f32 @!p1 [tilespmem:s26], [sflag:$0x2], $0x80, s24, s24, $0xb8;
	[tilespmem:$0x17D00] =	vst v63  }
0x6b: {  	_ =	swait.ge @!p1 [sflag:s21], $0x4000  }
0x6c: {  	[sflag:s21] =	ssyncset.done @!p1 $0x0  }
0x6d: {  	s26 =	sshll.u32 s4, $0x6;
	[sflag:s21] =	ssyncadd.s32 @!p1 $0xFFFFC000  }
0x6e: {  	s28 =	sshrl.u32 s5, $0x3;
	s21 =	sor.u32 $0x1C02, s26;
	[bflag:$0x0] =	sbarrier.arrive $0xFFFF  }
0x6f: {  	[hbm:s10], [sflag:s21] =	dma.local [spmem:s28], $0x800  }
0x70: {  	_ =	swait.ge [sflag:s20], $0x800  }
0x71: {  	[sflag:s20] =	ssyncset.done $0x0  }
0x72: {  	s29 =	sshrl.u32 s6, $0x3;
	[sflag:s20] =	ssyncadd.s32 $0xFFFFF800  }
0x73: {  	[hbm:s11], [sflag:s21] =	dma.local [spmem:s29], $0x800  }
0x74: {  	_ =	swait.ge [sflag:s20], $0x800  }
0x75: {  	[sflag:s20] =	ssyncset.done $0x0  }
0x76: {  	s30 =	sshrl.u32 s7, $0x3;
	[sflag:s20] =	ssyncadd.s32 $0xFFFFF800  }
0x77: {  	[hbm:s12], [sflag:s21] =	dma.local [spmem:s30], $0x800  }
0x78: {  	_ =	swait.ge [sflag:s20], $0x800  }
0x79: {  	[sflag:s20] =	ssyncset.done $0x0  }
0x7a: {  	s31 =	sshrl.u32 s8, $0x3;
	[sflag:s20] =	ssyncadd.s32 $0xFFFFF800  }
0x7b: {  	[hbm:s13], [sflag:s21] =	dma.local [spmem:s31], $0x800  }
0x7c: {  	_ =	swait.ge [sflag:s20], $0x800  }
0x7d: {  	s3 =	sadd.s32 $0x1, s3;
	[sflag:s20] =	ssyncset.done $0x0  }
0x7e: {  	s22 =	sshrl.u32 @!p0 s9, $0x3;
	p1 =	sne.s32 s3, s15;
	[sflag:s20] =	ssyncadd.s32 $0xFFFFF800  }
0x7f: {  	[hbm:s14], [sflag:s21] =	dma.local @!p0 [spmem:s22], $0x800  }
.Ltmp2:
0x80: {  	_ = 	snop;
	(pc) =	sbr.rel @p1 .LBB2_1-.Ltmp2, $4  }
0x81: {  	s21 =	simm.s32 @!p0 $0x2  }
0x82: {  	_ =	swait.ge @!p0 [sflag:s21], $0x800  }
0x83: {  	[sflag:s21] =	ssyncset.done @!p0 $0x0  }
0x84: {  	[sflag:s21] =	ssyncadd.s32 @!p0 $0xFFFFF800  }
0x85: {  	_ =	sfence.sel $0x180000  }
0x86: {  	[bflag:$0x0] =	sbarrier.arrive $0xFFFF  }
0x87: {  	p0 =	sne.s32 s4, $0x0;
	_ =	strace $0x9000004D  }
0x88: {  	s0 =	sadd.s32 @!p0 $0x100000, s0;
	[bflag:$0x2] =	sbarrier.arrive $0xFFFF  }
0x89: {  	[sflag:s0] =	ssyncadd.tile.s32 @!p0 $0x1;
	_ =	shalt  }
.Lfunc_end2:
_tile_overlayer_lowered:
.L_overlay_start_2:
0x8a: {  	(tag) =	ssettag $0x2  }
0x8b: {  	s0 =	rddreg [dreg:$0x0];
	s2 =	stileid.u32  }
0x8c: {  	s1 =	rddreg [dreg:$0x1];
	p0 =	sne.s32 s2, $0x0  }
0x8d: {  	s3 =	rddreg [dreg:$0x2];
	[bflag:$0x3] =	sbarrier.arrive $0xFFFF;
	s2 =	simm.s32 @!p0 $0x1C02  }
0x8e: {  	[timem:s3], [sflag:s2] =	dma.local @!p0 [hbm:s0], s1  }
0x8f: {  	s0 =	simm.s32 @!p0 $0x2  }
0x90: {  	_ =	swait.ge @!p0 [sflag:s0], s1  }
0x91: {  	s1 =	ssub.s32 @!p0 $0x0, s1;
	[sflag:s0] =	ssyncset.done @!p0 $0x0  }
0x92: {  	[sflag:s0] =	ssyncadd.s32 @!p0 s1  }
0x93: {  	[bflag:$0x3] =	sbarrier.arrive $0xFFFF  }
0x94: {  	_ =	shalt  }

// kernel: kernel.19.cloned.1.call-start
scs
__scs_entry_jumppad:
0x0: {  	(pc) =	sbr.rel $0x88, $3  }
0x1: {  	(tag) =	ssettag $0x0;
	lr =	simm.s32 $0x1  }
0x2: {  	[smem:$0x3F99] =	sst lr;
	_ =	strace $0xD0000000  }
0x3: {  	_ = 	snop  }
0x4: {  	_ = 	snop  }
0x5: {  	_ = 	snop  }
0x6: {  	_ = 	snop  }
0x7: {  	_ = 	snop  }
__scs_overlays_trampoline_lowered:
0x8: {  	[smem:$0x3FA8] =	sst s0  }
0x9: {  	[smem:$0x3FA9] =	sst s1  }
0xa: {  	[smem:$0x3FAA] =	sst s2  }
0xb: {  	[smem:$0x3FAB] =	sst s3  }
0xc: {  	[smem:$0x3FAC] =	sst s4  }
0xd: {  	[smem:$0x3FAD] =	sst s5  }
0xe: {  	[smem:$0x3FAE] =	sst s6  }
0xf: {  	[smem:$0x3FAF] =	sst s7  }
0x10: {  	[smem:$0x3FB0] =	sst s8  }
0x11: {  	[smem:$0x3FB1] =	sst s9;
	s0 =	simm.s32 @!p0 $0x0  }
0x12: {  	s1 =	sld [smem:$0x3F97];
	s0 =	simm.s32 @p0 $0x1  }
0x13: {  	[smem:$0x3FB2] =	sst s0;
	s0 =	simm.s32 @!p1 $0x0  }
0x14: {  	s2 =	sld [smem:$0x3F96];
	s0 =	simm.s32 @p1 $0x1  }
0x15: {  	[smem:$0x3FB3] =	sst s0;
	s0 =	simm.s32 @!p2 $0x0  }
0x16: {  	s3 =	sld [smem:$0x3FDB];
	s0 =	simm.s32 @p2 $0x1  }
0x17: {  	s4 =	simm.s32 $0x1BF5;
	[smem:$0x3FB5] =	sst s0  }
0x18: {  	s0 =	sld [smem:$0x3F98];
	_ =	swait.ge [sflag:s4], $0x0  }
0x19: {  	s7 =	sld [smem:$0x3F99]  }
0x1a: {  	s8 =	sadd.s32 $0xFFFFE003, lr  }
0x1b: {  	s9 =	sadd.s32 $0xFFFFFEF7, lr;
	s5 =	simm.s32 $0xFFFFFFFF;
	p2 =	slt.u32 s8, $0xFFFFF086  }
0x1c: {  	p1 =	slt.u32 s9, $0xF7A;
	s5 =	simm.s32 @!p2 $0x0  }
0x1d: {  	s5 =	simm.s32 @p1 $0x1;
	p0 =	seq.s32 s7, s2  }
0x1e: {  	s7 =	smul.u32 @!p0 $0xF7A, s2;
	p2 =	seq.s32 @!p0 s5, $0x0  }
0x1f: {  	s9 =	smul.u32 $0xF7A, s1;
	s8 =	simm.s32 @!p0 $0x1BF5;
	p2 =	por !p2, p0  }
0x20: {  	[sflag:s8] =	ssyncset.s32 @!p0 $0xFFFFF086;
	s6 =	sadd.s32 @!p0 s3, s7;
	s7 =	simm.s32 @!p0 $0x108  }
0x21: {  	s3 =	sadd.s32 s3, s9;
	s6 =	sadd.s32 @!p0 $0x88, s6;
	s7 =	simm.s32 @p2 $0x1082  }
0x22: {  	[simem:s7], [sflag:s8] =	dma.local @!p0 [hbm:s6], $0xF7A  }
0x23: {  	s9 =	sor.u32 $0xD0000000, s2;
	s6 =	simm.s32 $0x108;
	_ =	swait.ge @!p0 [sflag:s8], $0x0  }
0x24: {  	s3 =	sadd.s32 $0x88, s3;
	s6 =	simm.s32 @!p1 $0x1082;
	[sflag:s4] =	ssyncset.s32 $0xFFFFF086  }
0x25: {  	[simem:s6], [sflag:s4] =	dma.local [hbm:s3], $0xF7A  }
0x26: {  	[smem:$0x3F99] =	sst s1;
	(tag) =	ssettag s2;
	_ =	strace s9  }
0x27: {  	s1 =	sld [smem:$0x3FA9]  }
0x28: {  	s2 =	sld [smem:$0x3FAA]  }
0x29: {  	s4 =	sld [smem:$0x3FAC]  }
0x2a: {  	p0 =	seq.s32 s5, $0x0;
	s5 =	sld [smem:$0x3FAD]  }
0x2b: {  	s6 =	sld [smem:$0x3FAE]  }
0x2c: {  	s7 =	sld [smem:$0x3FAF]  }
0x2d: {  	s3 =	simm.s32 $0x108;
	s8 =	sld [smem:$0x3FB0]  }
0x2e: {  	s3 =	simm.s32 @!p0 $0x1082;
	s9 =	sld [smem:$0x3FB1]  }
0x2f: {  	lr =	sadd.s32 s0, s3;
	s0 =	sld [smem:$0x3FA8]  }
0x30: {  	s3 =	sld [smem:$0x3FAB]  }
0x31: {  	[smem:$0x3FB4] =	sst s10  }
0x32: {  	s10 =	sld [smem:$0x3FB2];
	_ =	sdelay $0x3  }
0x33: {  	p0 =	seq.s32 s10, $0x1;
	s10 =	sld [smem:$0x3FB4];
	_ =	sdelay $0x3  }
0x34: {  	[smem:$0x3FB4] =	sst s10  }
0x35: {  	s10 =	sld [smem:$0x3FB3];
	_ =	sdelay $0x3  }
0x36: {  	p1 =	seq.s32 s10, $0x1;
	s10 =	sld [smem:$0x3FB4];
	_ =	sdelay $0x3  }
0x37: {  	[smem:$0x3FB4] =	sst s10  }
0x38: {  	s10 =	sld [smem:$0x3FB5]  }
0x39: {  	_ = 	snop;
	(pc) =	sbr.ind lr, $3  }
0x3a: {  	_ = 	snop  }
0x3b: {  	_ = 	snop  }
0x3c: {  	p2 =	seq.s32 s10, $0x1;
	s10 =	sld [smem:$0x3FB4]  }
0x3d: {  	_ =	shalt  }
0x3e: {  	_ =	shalt  }
0x3f: {  	_ =	shalt  }
0x40: {  	_ =	shalt  }
0x41: {  	_ =	shalt  }
0x42: {  	_ =	shalt  }
0x43: {  	_ =	shalt  }
0x44: {  	_ =	shalt  }
0x45: {  	_ =	shalt  }
0x46: {  	_ =	shalt  }
0x47: {  	_ =	shalt  }
0x48: {  	_ =	shalt  }
0x49: {  	_ =	shalt  }
0x4a: {  	_ =	shalt  }
0x4b: {  	_ =	shalt  }
0x4c: {  	_ =	shalt  }
0x4d: {  	_ =	shalt  }
0x4e: {  	_ =	shalt  }
0x4f: {  	_ =	shalt  }
0x50: {  	_ =	shalt  }
0x51: {  	_ =	shalt  }
0x52: {  	_ =	shalt  }
0x53: {  	_ =	shalt  }
0x54: {  	_ =	shalt  }
0x55: {  	_ =	shalt  }
0x56: {  	_ =	shalt  }
0x57: {  	_ =	shalt  }
0x58: {  	_ =	shalt  }
0x59: {  	_ =	shalt  }
0x5a: {  	_ =	shalt  }
0x5b: {  	_ =	shalt  }
0x5c: {  	_ =	shalt  }
0x5d: {  	_ =	shalt  }
0x5e: {  	_ =	shalt  }
0x5f: {  	_ =	shalt  }
0x60: {  	_ =	shalt  }
0x61: {  	_ =	shalt  }
0x62: {  	_ =	shalt  }
0x63: {  	_ =	shalt  }
0x64: {  	_ =	shalt  }
0x65: {  	_ =	shalt  }
0x66: {  	_ =	shalt  }
0x67: {  	_ =	shalt  }
0x68: {  	_ =	shalt  }
0x69: {  	_ =	shalt  }
0x6a: {  	_ =	shalt  }
0x6b: {  	_ =	shalt  }
0x6c: {  	_ =	shalt  }
0x6d: {  	_ =	shalt  }
0x6e: {  	_ =	shalt  }
0x6f: {  	_ =	shalt  }
0x70: {  	_ =	shalt  }
0x71: {  	_ =	shalt  }
0x72: {  	_ =	shalt  }
0x73: {  	_ =	shalt  }
0x74: {  	_ =	shalt  }
0x75: {  	_ =	shalt  }
0x76: {  	_ =	shalt  }
0x77: {  	_ =	shalt  }
0x78: {  	_ =	shalt  }
0x79: {  	_ =	shalt  }
0x7a: {  	_ =	shalt  }
0x7b: {  	_ =	shalt  }
0x7c: {  	_ =	shalt  }
0x7d: {  	_ =	shalt  }
0x7e: {  	_ =	shalt  }
0x7f: {  	_ =	shalt  }
0x80: {  	_ =	shalt  }
0x81: {  	_ =	shalt  }
0x82: {  	_ =	shalt  }
0x83: {  	_ =	shalt  }
0x84: {  	_ =	shalt  }
0x85: {  	_ =	shalt  }
0x86: {  	_ =	shalt  }
0x87: {  	_ =	shalt  }
.Lfunc_end0:
.L_simem_size_0:
called_computation.3_lowered:
.L_overlay_start_0:
0x88: {  	s2 =	sld [smem:$0x3FD9]  }
0x89: {  	s3 =	sld [smem:$0x3FFE];
	_ =	sdelay $0x1  }
0x8a: {  	s1 =	srdreg.scid  }
0x8b: {  	s0 =	sand.u32 $0x1, s1  }
0x8c: {  	s17 =	sshll.u32 s0, $0xA;
	s2 =	sadd.s32 s3, s2  }
0x8d: {  	s2 =	sadd.s32 s2, s17  }
0x8e: {  	[smem:$0x3FC0] =	sst s2  }
0x8f: {  	_ = 	snop  }
0x90: {  	s2 =	sld [smem:$0x3FD0];
	(tm) =	ssettm $0x1  }
0x91: {  	s18 =	sld [smem:$0x3FFB];
	_ =	sdelay $0x3  }
0x92: {  	_ =	strace s18  }
0x93: {  	s3 =	sld [smem:$0x3FFC];
	_ =	sdelay $0x3  }
0x94: {  	_ =	strace s3  }
0x95: {  	s3 =	sld [smem:$0x3FFD];
	_ =	sdelay $0x3  }
0x96: {  	_ =	strace s3  }
0x97: {  	_ =	strace $0x8FFFFFFF  }
0x98: {  	s19 =	sld [smem:$0x3FDB];
	_ =	sdelay $0x1  }
0x99: {  	s4 =	simm.s32 $_scs_section_size  }
0x9a: {  	s5 =	simm.s32 $_size__tile_overlayer_lowered;
	s6 =	simm.s32 $_tile_overlayer_lowered  }
0x9b: {  	s22 =	simm.s32 $0x1BFF;
	s21 =	sshll.u32 s6, $0x1;
	s3 =	sadd.s32 s4, s19  }
0x9c: {  	s7 =	simm.s32 $0x0;
	s20 =	sshll.u32 s5, $0x1;
	s5 =	sadd.s32 s21, s3  }
0x9d: {  	[timem:s7], [sflag:s22] =	dma.local [hbm:s5], s20  }
0x9e: {  	_ =	swait.ge [sflag:s22], s20  }
0x9f: {  	s4 =	ssub.s32 $0x0, s20;
	[sflag:s22] =	ssyncset.done $0x0  }
0xa0: {  	[sflag:s22] =	ssyncadd.s32 s4;
	_ =	sdelay $0x1  }
0xa1: {  	s23 =	simm.s32 $0x1B8B  }
0xa2: {  	_ =	swait.ge [sflag:s23], $0x1  }
0xa3: {  	[sflag:s23] =	ssyncset.done $0x0  }
0xa4: {  	s25 =	simm.s32 $0x1B8E;
	s24 =	sld [smem:$0x3FFE];
	[sflag:s23] =	ssyncadd.s32 $0xFFFFFFFF  }
0xa5: {  	s26 =	simm.s32 $execute0_lowered;
	[smem:$0x3FD2] =	sst s25  }
0xa6: {  	s5 =	sshll.u32 s26, $0x1;
	_ =	strace $0x8000004F;
	[dreg:$0x1] =	wrdreg $0xFFFFFFFF  }
0xa7: {  	s28 =	simm.s32 $_size_execute0_lowered;
	s3 =	sadd.s32 s3, s5;
	[dreg:$0x0] =	wrdreg $0x0  }
0xa8: {  	s5 =	sshll.u32 s28, $0x1;
	[dreg:$0x2] =	wrdreg s3  }
0xa9: {  	[dreg:$0x3] =	wrdreg s5  }
0xaa: {  	[dreg:$0x4] =	wrdreg $0xC0  }
0xab: {  	_ =	task [dreg:s7], $0x5FFFF  }
0xac: {  	[dreg:$0x1] =	wrdreg $0xFFFFFFFF  }
0xad: {  	[dreg:$0x0] =	wrdreg $0x60  }
0xae: {  	[dreg:$0x2] =	wrdreg s2  }
0xaf: {  	[dreg:$0x3] =	wrdreg s24  }
0xb0: {  	[dreg:$0x4] =	wrdreg $0x41000  }
0xb1: {  	[dreg:$0x5] =	wrdreg $0x9  }
0xb2: {  	_ =	task.clear_ibuf [dreg:s7], $0x6FFFF;
	_ =	strace $0x9000004F  }
0xb3: {  	s29 =	simm.s32 $0x9;
	_ =	strace $0x80000051  }
0xb4: {  	_ =	swait.ge [sflag:s29], $0x1  }
0xb5: {  	[sflag:s29] =	ssyncadd.s32 $0xFFFFFFFF  }
0xb6: {  	_ =	strace $0x90000051  }
0xb7: {  	_ =	sfence  }
0xb8: {  	s30 =	sld [smem:$0x0];
	_ =	sdelay $0x2  }
0xb9: {  	s31 =	sshll.u32 s1, $0xD;
	s1 =	sshrl.u32 s1, $0x2  }
0xba: {  	s3 =	sand.u32 $0x4000, s31;
	s1 =	sadd.s32 s1, s30  }
0xbb: {  	s0 =	sor.u32 s3, s0;
	s1 =	sshll.u32 s1, $0x11  }
0xbc: {  	s0 =	sor.u32 s1, s0  }
0xbd: {  	s0 =	sadd.s32 $0x8F2B, s0  }
0xbe: {  	[sflag:s0] =	ssyncadd.remote.s32 $0x1  }
0xbf: {  	_ =	sfence.sel $0xFFFF  }
0xc0: {  	[dreg:$0x0] =	wrdreg $0xFFFFFFFF;
	(pc) =	sbr.abs _section_cstart, $3  }
0xc1: {  	[dreg:$0x1] =	wrdreg $0xFFFFFFFF  }
0xc2: {  	_ =	task.clear_ibuf [dreg:s7], $0x2FFFF;
	_ =	strace $0x9FFFFFFF  }
0xc3: {  	(tm) =	ssettm $0x7FFFFFFF  }
tec
execute0_lowered:
.L_overlay_start_1:
0x0: {  	(tag) =	ssettag $0x1  }
0x1: {  	s1 =	rddreg [dreg:$0x0]  }
0x2: {  	s5 =	rddreg [dreg:$0x1]  }
0x3: {  	s2 =	rddreg [dreg:$0x2]  }
0x4: {  	s0 =	rddreg [dreg:$0x3];
	s3 =	simm.s32 $0x0  }
0x5: {  	s4 =	srdreg.scid;
	[smem:$0x7FF] =	sst s3  }
0x6: {  	s6 =	sand.u32 $0x1, s4;
	s14 =	sadd.s32 $0x16800, s5;
	_ =	strace $0x80000050  }
0x7: {  	s4 =	sshll.u32 s6, $0x8;
	s7 =	ssub.s32 $0x2, s6;
	s18 =	sshll.u32 s6, $0x4  }
0x8: {  	s16 =	sadd.s32 s4, s5;
	s4 =	stileid.u32;
	s23 =	sshrl.u32 s7, $0x1  }
0x9: {  	s13 =	smul.u32 $0x13C000, s6;
	s9 =	sshll.u32 s4, $0xE;
	s15 =	ssub.s32 s7, s23  }
0xa: {  	s30 =	sshll.u32 s4, $0x4;
	s18 =	sor.u32 s18, s4;
	p0 =	seq.s32 s4, $0xF  }
0xb: {  	s5 =	sadd.s32 s9, s2;
	s10 =	sor.u32 $0x40000, s9;
	s11 =	sor.u32 $0x80000, s9  }
0xc: {  	s12 =	sor.u32 $0xC0000, s9;
	s17 =	sor.u32 $0x100000, s9;
	s19 =	sadd.s32 s9, s13  }
0xd: {  	s15 =	smax.u32 s15, $0x1;
	s31 =	sadd.s32 s30, s16;
	s6 =	sadd.s32 s10, s2  }
0xe: {  	s7 =	sadd.s32 s11, s2;
	s8 =	sadd.s32 s12, s2;
	s9 =	sadd.s32 s17, s2  }
0xf: {  	s19 =	sshrl.u32 s19, $0x3;
	s20 =	sadd.s32 s13, s10;
	s25 =	sadd.s32 s13, s11  }
0x10: {  	s28 =	sadd.s32 s13, s12;
	s17 =	sadd.s32 s13, s17;
	s16 =	sadd.s32 $0xCA00, s31  }
0x11: {  	s10 =	sadd.s32 s14, s19;
	s24 =	sshrl.u32 s20, $0x3;
	s26 =	sshrl.u32 s25, $0x3  }
0x12: {  	s29 =	sshrl.u32 s28, $0x3;
	s17 =	sshrl.u32 s17, $0x3;
	s19 =	simm.s32 $0x100  }
0x13: {  	s20 =	simm.s32 $0x2;
	s11 =	sadd.s32 s14, s24;
	s12 =	sadd.s32 s14, s26  }
0x14: {  	v0 =	vimm.f32 $0.0e+00;
	s13 =	sadd.s32 s14, s29;
	s14 =	sadd.s32 s14, s17;
	s17 =	sadd.s32 $0x2C00, s31  }
.LBB2_1:
0x15: {  	s21 =	simm.s32 $0x0;
	s22 =	simm.s32 $0x200  }
.LBB2_2:
0x16: {  	p1 =	sne.s32 s22, $0xFE00;
	[tilespmem:s21+$0x170] =	vst v0  }
0x17: {  	[tilespmem:s21+$0x100] =	vst v0  }
0x18: {  	[tilespmem:s21+$0x110] =	vst v0  }
.Ltmp0:
0x19: {  	[tilespmem:s21+$0x120] =	vst v0;
	(pc) =	sbr.rel @p1 .LBB2_2-.Ltmp0, $4  }
0x1a: {  	[tilespmem:s21+$0x130] =	vst v0  }
0x1b: {  	[tilespmem:s21+$0x140] =	vst v0  }
0x1c: {  	[tilespmem:s21+$0x150] =	vst v0  }
0x1d: {  	[tilespmem:s21+$0x160] =	vst v0;
	s21 =	sshra.s32 s22, $0x2;
	s22 =	sadd.s32 $0x200, s22  }
0x1e: {  	[tilespmem:s21+$0x170] =	vst v0  }
0x1f: {  	[tilespmem:s21+$0x100] =	vst v0  }
0x20: {  	[tilespmem:s21+$0x110] =	vst v0  }
0x21: {  	[tilespmem:s21+$0x120] =	vst v0  }
0x22: {  	[tilespmem:s21+$0x130] =	vst v0  }
0x23: {  	[tilespmem:s21+$0x140] =	vst v0  }
0x24: {  	[tilespmem:s21+$0x150] =	vst v0  }
0x25: {  	[tilespmem:s21+$0x160] =	vst v0  }
0x26: {  	[spmem:s5] =	stream.linear.scatter [tilespmem:s19], [sflag:$0x2], $0x4000, $0x38;
	[tilespmem:$0x17D00] =	vst v63  }
0x27: {  	_ =	swait.ge [sflag:s20], $0x4000  }
0x28: {  	[sflag:s20] =	ssyncset.done $0x0  }
0x29: {  	[sflag:s20] =	ssyncadd.s32 $0xFFFFC000  }
0x2a: {  	[spmem:s6] =	stream.linear.scatter [tilespmem:s19], [sflag:$0x2], $0x4000, $0x38;
	[tilespmem:$0x17D00] =	vst v63  }
0x2b: {  	_ =	swait.ge [sflag:s20], $0x4000  }
0x2c: {  	[sflag:s20] =	ssyncset.done $0x0  }
0x2d: {  	[sflag:s20] =	ssyncadd.s32 $0xFFFFC000  }
0x2e: {  	[spmem:s7] =	stream.linear.scatter [tilespmem:s19], [sflag:$0x2], $0x4000, $0x38;
	[tilespmem:$0x17D00] =	vst v63  }
0x2f: {  	_ =	swait.ge [sflag:s20], $0x4000  }
0x30: {  	[sflag:s20] =	ssyncset.done $0x0  }
0x31: {  	[sflag:s20] =	ssyncadd.s32 $0xFFFFC000  }
0x32: {  	[spmem:s8] =	stream.linear.scatter [tilespmem:s19], [sflag:$0x2], $0x4000, $0x38;
	[tilespmem:$0x17D00] =	vst v63  }
0x33: {  	_ =	swait.ge [sflag:s20], $0x4000  }
0x34: {  	[sflag:s20] =	ssyncset.done $0x0  }
0x35: {  	s21 =	simm.s32 @!p0 $0x100;
	[sflag:s20] =	ssyncadd.s32 $0xFFFFC000  }
0x36: {  	[spmem:s9] =	stream.linear.scatter @!p0 [tilespmem:s21], [sflag:$0x2], $0x4000, $0x38;
	[tilespmem:$0x17D00] =	vst v63  }
0x37: {  	s21 =	simm.s32 @!p0 $0x2  }
0x38: {  	_ =	swait.ge @!p0 [sflag:s21], $0x4000  }
0x39: {  	p1 =	sgt.u32 s18, $0x9C3;
	[sflag:s21] =	ssyncset.done @!p0 $0x0  }
0x3a: {  	s22 =	simm.s32 @!p1 $0x0;
	[sflag:s21] =	ssyncadd.s32 @!p0 $0xFFFFC000  }
0x3b: {  	s23 =	simm.s32 @!p1 $0x3;
	s21 =	sadd.s32 @!p1 $0x0, s17;
	[bflag:$0x0] =	sbarrier.arrive $0xFFFF  }
0x3c: {  	[tilespmem:s22], [sflag:$0x3] =	stream.linear.gather @!p1 [hbm4b:s21+s22], $0x80, $0x38;
	[tilespmem:$0x17D00] =	vst v63  }
0x3d: {  	_ =	swait.ge @!p1 [sflag:s23], $0x80;
	p1 =	por p1, p1  }
0x3e: {  	[sflag:s23] =	ssyncset.done @!p1 $0x0;
	s21 =	simm.s32 @!p1 $0x1  }
0x3f: {  	s24 =	simm.s32 @!p1 $0x80;
	s25 =	simm.s32 @!p1 $0x100;
	[sflag:s23] =	ssyncadd.s32 @!p1 $0xFFFFFF80  }
0x40: {  	[tilespmem:s25], [sflag:$0x1] =	stream.indirect.gather @!p1 [hbm4b:s1+s24], $0x80, s22, s24, $0xb8;
	[tilespmem:$0x17D00] =	vst v63  }
0x41: {  	_ =	swait.ge @!p1 [sflag:s21], $0x4000  }
0x42: {  	[sflag:s21] =	ssyncset.done @!p1 $0x0  }
0x43: {  	[sflag:s21] =	ssyncadd.s32 @!p1 $0xFFFFC000;
	s21 =	sadd.s32 @!p1 $0x0, s16  }
0x44: {  	[tilespmem:s24], [sflag:$0x3] =	stream.linear.gather @!p1 [hbm4b:s21+s22], $0x80, $0x38;
	[tilespmem:$0x17D00] =	vst v63  }
0x45: {  	_ =	swait.ge @!p1 [sflag:s23], $0x80  }
0x46: {  	[sflag:s23] =	ssyncset.done @!p1 $0x0  }
0x47: {  	[sflag:s23] =	ssyncadd.s32 @!p1 $0xFFFFFF80  }
0x48: {  	[spmem:s2] =	stream.indirect.scatter.add.f32 @!p1 [tilespmem:s25], [sflag:$0x2], $0x80, s24, s24, $0xb8;
	[tilespmem:$0x17D00] =	vst v63  }
0x49: {  	s21 =	simm.s32 $0x200;
	s22 =	sadd.s32 $0x20, s18;
	s24 =	simm.s32 @!p1 $0x2  }
0x4a: {  	p3 =	sgt.u32 s22, $0x9C3;
	s23 =	simm.s32 $0x400;
	_ =	swait.ge @!p1 [sflag:s24], $0x4000  }
.LBB2_4:
0x4b: {  	s25 =	sadd.s32 @!p3 s21, s17  }
0x4c: {  	s26 =	simm.s32 @!p3 $0x0;
	[sflag:s24] =	ssyncset.done @!p1 $0x0;
	s28 =	smov.u32 s23  }
0x4d: {  	s23 =	sadd.s32 $0x200, s23;
	s29 =	simm.s32 @!p3 $0x3;
	[sflag:s24] =	ssyncadd.s32 @!p1 $0xFFFFC000  }
0x4e: {  	[tilespmem:s26], [sflag:$0x3] =	stream.linear.gather @!p3 [hbm4b:s25+s26], $0x80, $0x38;
	[tilespmem:$0x17D00] =	vst v63  }
0x4f: {  	p2 =	sne.s32 s23, $0x9E00;
	p1 =	por p3, p3;
	_ =	swait.ge @!p3 [sflag:s29], $0x80  }
0x50: {  	s24 =	simm.s32 @!p1 $0x1;
	[sflag:s29] =	ssyncset.done @!p1 $0x0  }
0x51: {  	s25 =	simm.s32 @!p1 $0x80;
	s30 =	simm.s32 @!p1 $0x100;
	[sflag:s29] =	ssyncadd.s32 @!p1 $0xFFFFFF80  }
0x52: {  	[tilespmem:s30], [sflag:$0x1] =	stream.indirect.gather @!p1 [hbm4b:s1+s25], $0x80, s26, s25, $0xb8;
	[tilespmem:$0x17D00] =	vst v63  }
0x53: {  	_ =	swait.ge @!p1 [sflag:s24], $0x4000  }
0x54: {  	[sflag:s24] =	ssyncset.done @!p1 $0x0  }
0x55: {  	[sflag:s24] =	ssyncadd.s32 @!p1 $0xFFFFC000;
	s24 =	sadd.s32 @!p1 s21, s16;
	s21 =	smov.u32 s28  }
0x56: {  	[tilespmem:s25], [sflag:$0x3] =	stream.linear.gather @!p1 [hbm4b:s24+s26], $0x80, $0x38;
	[tilespmem:$0x17D00] =	vst v63  }
.Ltmp1:
0x57: {  	_ =	swait.ge @!p1 [sflag:s29], $0x80;
	(pc) =	sbr.rel @p2 .LBB2_4-.Ltmp1, $4  }
0x58: {  	[sflag:s29] =	ssyncset.done @!p1 $0x0  }
0x59: {  	s22 =	sadd.s32 $0x20, s22;
	s24 =	simm.s32 @!p1 $0x2;
	[sflag:s29] =	ssyncadd.s32 @!p1 $0xFFFFFF80  }
0x5a: {  	[spmem:s2] =	stream.indirect.scatter.add.f32 @!p1 [tilespmem:s30], [sflag:$0x2], $0x80, s25, s25, $0xb8;
	[tilespmem:$0x17D00] =	vst v63  }
0x5b: {  	p3 =	sgt.u32 s22, $0x9C3;
	_ =	swait.ge @!p1 [sflag:s24], $0x4000  }
0x5c: {  	s22 =	sadd.s32 @!p3 s21, s17;
	[sflag:s24] =	ssyncset.done @!p1 $0x0  }
0x5d: {  	s23 =	simm.s32 @!p3 $0x0;
	s25 =	simm.s32 @!p3 $0x3;
	[sflag:s24] =	ssyncadd.s32 @!p1 $0xFFFFC000  }
0x5e: {  	[tilespmem:s23], [sflag:$0x3] =	stream.linear.gather @!p3 [hbm4b:s22+s23], $0x80, $0x38;
	[tilespmem:$0x17D00] =	vst v63  }
0x5f: {  	p1 =	por p3, p3;
	_ =	swait.ge @!p3 [sflag:s25], $0x80  }
0x60: {  	s22 =	simm.s32 @!p1 $0x1;
	[sflag:s25] =	ssyncset.done @!p1 $0x0  }
0x61: {  	s24 =	simm.s32 @!p1 $0x80;
	s26 =	simm.s32 @!p1 $0x100;
	[sflag:s25] =	ssyncadd.s32 @!p1 $0xFFFFFF80  }
0x62: {  	[tilespmem:s26], [sflag:$0x1] =	stream.indirect.gather @!p1 [hbm4b:s1+s24], $0x80, s23, s24, $0xb8;
	[tilespmem:$0x17D00] =	vst v63  }
0x63: {  	_ =	swait.ge @!p1 [sflag:s22], $0x4000  }
0x64: {  	[sflag:s22] =	ssyncset.done @!p1 $0x0  }
0x65: {  	s21 =	sadd.s32 @!p1 s21, s16;
	[sflag:s22] =	ssyncadd.s32 @!p1 $0xFFFFC000  }
0x66: {  	[tilespmem:s24], [sflag:$0x3] =	stream.linear.gather @!p1 [hbm4b:s21+s23], $0x80, $0x38;
	[tilespmem:$0x17D00] =	vst v63  }
0x67: {  	_ =	swait.ge @!p1 [sflag:s25], $0x80  }
0x68: {  	[sflag:s25] =	ssyncset.done @!p1 $0x0  }
0x69: {  	s21 =	simm.s32 @!p1 $0x2;
	[sflag:s25] =	ssyncadd.s32 @!p1 $0xFFFFFF80  }
0x6a: {  	[spmem:s2] =	stream.indirect.scatter.add.f32 @!p1 [tilespmem:s26], [sflag:$0x2], $0x80, s24, s24, $0xb8;
	[tilespmem:$0x17D00] =	vst v63  }
0x6b: {  	_ =	swait.ge @!p1 [sflag:s21], $0x4000  }
0x6c: {  	[sflag:s21] =	ssyncset.done @!p1 $0x0  }
0x6d: {  	s26 =	sshll.u32 s4, $0x6;
	[sflag:s21] =	ssyncadd.s32 @!p1 $0xFFFFC000  }
0x6e: {  	s28 =	sshrl.u32 s5, $0x3;
	s21 =	sor.u32 $0x1C02, s26;
	[bflag:$0x0] =	sbarrier.arrive $0xFFFF  }
0x6f: {  	[hbm:s10], [sflag:s21] =	dma.local [spmem:s28], $0x800  }
0x70: {  	_ =	swait.ge [sflag:s20], $0x800  }
0x71: {  	[sflag:s20] =	ssyncset.done $0x0  }
0x72: {  	s29 =	sshrl.u32 s6, $0x3;
	[sflag:s20] =	ssyncadd.s32 $0xFFFFF800  }
0x73: {  	[hbm:s11], [sflag:s21] =	dma.local [spmem:s29], $0x800  }
0x74: {  	_ =	swait.ge [sflag:s20], $0x800  }
0x75: {  	[sflag:s20] =	ssyncset.done $0x0  }
0x76: {  	s30 =	sshrl.u32 s7, $0x3;
	[sflag:s20] =	ssyncadd.s32 $0xFFFFF800  }
0x77: {  	[hbm:s12], [sflag:s21] =	dma.local [spmem:s30], $0x800  }
0x78: {  	_ =	swait.ge [sflag:s20], $0x800  }
0x79: {  	[sflag:s20] =	ssyncset.done $0x0  }
0x7a: {  	s31 =	sshrl.u32 s8, $0x3;
	[sflag:s20] =	ssyncadd.s32 $0xFFFFF800  }
0x7b: {  	[hbm:s13], [sflag:s21] =	dma.local [spmem:s31], $0x800  }
0x7c: {  	_ =	swait.ge [sflag:s20], $0x800  }
0x7d: {  	s3 =	sadd.s32 $0x1, s3;
	[sflag:s20] =	ssyncset.done $0x0  }
0x7e: {  	s22 =	sshrl.u32 @!p0 s9, $0x3;
	p1 =	sne.s32 s3, s15;
	[sflag:s20] =	ssyncadd.s32 $0xFFFFF800  }
0x7f: {  	[hbm:s14], [sflag:s21] =	dma.local @!p0 [spmem:s22], $0x800  }
.Ltmp2:
0x80: {  	_ = 	snop;
	(pc) =	sbr.rel @p1 .LBB2_1-.Ltmp2, $4  }
0x81: {  	s21 =	simm.s32 @!p0 $0x2  }
0x82: {  	_ =	swait.ge @!p0 [sflag:s21], $0x800  }
0x83: {  	[sflag:s21] =	ssyncset.done @!p0 $0x0  }
0x84: {  	[sflag:s21] =	ssyncadd.s32 @!p0 $0xFFFFF800  }
0x85: {  	_ =	sfence.sel $0x180000  }
0x86: {  	[bflag:$0x0] =	sbarrier.arrive $0xFFFF  }
0x87: {  	p0 =	sne.s32 s4, $0x0;
	_ =	strace $0x90000050  }
0x88: {  	s0 =	sadd.s32 @!p0 $0x100000, s0;
	[bflag:$0x2] =	sbarrier.arrive $0xFFFF  }
0x89: {  	[sflag:s0] =	ssyncadd.tile.s32 @!p0 $0x1;
	_ =	shalt  }
.Lfunc_end2:
_tile_overlayer_lowered:
.L_overlay_start_2:
0x8a: {  	(tag) =	ssettag $0x2  }
0x8b: {  	s0 =	rddreg [dreg:$0x0];
	s2 =	stileid.u32  }
0x8c: {  	s1 =	rddreg [dreg:$0x1];
	p0 =	sne.s32 s2, $0x0  }
0x8d: {  	s3 =	rddreg [dreg:$0x2];
	[bflag:$0x3] =	sbarrier.arrive $0xFFFF;
	s2 =	simm.s32 @!p0 $0x1C02  }
0x8e: {  	[timem:s3], [sflag:s2] =	dma.local @!p0 [hbm:s0], s1  }
0x8f: {  	s0 =	simm.s32 @!p0 $0x2  }
0x90: {  	_ =	swait.ge @!p0 [sflag:s0], s1  }
0x91: {  	s1 =	ssub.s32 @!p0 $0x0, s1;
	[sflag:s0] =	ssyncset.done @!p0 $0x0  }
0x92: {  	[sflag:s0] =	ssyncadd.s32 @!p0 s1  }
0x93: {  	[bflag:$0x3] =	sbarrier.arrive $0xFFFF  }
0x94: {  	_ =	shalt  }

</sc_bundles>
